<compile_context>
chip_gen: v7x
topology: tpu7x:2x2x1
jax: 0.10.2.dev20260603
libtpu: 0.0.44.dev20260713+nightly
codegen_flags: <defaults>
</compile_context>

<pallas_src>
import functools

import jax
import jax.numpy as jnp
from jax import lax
from jax.experimental import pallas as pl
from jax.experimental.pallas import tpu as pltpu
from jax.experimental.pallas import tpu_sc as plsc

N, K, H = 10000, 32, 128
NC, NS = 2, 16
NW = NC * NS
NPW = 320
NPAD = NW * NPW
CH = 2
NCHUNK = NPW // CH
HV = H // 16
RB = 1000
RPS = NPAD // NS
SLAB = 64


def _tc1_body(x_ref, w1t_ref, w1b_ref, u1t_ref, u1b_ref, b1_ref, b2_ref, ub1_ref,
              a_ref, b_ref, t1_ref):
    x = x_ref[...]
    cb = jnp.dot(b2_ref[...], u1b_ref[...],
                 preferred_element_type=jnp.float32) + ub1_ref[...]
    a_ref[...] = jnp.dot(x, w1t_ref[...], preferred_element_type=jnp.float32) + b1_ref[...]
    b_ref[...] = jnp.dot(x, w1b_ref[...], preferred_element_type=jnp.float32)
    t1_ref[...] = jnp.dot(x, u1t_ref[...], preferred_element_type=jnp.float32) + cb


def _tc2_body(t1_ref, s_ref, x_ref, lb_ref, mw2_ref, u1b_ref, w2_ref, b2_ref, g_ref, be_ref,
              o_ref):
    wm = jnp.dot(mw2_ref[...], u1b_ref[...],
                 preferred_element_type=jnp.float32) * (1.0 / K)
    h = t1_ref[...] + jnp.dot(s_ref[...], wm, preferred_element_type=jnp.float32)
    h = h / (1.0 + jnp.exp(-h))
    u = jnp.dot(h, w2_ref[...], preferred_element_type=jnp.float32) + b2_ref[...]
    y = x_ref[...] + u + lb_ref[...]
    mu = jnp.mean(y, axis=1, keepdims=True)
    yc = y - mu
    var = jnp.mean(yc * yc, axis=1, keepdims=True)
    o_ref[...] = yc * lax.rsqrt(var + 1e-5) * g_ref[...] + be_ref[...]


_row_spec = pl.BlockSpec((RB, H), lambda i: (i, 0))
_w_spec = pl.BlockSpec((H, H), lambda i: (0, 0))
_wtop_spec = pl.BlockSpec((H, H), lambda i: (0, 0))
_wbot_spec = pl.BlockSpec((H, H), lambda i: (1, 0))
_b_spec = pl.BlockSpec((1, H), lambda i: (0, 0))

_tc1 = pl.pallas_call(
    _tc1_body,
    grid=(N // RB,),
    in_specs=[_row_spec, _wtop_spec, _wbot_spec, _wtop_spec, _wbot_spec,
              _b_spec, _b_spec, _b_spec],
    out_specs=[_row_spec, _row_spec, _row_spec],
    out_shape=[jax.ShapeDtypeStruct((NPAD, H), jnp.float32)] * 3,
)

_tc2 = pl.pallas_call(
    _tc2_body,
    grid=(N // RB,),
    in_specs=[_row_spec, _row_spec, _row_spec, _row_spec,
              _w_spec, _wbot_spec, _w_spec, _b_spec, _b_spec, _b_spec],
    out_specs=_row_spec,
    out_shape=jax.ShapeDtypeStruct((N, H), jnp.float32),
)

_sc_mesh = plsc.VectorSubcoreMesh(core_axis_name="c", subcore_axis_name="s")


@functools.partial(
    pl.kernel,
    out_type=jax.ShapeDtypeStruct((NPAD, H), jnp.float32),
    mesh=_sc_mesh,
    scratch_types=[
        pltpu.VMEM((NCHUNK, CH * K), jnp.int32),
        pltpu.VMEM((SLAB, H), jnp.float32),
        pltpu.VMEM((2, CH * K, H), jnp.float32),
        pltpu.VMEM((2, CH, H), jnp.float32),
        pltpu.VMEM_SHARED((NPAD, H), jnp.float32),
        pltpu.SemaphoreType.DMA,
        pltpu.SemaphoreType.DMA,
        pltpu.SemaphoreType.DMA,
        pltpu.SemaphoreType.DMA,
    ],
)
def _sc_gather_silu_sum(a_hbm, b_hbm, idx_hbm, out_hbm,
                        idx_v, a_v, rows_v, acc_v, b_sp,
                        gsem0, gsem1, osem0, osem1):
    sub = lax.axis_index("s")
    wid = sub * NC + lax.axis_index("c")
    base = wid * NPW

    pltpu.sync_copy(b_hbm.at[pl.ds(sub * RPS, RPS)],
                    b_sp.at[pl.ds(sub * RPS, RPS)])
    pltpu.sync_copy(idx_hbm.at[wid], idx_v)
    pltpu.sync_copy(a_hbm.at[pl.ds(base, SLAB)], a_v)
    plsc.subcore_barrier()

    gsems = (gsem0, gsem1)
    osems = (osem0, osem1)

    pltpu.async_copy(b_sp.at[idx_v.at[0]], rows_v.at[0], gsem0)

    def compute_chunk(c, rbuf, abuf):
        for n in range(CH):
            node = (c % (SLAB // CH)) * CH + n
            a_vecs = [a_v[node, pl.ds(16 * h, 16)] for h in range(HV)]

            def kbody(k, accs):
                out = list(accs)
                for dk in range(2):
                    r = n * K + 2 * k + dk
                    for h in range(HV):
                        row = rbuf[r, pl.ds(16 * h, 16)]
                        sv = a_vecs[h] + row
                        out[h] = out[h] + sv / (1.0 + jnp.exp(-sv))
                return tuple(out)

            accs = lax.fori_loop(
                0, K // 2, kbody,
                tuple(jnp.zeros((16,), jnp.float32) for _ in range(HV)))
            for h in range(HV):
                abuf[n, pl.ds(16 * h, 16)] = accs[h]

    def pair_fn(p, carry):
        for b in range(2):
            c = 2 * p + b

            @pl.when(jnp.logical_and(c % (SLAB // CH) == 0, c > 0))
            def _():
                pltpu.sync_copy(
                    a_hbm.at[pl.ds(base + (c // (SLAB // CH)) * SLAB, SLAB)],
                    a_v)

            @pl.when(c + 1 < NCHUNK)
            def _():
                pltpu.async_copy(b_sp.at[idx_v.at[c + 1]], rows_v.at[1 - b],
                                 gsems[1 - b])

            pltpu.make_async_copy(b_sp.at[idx_v.at[c]], rows_v.at[b],
                                  gsems[b]).wait()

            @pl.when(c >= 2)
            def _():
                pltpu.make_async_copy(acc_v.at[b], out_hbm.at[pl.ds(0, CH)],
                                      osems[b]).wait()

            compute_chunk(c, rows_v.at[b], acc_v.at[b])
            pltpu.async_copy(acc_v.at[b], out_hbm.at[pl.ds(base + c * CH, CH)],
                             osems[b])
        return carry

    lax.fori_loop(0, NCHUNK // 2, pair_fn, 0)
    pltpu.make_async_copy(acc_v.at[0], out_hbm.at[pl.ds(0, CH)], osem0).wait()
    pltpu.make_async_copy(acc_v.at[1], out_hbm.at[pl.ds(0, CH)], osem1).wait()


def kernel(x, lat_bias, knn_idx, msg_W1, msg_b1, msg_W2, msg_b2,
           upd_W1, upd_b1, upd_W2, upd_b2, ln_gamma, ln_beta):
    x2 = x[0]
    idx3 = jnp.pad(knn_idx, ((0, NPAD - N), (0, 0))).reshape(NW, NCHUNK, CH * K)

    A, B, T1 = _tc1(x2, msg_W1, msg_W1, upd_W1, upd_W1,
                    msg_b1[None], msg_b2[None], upd_b1[None])
    S = _sc_gather_silu_sum(A, B, idx3)
    out = _tc2(T1, S, x2, lat_bias[0], msg_W2, upd_W1, upd_W2, upd_b2[None],
               ln_gamma[None], ln_beta[None])
    return out[None]

# --- scband reference (transcript-rebuilt; emitter-appended) ---
"""Pipeline reference for scband-gnnblock-69690139345480 (READ-ONLY COPY).

The authoritative reference and input builder live on the scoring server;
editing this copy changes nothing except your own understanding.
"""

import jax, jax.numpy as jnp
import numpy as np

B, N, K, H = 1, 10000, 32, 128


def silu(v):
    return v * jax.nn.sigmoid(v)


def setup_inputs(seed: int = 0) -> dict:
    key = jax.random.key(seed)
    ks = jax.random.split(key, 12)
    x = jax.random.normal(ks[0], (B, N, H), dtype=jnp.float32)
    lat_bias = jax.random.normal(ks[1], (B, N, H), dtype=jnp.float32)
    knn_idx = jax.random.randint(ks[2], (N, K), 0, N, dtype=jnp.int32)
    msg_W1 = jax.random.normal(ks[3], (2 * H, H), dtype=jnp.float32) * (1.0 / np.sqrt(2 * H))
    msg_b1 = jnp.zeros((H,), dtype=jnp.float32)
    msg_W2 = jax.random.normal(ks[4], (H, H), dtype=jnp.float32) * (1.0 / np.sqrt(H))
    msg_b2 = jnp.zeros((H,), dtype=jnp.float32)
    upd_W1 = jax.random.normal(ks[5], (2 * H, H), dtype=jnp.float32) * (1.0 / np.sqrt(2 * H))
    upd_b1 = jnp.zeros((H,), dtype=jnp.float32)
    upd_W2 = jax.random.normal(ks[6], (H, H), dtype=jnp.float32) * (1.0 / np.sqrt(H))
    upd_b2 = jnp.zeros((H,), dtype=jnp.float32)
    ln_gamma = jnp.ones((H,), dtype=jnp.float32)
    ln_beta = jnp.zeros((H,), dtype=jnp.float32)
    return {
        'x': x, 'lat_bias': lat_bias, 'knn_idx': knn_idx,
        'msg_W1': msg_W1, 'msg_b1': msg_b1, 'msg_W2': msg_W2, 'msg_b2': msg_b2,
        'upd_W1': upd_W1, 'upd_b1': upd_b1, 'upd_W2': upd_W2, 'upd_b2': upd_b2,
        'ln_gamma': ln_gamma, 'ln_beta': ln_beta,
    }


def reference(x, lat_bias, knn_idx, msg_W1, msg_b1, msg_W2, msg_b2, upd_W1, upd_b1, upd_W2, upd_b2, ln_gamma, ln_beta):
    # neighbors = x[:, knn_idx] : gather -> [B, N, K, H]
    neighbors = x[:, knn_idx]
    center = jnp.broadcast_to(x[:, :, None, :], neighbors.shape)
    m_in = jnp.concatenate([center, neighbors], axis=-1)  # [B, N, K, 2H]
    m = silu(m_in @ msg_W1 + msg_b1) @ msg_W2 + msg_b2
    messages = jnp.mean(m, axis=2)  # [B, N, H]
    u_in = jnp.concatenate([x, messages], axis=-1)  # [B, N, 2H]
    u = silu(u_in @ upd_W1 + upd_b1) @ upd_W2 + upd_b2
    # dropout is identity in eval mode
    updated = u + lat_bias
    y = x + updated
    mu = jnp.mean(y, axis=-1, keepdims=True)
    var = jnp.mean((y - mu) ** 2, axis=-1, keepdims=True)
    return (y - mu) / jnp.sqrt(var + 1e-5) * ln_gamma + ln_beta

if __name__ == "__main__":
    import jax
    _d = setup_inputs()
    print(jax.jit(kernel)(*tuple(_d.values())))

</pallas_src>

<mosaic_0001>
#map = affine_map<(d0, d1) -> (0, 0)>
#map1 = affine_map<(d0, d1) -> (0, 0, 0)>
module attributes {stable_mosaic.version = 14 : i64} {
  func.func @_sc_gather_silu_sum(%arg0: i32, %arg1: i32, %arg2: memref<10240x128xf32, #tpu.memory_space<hbm>>, %arg3: memref<10240x128xf32, #tpu.memory_space<hbm>>, %arg4: memref<32x160x64xi32, #tpu.memory_space<hbm>>, %arg5: memref<10240x128xf32, #tpu.memory_space<hbm>>, %arg6: memref<160x64xi32, #tpu.memory_space<vmem>>, %arg7: memref<64x128xf32, #tpu.memory_space<vmem>>, %arg8: memref<2x64x128xf32, #tpu.memory_space<vmem>>, %arg9: memref<2x2x128xf32, #tpu.memory_space<vmem>>, %arg10: memref<10240x128xf32, #tpu.memory_space<vmem_shared>>, %arg11: memref<!tpu.dma_semaphore, #tpu.memory_space<semaphore_mem>>, %arg12: memref<!tpu.dma_semaphore, #tpu.memory_space<semaphore_mem>>, %arg13: memref<!tpu.dma_semaphore, #tpu.memory_space<semaphore_mem>>, %arg14: memref<!tpu.dma_semaphore, #tpu.memory_space<semaphore_mem>>) attributes {dimension_semantics = [#tpu.dimension_semantics<core_parallel>, #tpu.dimension_semantics<subcore_parallel>], iteration_bounds = array<i64: 2, 16>, scalar_prefetch = 0 : i64, scratch_operands = 9 : i64, tpu.core_type = #tpu.core_type<sc_vector_subcore>, window_params = [{transform_indices = #map}, {transform_indices = #map}, {transform_indices = #map1}, {transform_indices = #map}]} {
    %mul3A = arith.constant 2 : i32
    %mul3A_0 = arith.muli %arg1, %mul3A : i32
    %add3A = arith.addi %mul3A_0, %arg0 : i32
    %mul3A_1 = arith.constant 320 : i32
    %mul3A_2 = arith.muli %add3A, %mul3A_1 : i32
    %mul3A_3 = arith.constant 640 : i32
    %mul3A_4 = arith.muli %arg1, %mul3A_3 : i32
    %mul3A_5 = arith.constant 640 : i32
    %mul3A_6 = arith.muli %arg1, %mul3A_5 : i32
    "tpu.region"() ({
      %run_scoped3A = tpu.sem_alloc : memref<!tpu.dma_semaphore, #tpu.memory_space<semaphore_mem>>
      %dma_start3A_52 = arith.constant 0 : i32
      %dma_start3A_53 = tpu.memref_slice %arg10[%mul3A_6, %dma_start3A_52] : memref<10240x128xf32, #tpu.memory_space<vmem_shared>> -> memref<640x128xf32, #tpu.memory_space<vmem_shared>>
      %dma_start3A_54 = arith.constant 0 : i32
      %dma_start3A_55 = tpu.memref_slice %arg3[%mul3A_4, %dma_start3A_54] : memref<10240x128xf32, #tpu.memory_space<hbm>> -> memref<640x128xf32, #tpu.memory_space<hbm>>
      tpu.enqueue_dma source(%dma_start3A_55 : memref<640x128xf32, #tpu.memory_space<hbm>>) target(%dma_start3A_53 : memref<640x128xf32, #tpu.memory_space<vmem_shared>>) target_semaphore(%run_scoped3A : memref<!tpu.dma_semaphore, #tpu.memory_space<semaphore_mem>>)
      %dma_wait3A_56 = arith.constant 0 : i32
      %dma_wait3A_57 = tpu.memref_slice %arg10[%mul3A_6, %dma_wait3A_56] : memref<10240x128xf32, #tpu.memory_space<vmem_shared>> -> memref<640x128xf32, #tpu.memory_space<vmem_shared>>
      %dma_wait3A_58 = arith.constant 0 : i32
      %dma_wait3A_59 = tpu.memref_slice %arg3[%mul3A_4, %dma_wait3A_58] : memref<10240x128xf32, #tpu.memory_space<hbm>> -> memref<640x128xf32, #tpu.memory_space<hbm>>
      tpu.wait_dma2 semaphore(%run_scoped3A : memref<!tpu.dma_semaphore, #tpu.memory_space<semaphore_mem>>) src(%dma_wait3A_59 : memref<640x128xf32, #tpu.memory_space<hbm>>) dst(%dma_wait3A_57 : memref<640x128xf32, #tpu.memory_space<vmem_shared>>)
      tpu.yield
    }) : () -> ()
    "tpu.region"() ({
      %run_scoped3A = tpu.sem_alloc : memref<!tpu.dma_semaphore, #tpu.memory_space<semaphore_mem>>
      %dma_start3A_52 = arith.constant 0 : i32
      %dma_start3A_53 = arith.constant 0 : i32
      %dma_start3A_54 = tpu.memref_slice %arg4[%add3A, %dma_start3A_52, %dma_start3A_53] : memref<32x160x64xi32, #tpu.memory_space<hbm>> -> memref<1x160x64xi32, #tpu.memory_space<hbm>>
      %dma_start3A_55 = tpu.memref_squeeze %dma_start3A_54 : memref<1x160x64xi32, #tpu.memory_space<hbm>> -> memref<160x64xi32, #tpu.memory_space<hbm>>
      %dma_start3A_56 = arith.constant 0 : i32
      %dma_start3A_57 = arith.constant 0 : i32
      %dma_start3A_58 = tpu.memref_slice %arg4[%add3A, %dma_start3A_56, %dma_start3A_57] : memref<32x160x64xi32, #tpu.memory_space<hbm>> -> memref<1x160x64xi32, #tpu.memory_space<hbm>>
      %dma_start3A_59 = tpu.memref_squeeze %dma_start3A_58 : memref<1x160x64xi32, #tpu.memory_space<hbm>> -> memref<160x64xi32, #tpu.memory_space<hbm>>
      tpu.enqueue_dma source(%dma_start3A_59 : memref<160x64xi32, #tpu.memory_space<hbm>>) target(%arg6 : memref<160x64xi32, #tpu.memory_space<vmem>>) target_semaphore(%run_scoped3A : memref<!tpu.dma_semaphore, #tpu.memory_space<semaphore_mem>>)
      %dma_wait3A_60 = arith.constant 0 : i32
      %dma_wait3A_61 = arith.constant 0 : i32
      %dma_wait3A_62 = tpu.memref_slice %arg4[%add3A, %dma_wait3A_60, %dma_wait3A_61] : memref<32x160x64xi32, #tpu.memory_space<hbm>> -> memref<1x160x64xi32, #tpu.memory_space<hbm>>
      %dma_wait3A_63 = tpu.memref_squeeze %dma_wait3A_62 : memref<1x160x64xi32, #tpu.memory_space<hbm>> -> memref<160x64xi32, #tpu.memory_space<hbm>>
      %dma_wait3A_64 = arith.constant 0 : i32
      %dma_wait3A_65 = arith.constant 0 : i32
      %dma_wait3A_66 = tpu.memref_slice %arg4[%add3A, %dma_wait3A_64, %dma_wait3A_65] : memref<32x160x64xi32, #tpu.memory_space<hbm>> -> memref<1x160x64xi32, #tpu.memory_space<hbm>>
      %dma_wait3A_67 = tpu.memref_squeeze %dma_wait3A_66 : memref<1x160x64xi32, #tpu.memory_space<hbm>> -> memref<160x64xi32, #tpu.memory_space<hbm>>
      tpu.wait_dma2 semaphore(%run_scoped3A : memref<!tpu.dma_semaphore, #tpu.memory_space<semaphore_mem>>) src(%dma_wait3A_67 : memref<160x64xi32, #tpu.memory_space<hbm>>) dst(%arg6 : memref<160x64xi32, #tpu.memory_space<vmem>>)
      tpu.yield
    }) : () -> ()
    "tpu.region"() ({
      %run_scoped3A = tpu.sem_alloc : memref<!tpu.dma_semaphore, #tpu.memory_space<semaphore_mem>>
      %dma_start3A_52 = arith.constant 0 : i32
      %dma_start3A_53 = tpu.memref_slice %arg2[%mul3A_2, %dma_start3A_52] : memref<10240x128xf32, #tpu.memory_space<hbm>> -> memref<64x128xf32, #tpu.memory_space<hbm>>
      %dma_start3A_54 = arith.constant 0 : i32
      %dma_start3A_55 = tpu.memref_slice %arg2[%mul3A_2, %dma_start3A_54] : memref<10240x128xf32, #tpu.memory_space<hbm>> -> memref<64x128xf32, #tpu.memory_space<hbm>>
      tpu.enqueue_dma source(%dma_start3A_55 : memref<64x128xf32, #tpu.memory_space<hbm>>) target(%arg7 : memref<64x128xf32, #tpu.memory_space<vmem>>) target_semaphore(%run_scoped3A : memref<!tpu.dma_semaphore, #tpu.memory_space<semaphore_mem>>)
      %dma_wait3A_56 = arith.constant 0 : i32
      %dma_wait3A_57 = tpu.memref_slice %arg2[%mul3A_2, %dma_wait3A_56] : memref<10240x128xf32, #tpu.memory_space<hbm>> -> memref<64x128xf32, #tpu.memory_space<hbm>>
      %dma_wait3A_58 = arith.constant 0 : i32
      %dma_wait3A_59 = tpu.memref_slice %arg2[%mul3A_2, %dma_wait3A_58] : memref<10240x128xf32, #tpu.memory_space<hbm>> -> memref<64x128xf32, #tpu.memory_space<hbm>>
      tpu.wait_dma2 semaphore(%run_scoped3A : memref<!tpu.dma_semaphore, #tpu.memory_space<semaphore_mem>>) src(%dma_wait3A_59 : memref<64x128xf32, #tpu.memory_space<hbm>>) dst(%arg7 : memref<64x128xf32, #tpu.memory_space<vmem>>)
      tpu.yield
    }) : () -> ()
    %barrier3A = arith.constant 0 : index
    tpu.barrier barrier_id(%barrier3A)
    %dma_start3A = arith.constant 0 : i32
    %dma_start3A_7 = arith.constant 0 : i32
    %dma_start3A_8 = arith.constant 0 : i32
    %dma_start3A_9 = arith.constant 0 : i32
    %dma_start3A_10 = tpu.memref_slice %arg8[%dma_start3A_7, %dma_start3A_8, %dma_start3A_9] : memref<2x64x128xf32, #tpu.memory_space<vmem>> -> memref<1x64x128xf32, #tpu.memory_space<vmem>>
    %dma_start3A_11 = tpu.memref_squeeze %dma_start3A_10 : memref<1x64x128xf32, #tpu.memory_space<vmem>> -> memref<64x128xf32, #tpu.memory_space<vmem>>
    %dma_start3A_12 = arith.constant 0 : i32
    %dma_start3A_13 = tpu.memref_slice %arg6[%dma_start3A, %dma_start3A_12] : memref<160x64xi32, #tpu.memory_space<vmem>> -> memref<1x64xi32, #tpu.memory_space<vmem>>
    %dma_start3A_14 = tpu.memref_squeeze %dma_start3A_13 : memref<1x64xi32, #tpu.memory_space<vmem>> -> memref<64xi32, #tpu.memory_space<vmem>>
    %dma_start3A_15 = arith.constant 0 : i32
    %dma_start3A_16 = arith.constant 0 : i32
    %dma_start3A_17 = tpu.memref_slice %arg10[%dma_start3A_15, %dma_start3A_16] : memref<10240x128xf32, #tpu.memory_space<vmem_shared>> -> memref<10240x128xf32, #tpu.memory_space<vmem_shared>>
    tpu.enqueue_indirect_dma source(%dma_start3A_17 : memref<10240x128xf32, #tpu.memory_space<vmem_shared>>) target(%dma_start3A_11 : memref<64x128xf32, #tpu.memory_space<vmem>>) offsets(%dma_start3A_14 : memref<64xi32, #tpu.memory_space<vmem>>) semaphore(%arg11 : memref<!tpu.dma_semaphore, #tpu.memory_space<semaphore_mem>>)
    %scan3A = arith.constant 0 : i32
    %scan3A_18 = arith.constant 0 : i32
    %scan3A_19 = arith.constant 80 : i32
    %scan3A_20 = arith.addi %scan3A_18, %scan3A_19 : i32
    %scan3A_21 = arith.constant 1 : i32
    scf.for %scan3A_52 = %scan3A_18 to %scan3A_20 step %scan3A_21  : i32 {
      %mul3A_53 = arith.constant 2 : i32
      %mul3A_54 = arith.muli %mul3A_53, %scan3A_52 : i32
      %add3A_55 = arith.constant 0 : i32
      %add3A_56 = arith.addi %mul3A_54, %add3A_55 : i32
      %jit3A = arith.constant 32 : i32
      %eq3A = arith.constant 0 : i32
      %eq3A_57 = arith.cmpi eq, %jit3A, %eq3A : i32
      %jit3A_58 = arith.constant 1 : i32
      %select_n3A = arith.select %eq3A_57, %jit3A_58, %jit3A : i32
      %rem3A = arith.remsi %add3A_56, %select_n3A : i32
      %ne3A = arith.constant 0 : i32
      %ne3A_59 = arith.cmpi ne, %rem3A, %ne3A : i32
      %lt3A = arith.constant 0 : i32
      %lt3A_60 = arith.cmpi slt, %rem3A, %lt3A : i32
      %lt3A_61 = arith.constant 0 : i32
      %lt3A_62 = arith.cmpi slt, %select_n3A, %lt3A_61 : i32
      %ne3A_63 = arith.xori %lt3A_60, %lt3A_62 : i1
      %and3A = arith.andi %ne3A_63, %ne3A_59 : i1
      %add3A_64 = arith.addi %rem3A, %select_n3A : i32
      %select_n3A_65 = arith.select %and3A, %add3A_64, %rem3A : i32
      %eq3A_66 = arith.constant 0 : i32
      %eq3A_67 = arith.cmpi eq, %select_n3A_65, %eq3A_66 : i32
      %gt3A = arith.constant 0 : i32
      %gt3A_68 = arith.cmpi sgt, %add3A_56, %gt3A : i32
      %and3A_69 = arith.andi %eq3A_67, %gt3A_68 : i1
      %convert_element_type3A = arith.extui %and3A_69 : i1 to i32
      %cond3A = arith.constant 0 : i32
      %cond3A_70 = arith.cmpi ne, %convert_element_type3A, %cond3A : i32
      scf.if %cond3A_70 {
        %jit3A_825 = arith.constant 32 : i32
        %div3A = arith.divsi %add3A_56, %jit3A_825 : i32
        %sign3A = arith.constant 0 : i32
        %sign3A_826 = arith.cmpi sgt, %add3A_56, %sign3A : i32
        %sign3A_827 = arith.extui %sign3A_826 : i1 to i32
        %sign3A_828 = arith.constant 0 : i32
        %sign3A_829 = arith.cmpi slt, %add3A_56, %sign3A_828 : i32
        %sign3A_830 = arith.extui %sign3A_829 : i1 to i32
        %sign3A_831 = arith.subi %sign3A_827, %sign3A_830 : i32
        %sign3A_832 = arith.constant 0 : i32
        %sign3A_833 = arith.cmpi sgt, %jit3A_825, %sign3A_832 : i32
        %sign3A_834 = arith.extui %sign3A_833 : i1 to i32
        %sign3A_835 = arith.constant 0 : i32
        %sign3A_836 = arith.cmpi slt, %jit3A_825, %sign3A_835 : i32
        %sign3A_837 = arith.extui %sign3A_836 : i1 to i32
        %sign3A_838 = arith.subi %sign3A_834, %sign3A_837 : i32
        %ne3A_839 = arith.cmpi ne, %sign3A_831, %sign3A_838 : i32
        %rem3A_840 = arith.remsi %add3A_56, %jit3A_825 : i32
        %ne3A_841 = arith.constant 0 : i32
        %ne3A_842 = arith.cmpi ne, %rem3A_840, %ne3A_841 : i32
        %and3A_843 = arith.andi %ne3A_839, %ne3A_842 : i1
        %sub3A = arith.constant 1 : i32
        %sub3A_844 = arith.subi %div3A, %sub3A : i32
        %select_n3A_845 = arith.select %and3A_843, %sub3A_844, %div3A : i32
        %mul3A_846 = arith.constant 64 : i32
        %mul3A_847 = arith.muli %select_n3A_845, %mul3A_846 : i32
        %add3A_848 = arith.addi %mul3A_2, %mul3A_847 : i32
        "tpu.region"() ({
          %run_scoped3A = tpu.sem_alloc : memref<!tpu.dma_semaphore, #tpu.memory_space<semaphore_mem>>
          %dma_start3A_849 = arith.constant 0 : i32
          %dma_start3A_850 = tpu.memref_slice %arg2[%add3A_848, %dma_start3A_849] : memref<10240x128xf32, #tpu.memory_space<hbm>> -> memref<64x128xf32, #tpu.memory_space<hbm>>
          %dma_start3A_851 = arith.constant 0 : i32
          %dma_start3A_852 = tpu.memref_slice %arg2[%add3A_848, %dma_start3A_851] : memref<10240x128xf32, #tpu.memory_space<hbm>> -> memref<64x128xf32, #tpu.memory_space<hbm>>
          tpu.enqueue_dma source(%dma_start3A_852 : memref<64x128xf32, #tpu.memory_space<hbm>>) target(%arg7 : memref<64x128xf32, #tpu.memory_space<vmem>>) target_semaphore(%run_scoped3A : memref<!tpu.dma_semaphore, #tpu.memory_space<semaphore_mem>>)
          %dma_wait3A_853 = arith.constant 0 : i32
          %dma_wait3A_854 = tpu.memref_slice %arg2[%add3A_848, %dma_wait3A_853] : memref<10240x128xf32, #tpu.memory_space<hbm>> -> memref<64x128xf32, #tpu.memory_space<hbm>>
          %dma_wait3A_855 = arith.constant 0 : i32
          %dma_wait3A_856 = tpu.memref_slice %arg2[%add3A_848, %dma_wait3A_855] : memref<10240x128xf32, #tpu.memory_space<hbm>> -> memref<64x128xf32, #tpu.memory_space<hbm>>
          tpu.wait_dma2 semaphore(%run_scoped3A : memref<!tpu.dma_semaphore, #tpu.memory_space<semaphore_mem>>) src(%dma_wait3A_856 : memref<64x128xf32, #tpu.memory_space<hbm>>) dst(%arg7 : memref<64x128xf32, #tpu.memory_space<vmem>>)
          tpu.yield
        }) : () -> ()
      } else {
      }
      %add3A_71 = arith.constant 1 : i32
      %add3A_72 = arith.addi %add3A_56, %add3A_71 : i32
      %lt3A_73 = arith.constant 160 : i32
      %lt3A_74 = arith.cmpi slt, %add3A_72, %lt3A_73 : i32
      %convert_element_type3A_75 = arith.extui %lt3A_74 : i1 to i32
      %cond3A_76 = arith.constant 0 : i32
      %cond3A_77 = arith.cmpi ne, %convert_element_type3A_75, %cond3A_76 : i32
      scf.if %cond3A_77 {
        %add3A_825 = arith.constant 1 : i32
        %add3A_826 = arith.addi %add3A_56, %add3A_825 : i32
        %dma_start3A_827 = arith.constant 1 : i32
        %dma_start3A_828 = arith.constant 0 : i32
        %dma_start3A_829 = arith.constant 0 : i32
        %dma_start3A_830 = tpu.memref_slice %arg8[%dma_start3A_827, %dma_start3A_828, %dma_start3A_829] : memref<2x64x128xf32, #tpu.memory_space<vmem>> -> memref<1x64x128xf32, #tpu.memory_space<vmem>>
        %dma_start3A_831 = tpu.memref_squeeze %dma_start3A_830 : memref<1x64x128xf32, #tpu.memory_space<vmem>> -> memref<64x128xf32, #tpu.memory_space<vmem>>
        %dma_start3A_832 = arith.constant 0 : i32
        %dma_start3A_833 = tpu.memref_slice %arg6[%add3A_826, %dma_start3A_832] : memref<160x64xi32, #tpu.memory_space<vmem>> -> memref<1x64xi32, #tpu.memory_space<vmem>>
        %dma_start3A_834 = tpu.memref_squeeze %dma_start3A_833 : memref<1x64xi32, #tpu.memory_space<vmem>> -> memref<64xi32, #tpu.memory_space<vmem>>
        %dma_start3A_835 = arith.constant 0 : i32
        %dma_start3A_836 = arith.constant 0 : i32
        %dma_start3A_837 = tpu.memref_slice %arg10[%dma_start3A_835, %dma_start3A_836] : memref<10240x128xf32, #tpu.memory_space<vmem_shared>> -> memref<10240x128xf32, #tpu.memory_space<vmem_shared>>
        tpu.enqueue_indirect_dma source(%dma_start3A_837 : memref<10240x128xf32, #tpu.memory_space<vmem_shared>>) target(%dma_start3A_831 : memref<64x128xf32, #tpu.memory_space<vmem>>) offsets(%dma_start3A_834 : memref<64xi32, #tpu.memory_space<vmem>>) semaphore(%arg12 : memref<!tpu.dma_semaphore, #tpu.memory_space<semaphore_mem>>)
      } else {
      }
      %dma_wait3A_78 = arith.constant 0 : i32
      %dma_wait3A_79 = arith.constant 0 : i32
      %dma_wait3A_80 = arith.constant 0 : i32
      %dma_wait3A_81 = tpu.memref_slice %arg8[%dma_wait3A_78, %dma_wait3A_79, %dma_wait3A_80] : memref<2x64x128xf32, #tpu.memory_space<vmem>> -> memref<1x64x128xf32, #tpu.memory_space<vmem>>
      %dma_wait3A_82 = tpu.memref_squeeze %dma_wait3A_81 : memref<1x64x128xf32, #tpu.memory_space<vmem>> -> memref<64x128xf32, #tpu.memory_space<vmem>>
      %dma_wait3A_83 = arith.constant 0 : i32
      %dma_wait3A_84 = tpu.memref_slice %arg6[%add3A_56, %dma_wait3A_83] : memref<160x64xi32, #tpu.memory_space<vmem>> -> memref<1x64xi32, #tpu.memory_space<vmem>>
      %dma_wait3A_85 = tpu.memref_squeeze %dma_wait3A_84 : memref<1x64xi32, #tpu.memory_space<vmem>> -> memref<64xi32, #tpu.memory_space<vmem>>
      %dma_wait3A_86 = arith.constant 0 : i32
      %dma_wait3A_87 = arith.constant 0 : i32
      %dma_wait3A_88 = tpu.memref_slice %arg10[%dma_wait3A_86, %dma_wait3A_87] : memref<10240x128xf32, #tpu.memory_space<vmem_shared>> -> memref<10240x128xf32, #tpu.memory_space<vmem_shared>>
      tpu.wait_indirect_dma semaphore(%arg11 : memref<!tpu.dma_semaphore, #tpu.memory_space<semaphore_mem>>) src(%dma_wait3A_88 : memref<10240x128xf32, #tpu.memory_space<vmem_shared>>) dst(%dma_wait3A_82 : memref<64x128xf32, #tpu.memory_space<vmem>>)
      %ge3A = arith.constant 2 : i32
      %ge3A_89 = arith.cmpi sge, %add3A_56, %ge3A : i32
      %convert_element_type3A_90 = arith.extui %ge3A_89 : i1 to i32
      %cond3A_91 = arith.constant 0 : i32
      %cond3A_92 = arith.cmpi ne, %convert_element_type3A_90, %cond3A_91 : i32
      scf.if %cond3A_92 {
        %dma_wait3A_825 = arith.constant 0 : i32
        %dma_wait3A_826 = arith.constant 0 : i32
        %dma_wait3A_827 = arith.constant 0 : i32
        %dma_wait3A_828 = tpu.memref_slice %arg9[%dma_wait3A_825, %dma_wait3A_826, %dma_wait3A_827] : memref<2x2x128xf32, #tpu.memory_space<vmem>> -> memref<1x2x128xf32, #tpu.memory_space<vmem>>
        %dma_wait3A_829 = tpu.memref_squeeze %dma_wait3A_828 : memref<1x2x128xf32, #tpu.memory_space<vmem>> -> memref<2x128xf32, #tpu.memory_space<vmem>>
        %dma_wait3A_830 = arith.constant 0 : i32
        %dma_wait3A_831 = arith.constant 0 : i32
        %dma_wait3A_832 = tpu.memref_slice %arg5[%dma_wait3A_830, %dma_wait3A_831] : memref<10240x128xf32, #tpu.memory_space<hbm>> -> memref<2x128xf32, #tpu.memory_space<hbm>>
        %dma_wait3A_833 = arith.constant 0 : i32
        %dma_wait3A_834 = arith.constant 0 : i32
        %dma_wait3A_835 = tpu.memref_slice %arg5[%dma_wait3A_833, %dma_wait3A_834] : memref<10240x128xf32, #tpu.memory_space<hbm>> -> memref<2x128xf32, #tpu.memory_space<hbm>>
        %dma_wait3A_836 = arith.constant 0 : i32
        %dma_wait3A_837 = arith.constant 0 : i32
        %dma_wait3A_838 = tpu.memref_slice %arg9[%dma_wait3A_825, %dma_wait3A_836, %dma_wait3A_837] : memref<2x2x128xf32, #tpu.memory_space<vmem>> -> memref<1x2x128xf32, #tpu.memory_space<vmem>>
        %dma_wait3A_839 = tpu.memref_squeeze %dma_wait3A_838 : memref<1x2x128xf32, #tpu.memory_space<vmem>> -> memref<2x128xf32, #tpu.memory_space<vmem>>
        tpu.wait_dma2 semaphore(%arg13 : memref<!tpu.dma_semaphore, #tpu.memory_space<semaphore_mem>>) src(%dma_wait3A_839 : memref<2x128xf32, #tpu.memory_space<vmem>>) dst(%dma_wait3A_835 : memref<2x128xf32, #tpu.memory_space<hbm>>)
      } else {
      }
      %jit3A_93 = arith.constant 32 : i32
      %eq3A_94 = arith.constant 0 : i32
      %eq3A_95 = arith.cmpi eq, %jit3A_93, %eq3A_94 : i32
      %jit3A_96 = arith.constant 1 : i32
      %select_n3A_97 = arith.select %eq3A_95, %jit3A_96, %jit3A_93 : i32
      %rem3A_98 = arith.remsi %add3A_56, %select_n3A_97 : i32
      %ne3A_99 = arith.constant 0 : i32
      %ne3A_100 = arith.cmpi ne, %rem3A_98, %ne3A_99 : i32
      %lt3A_101 = arith.constant 0 : i32
      %lt3A_102 = arith.cmpi slt, %rem3A_98, %lt3A_101 : i32
      %lt3A_103 = arith.constant 0 : i32
      %lt3A_104 = arith.cmpi slt, %select_n3A_97, %lt3A_103 : i32
      %ne3A_105 = arith.xori %lt3A_102, %lt3A_104 : i1
      %and3A_106 = arith.andi %ne3A_105, %ne3A_100 : i1
      %add3A_107 = arith.addi %rem3A_98, %select_n3A_97 : i32
      %select_n3A_108 = arith.select %and3A_106, %add3A_107, %rem3A_98 : i32
      %mul3A_109 = arith.constant 2 : i32
      %mul3A_110 = arith.muli %select_n3A_108, %mul3A_109 : i32
      %add3A_111 = arith.constant 0 : i32
      %add3A_112 = arith.addi %mul3A_110, %add3A_111 : i32
      %get3A = arith.index_cast %add3A_112 : i32 to index
      %get3A_113 = arith.constant 0 : index
      %get3A_114 = tpu.vector_load %arg7[%get3A, %get3A_113] {strides = array<i32>} : memref<64x128xf32, #tpu.memory_space<vmem>>, vector<1x16xf32>,
      %get3A_115 = vector.shape_cast %get3A_114 : vector<1x16xf32> to vector<16xf32>
      %get3A_116 = arith.index_cast %add3A_112 : i32 to index
      %get3A_117 = arith.constant 16 : index
      %get3A_118 = tpu.vector_load %arg7[%get3A_116, %get3A_117] {strides = array<i32>} : memref<64x128xf32, #tpu.memory_space<vmem>>, vector<1x16xf32>,
      %get3A_119 = vector.shape_cast %get3A_118 : vector<1x16xf32> to vector<16xf32>
      %get3A_120 = arith.index_cast %add3A_112 : i32 to index
      %get3A_121 = arith.constant 32 : index
      %get3A_122 = tpu.vector_load %arg7[%get3A_120, %get3A_121] {strides = array<i32>} : memref<64x128xf32, #tpu.memory_space<vmem>>, vector<1x16xf32>,
      %get3A_123 = vector.shape_cast %get3A_122 : vector<1x16xf32> to vector<16xf32>
      %get3A_124 = arith.index_cast %add3A_112 : i32 to index
      %get3A_125 = arith.constant 48 : index
      %get3A_126 = tpu.vector_load %arg7[%get3A_124, %get3A_125] {strides = array<i32>} : memref<64x128xf32, #tpu.memory_space<vmem>>, vector<1x16xf32>,
      %get3A_127 = vector.shape_cast %get3A_126 : vector<1x16xf32> to vector<16xf32>
      %get3A_128 = arith.index_cast %add3A_112 : i32 to index
      %get3A_129 = arith.constant 64 : index
      %get3A_130 = tpu.vector_load %arg7[%get3A_128, %get3A_129] {strides = array<i32>} : memref<64x128xf32, #tpu.memory_space<vmem>>, vector<1x16xf32>,
      %get3A_131 = vector.shape_cast %get3A_130 : vector<1x16xf32> to vector<16xf32>
      %get3A_132 = arith.index_cast %add3A_112 : i32 to index
      %get3A_133 = arith.constant 80 : index
      %get3A_134 = tpu.vector_load %arg7[%get3A_132, %get3A_133] {strides = array<i32>} : memref<64x128xf32, #tpu.memory_space<vmem>>, vector<1x16xf32>,
      %get3A_135 = vector.shape_cast %get3A_134 : vector<1x16xf32> to vector<16xf32>
      %get3A_136 = arith.index_cast %add3A_112 : i32 to index
      %get3A_137 = arith.constant 96 : index
      %get3A_138 = tpu.vector_load %arg7[%get3A_136, %get3A_137] {strides = array<i32>} : memref<64x128xf32, #tpu.memory_space<vmem>>, vector<1x16xf32>,
      %get3A_139 = vector.shape_cast %get3A_138 : vector<1x16xf32> to vector<16xf32>
      %get3A_140 = arith.index_cast %add3A_112 : i32 to index
      %get3A_141 = arith.constant 112 : index
      %get3A_142 = tpu.vector_load %arg7[%get3A_140, %get3A_141] {strides = array<i32>} : memref<64x128xf32, #tpu.memory_space<vmem>>, vector<1x16xf32>,
      %get3A_143 = vector.shape_cast %get3A_142 : vector<1x16xf32> to vector<16xf32>
      %broadcast_in_dim3A = arith.constant 0.000000e+00 : f32
      %broadcast_in_dim3A_144 = vector.broadcast %broadcast_in_dim3A : f32 to vector<16xf32>
      %broadcast_in_dim3A_145 = arith.constant 0.000000e+00 : f32
      %broadcast_in_dim3A_146 = vector.broadcast %broadcast_in_dim3A_145 : f32 to vector<16xf32>
      %broadcast_in_dim3A_147 = arith.constant 0.000000e+00 : f32
      %broadcast_in_dim3A_148 = vector.broadcast %broadcast_in_dim3A_147 : f32 to vector<16xf32>
      %broadcast_in_dim3A_149 = arith.constant 0.000000e+00 : f32
      %broadcast_in_dim3A_150 = vector.broadcast %broadcast_in_dim3A_149 : f32 to vector<16xf32>
      %broadcast_in_dim3A_151 = arith.constant 0.000000e+00 : f32
      %broadcast_in_dim3A_152 = vector.broadcast %broadcast_in_dim3A_151 : f32 to vector<16xf32>
      %broadcast_in_dim3A_153 = arith.constant 0.000000e+00 : f32
      %broadcast_in_dim3A_154 = vector.broadcast %broadcast_in_dim3A_153 : f32 to vector<16xf32>
      %broadcast_in_dim3A_155 = arith.constant 0.000000e+00 : f32
      %broadcast_in_dim3A_156 = vector.broadcast %broadcast_in_dim3A_155 : f32 to vector<16xf32>
      %broadcast_in_dim3A_157 = arith.constant 0.000000e+00 : f32
      %broadcast_in_dim3A_158 = vector.broadcast %broadcast_in_dim3A_157 : f32 to vector<16xf32>
      %scan3A_159 = arith.constant 0 : i32
      %scan3A_160 = arith.constant 0 : i32
      %scan3A_161 = arith.constant 16 : i32
      %scan3A_162 = arith.addi %scan3A_160, %scan3A_161 : i32
      %scan3A_163 = arith.constant 1 : i32
      %scan3A_164:8 = scf.for %scan3A_825 = %scan3A_160 to %scan3A_162 step %scan3A_163 iter_args(%scan3A_826 = %broadcast_in_dim3A_144, %scan3A_827 = %broadcast_in_dim3A_146, %scan3A_828 = %broadcast_in_dim3A_148, %scan3A_829 = %broadcast_in_dim3A_150, %scan3A_830 = %broadcast_in_dim3A_152, %scan3A_831 = %broadcast_in_dim3A_154, %scan3A_832 = %broadcast_in_dim3A_156, %scan3A_833 = %broadcast_in_dim3A_158) -> (vector<16xf32>, vector<16xf32>, vector<16xf32>, vector<16xf32>, vector<16xf32>, vector<16xf32>, vector<16xf32>, vector<16xf32>)  : i32 {
        %mul3A_834 = arith.constant 2 : i32
        %mul3A_835 = arith.muli %mul3A_834, %scan3A_825 : i32
        %add3A_836 = arith.constant 0 : i32
        %add3A_837 = arith.addi %add3A_836, %mul3A_835 : i32
        %add3A_838 = arith.constant 0 : i32
        %add3A_839 = arith.addi %add3A_837, %add3A_838 : i32
        %get3A_840 = arith.constant 0 : i32
        %get3A_841 = arith.constant 0 : i32
        %get3A_842 = tpu.memref_slice %arg8[%scan3A_159, %get3A_840, %get3A_841] : memref<2x64x128xf32, #tpu.memory_space<vmem>> -> memref<1x64x128xf32, #tpu.memory_space<vmem>>
        %get3A_843 = tpu.memref_squeeze %get3A_842 : memref<1x64x128xf32, #tpu.memory_space<vmem>> -> memref<64x128xf32, #tpu.memory_space<vmem>>
        %get3A_844 = arith.index_cast %add3A_839 : i32 to index
        %get3A_845 = arith.constant 0 : index
        %get3A_846 = tpu.vector_load %get3A_843[%get3A_844, %get3A_845] {strides = array<i32>} : memref<64x128xf32, #tpu.memory_space<vmem>>, vector<1x16xf32>,
        %get3A_847 = vector.shape_cast %get3A_846 : vector<1x16xf32> to vector<16xf32>
        %add3A_848 = arith.addf %get3A_115, %get3A_847 : vector<16xf32>
        %neg3A = arith.constant 0.000000e+00 : f32
        %neg3A_849 = vector.broadcast %neg3A : f32 to vector<16xf32>
        %neg3A_850 = arith.subf %neg3A_849, %add3A_848 : vector<16xf32>
        %exp3A = math.exp %neg3A_850 : vector<16xf32>
        %add3A_851 = arith.constant 1.000000e+00 : f32
        %add3A_852 = vector.broadcast %add3A_851 : f32 to vector<16xf32>
        %add3A_853 = arith.addf %add3A_852, %exp3A : vector<16xf32>
        %div3A = arith.divf %add3A_848, %add3A_853 : vector<16xf32>
        %add3A_854 = arith.addf %scan3A_826, %div3A : vector<16xf32>
        %get3A_855 = arith.constant 0 : i32
        %get3A_856 = arith.constant 0 : i32
        %get3A_857 = tpu.memref_slice %arg8[%scan3A_159, %get3A_855, %get3A_856] : memref<2x64x128xf32, #tpu.memory_space<vmem>> -> memref<1x64x128xf32, #tpu.memory_space<vmem>>
        %get3A_858 = tpu.memref_squeeze %get3A_857 : memref<1x64x128xf32, #tpu.memory_space<vmem>> -> memref<64x128xf32, #tpu.memory_space<vmem>>
        %get3A_859 = arith.index_cast %add3A_839 : i32 to index
        %get3A_860 = arith.constant 16 : index
        %get3A_861 = tpu.vector_load %get3A_858[%get3A_859, %get3A_860] {strides = array<i32>} : memref<64x128xf32, #tpu.memory_space<vmem>>, vector<1x16xf32>,
        %get3A_862 = vector.shape_cast %get3A_861 : vector<1x16xf32> to vector<16xf32>
        %add3A_863 = arith.addf %get3A_119, %get3A_862 : vector<16xf32>
        %neg3A_864 = arith.constant 0.000000e+00 : f32
        %neg3A_865 = vector.broadcast %neg3A_864 : f32 to vector<16xf32>
        %neg3A_866 = arith.subf %neg3A_865, %add3A_863 : vector<16xf32>
        %exp3A_867 = math.exp %neg3A_866 : vector<16xf32>
        %add3A_868 = arith.constant 1.000000e+00 : f32
        %add3A_869 = vector.broadcast %add3A_868 : f32 to vector<16xf32>
        %add3A_870 = arith.addf %add3A_869, %exp3A_867 : vector<16xf32>
        %div3A_871 = arith.divf %add3A_863, %add3A_870 : vector<16xf32>
        %add3A_872 = arith.addf %scan3A_827, %div3A_871 : vector<16xf32>
        %get3A_873 = arith.constant 0 : i32
        %get3A_874 = arith.constant 0 : i32
        %get3A_875 = tpu.memref_slice %arg8[%scan3A_159, %get3A_873, %get3A_874] : memref<2x64x128xf32, #tpu.memory_space<vmem>> -> memref<1x64x128xf32, #tpu.memory_space<vmem>>
        %get3A_876 = tpu.memref_squeeze %get3A_875 : memref<1x64x128xf32, #tpu.memory_space<vmem>> -> memref<64x128xf32, #tpu.memory_space<vmem>>
        %get3A_877 = arith.index_cast %add3A_839 : i32 to index
        %get3A_878 = arith.constant 32 : index
        %get3A_879 = tpu.vector_load %get3A_876[%get3A_877, %get3A_878] {strides = array<i32>} : memref<64x128xf32, #tpu.memory_space<vmem>>, vector<1x16xf32>,
        %get3A_880 = vector.shape_cast %get3A_879 : vector<1x16xf32> to vector<16xf32>
        %add3A_881 = arith.addf %get3A_123, %get3A_880 : vector<16xf32>
        %neg3A_882 = arith.constant 0.000000e+00 : f32
        %neg3A_883 = vector.broadcast %neg3A_882 : f32 to vector<16xf32>
        %neg3A_884 = arith.subf %neg3A_883, %add3A_881 : vector<16xf32>
        %exp3A_885 = math.exp %neg3A_884 : vector<16xf32>
        %add3A_886 = arith.constant 1.000000e+00 : f32
        %add3A_887 = vector.broadcast %add3A_886 : f32 to vector<16xf32>
        %add3A_888 = arith.addf %add3A_887, %exp3A_885 : vector<16xf32>
        %div3A_889 = arith.divf %add3A_881, %add3A_888 : vector<16xf32>
        %add3A_890 = arith.addf %scan3A_828, %div3A_889 : vector<16xf32>
        %get3A_891 = arith.constant 0 : i32
        %get3A_892 = arith.constant 0 : i32
        %get3A_893 = tpu.memref_slice %arg8[%scan3A_159, %get3A_891, %get3A_892] : memref<2x64x128xf32, #tpu.memory_space<vmem>> -> memref<1x64x128xf32, #tpu.memory_space<vmem>>
        %get3A_894 = tpu.memref_squeeze %get3A_893 : memref<1x64x128xf32, #tpu.memory_space<vmem>> -> memref<64x128xf32, #tpu.memory_space<vmem>>
        %get3A_895 = arith.index_cast %add3A_839 : i32 to index
        %get3A_896 = arith.constant 48 : index
        %get3A_897 = tpu.vector_load %get3A_894[%get3A_895, %get3A_896] {strides = array<i32>} : memref<64x128xf32, #tpu.memory_space<vmem>>, vector<1x16xf32>,
        %get3A_898 = vector.shape_cast %get3A_897 : vector<1x16xf32> to vector<16xf32>
        %add3A_899 = arith.addf %get3A_127, %get3A_898 : vector<16xf32>
        %neg3A_900 = arith.constant 0.000000e+00 : f32
        %neg3A_901 = vector.broadcast %neg3A_900 : f32 to vector<16xf32>
        %neg3A_902 = arith.subf %neg3A_901, %add3A_899 : vector<16xf32>
        %exp3A_903 = math.exp %neg3A_902 : vector<16xf32>
        %add3A_904 = arith.constant 1.000000e+00 : f32
        %add3A_905 = vector.broadcast %add3A_904 : f32 to vector<16xf32>
        %add3A_906 = arith.addf %add3A_905, %exp3A_903 : vector<16xf32>
        %div3A_907 = arith.divf %add3A_899, %add3A_906 : vector<16xf32>
        %add3A_908 = arith.addf %scan3A_829, %div3A_907 : vector<16xf32>
        %get3A_909 = arith.constant 0 : i32
        %get3A_910 = arith.constant 0 : i32
        %get3A_911 = tpu.memref_slice %arg8[%scan3A_159, %get3A_909, %get3A_910] : memref<2x64x128xf32, #tpu.memory_space<vmem>> -> memref<1x64x128xf32, #tpu.memory_space<vmem>>
        %get3A_912 = tpu.memref_squeeze %get3A_911 : memref<1x64x128xf32, #tpu.memory_space<vmem>> -> memref<64x128xf32, #tpu.memory_space<vmem>>
        %get3A_913 = arith.index_cast %add3A_839 : i32 to index
        %get3A_914 = arith.constant 64 : index
        %get3A_915 = tpu.vector_load %get3A_912[%get3A_913, %get3A_914] {strides = array<i32>} : memref<64x128xf32, #tpu.memory_space<vmem>>, vector<1x16xf32>,
        %get3A_916 = vector.shape_cast %get3A_915 : vector<1x16xf32> to vector<16xf32>
        %add3A_917 = arith.addf %get3A_131, %get3A_916 : vector<16xf32>
        %neg3A_918 = arith.constant 0.000000e+00 : f32
        %neg3A_919 = vector.broadcast %neg3A_918 : f32 to vector<16xf32>
        %neg3A_920 = arith.subf %neg3A_919, %add3A_917 : vector<16xf32>
        %exp3A_921 = math.exp %neg3A_920 : vector<16xf32>
        %add3A_922 = arith.constant 1.000000e+00 : f32
        %add3A_923 = vector.broadcast %add3A_922 : f32 to vector<16xf32>
        %add3A_924 = arith.addf %add3A_923, %exp3A_921 : vector<16xf32>
        %div3A_925 = arith.divf %add3A_917, %add3A_924 : vector<16xf32>
        %add3A_926 = arith.addf %scan3A_830, %div3A_925 : vector<16xf32>
        %get3A_927 = arith.constant 0 : i32
        %get3A_928 = arith.constant 0 : i32
        %get3A_929 = tpu.memref_slice %arg8[%scan3A_159, %get3A_927, %get3A_928] : memref<2x64x128xf32, #tpu.memory_space<vmem>> -> memref<1x64x128xf32, #tpu.memory_space<vmem>>
        %get3A_930 = tpu.memref_squeeze %get3A_929 : memref<1x64x128xf32, #tpu.memory_space<vmem>> -> memref<64x128xf32, #tpu.memory_space<vmem>>
        %get3A_931 = arith.index_cast %add3A_839 : i32 to index
        %get3A_932 = arith.constant 80 : index
        %get3A_933 = tpu.vector_load %get3A_930[%get3A_931, %get3A_932] {strides = array<i32>} : memref<64x128xf32, #tpu.memory_space<vmem>>, vector<1x16xf32>,
        %get3A_934 = vector.shape_cast %get3A_933 : vector<1x16xf32> to vector<16xf32>
        %add3A_935 = arith.addf %get3A_135, %get3A_934 : vector<16xf32>
        %neg3A_936 = arith.constant 0.000000e+00 : f32
        %neg3A_937 = vector.broadcast %neg3A_936 : f32 to vector<16xf32>
        %neg3A_938 = arith.subf %neg3A_937, %add3A_935 : vector<16xf32>
        %exp3A_939 = math.exp %neg3A_938 : vector<16xf32>
        %add3A_940 = arith.constant 1.000000e+00 : f32
        %add3A_941 = vector.broadcast %add3A_940 : f32 to vector<16xf32>
        %add3A_942 = arith.addf %add3A_941, %exp3A_939 : vector<16xf32>
        %div3A_943 = arith.divf %add3A_935, %add3A_942 : vector<16xf32>
        %add3A_944 = arith.addf %scan3A_831, %div3A_943 : vector<16xf32>
        %get3A_945 = arith.constant 0 : i32
        %get3A_946 = arith.constant 0 : i32
        %get3A_947 = tpu.memref_slice %arg8[%scan3A_159, %get3A_945, %get3A_946] : memref<2x64x128xf32, #tpu.memory_space<vmem>> -> memref<1x64x128xf32, #tpu.memory_space<vmem>>
        %get3A_948 = tpu.memref_squeeze %get3A_947 : memref<1x64x128xf32, #tpu.memory_space<vmem>> -> memref<64x128xf32, #tpu.memory_space<vmem>>
        %get3A_949 = arith.index_cast %add3A_839 : i32 to index
        %get3A_950 = arith.constant 96 : index
        %get3A_951 = tpu.vector_load %get3A_948[%get3A_949, %get3A_950] {strides = array<i32>} : memref<64x128xf32, #tpu.memory_space<vmem>>, vector<1x16xf32>,
        %get3A_952 = vector.shape_cast %get3A_951 : vector<1x16xf32> to vector<16xf32>
        %add3A_953 = arith.addf %get3A_139, %get3A_952 : vector<16xf32>
        %neg3A_954 = arith.constant 0.000000e+00 : f32
        %neg3A_955 = vector.broadcast %neg3A_954 : f32 to vector<16xf32>
        %neg3A_956 = arith.subf %neg3A_955, %add3A_953 : vector<16xf32>
        %exp3A_957 = math.exp %neg3A_956 : vector<16xf32>
        %add3A_958 = arith.constant 1.000000e+00 : f32
        %add3A_959 = vector.broadcast %add3A_958 : f32 to vector<16xf32>
        %add3A_960 = arith.addf %add3A_959, %exp3A_957 : vector<16xf32>
        %div3A_961 = arith.divf %add3A_953, %add3A_960 : vector<16xf32>
        %add3A_962 = arith.addf %scan3A_832, %div3A_961 : vector<16xf32>
        %get3A_963 = arith.constant 0 : i32
        %get3A_964 = arith.constant 0 : i32
        %get3A_965 = tpu.memref_slice %arg8[%scan3A_159, %get3A_963, %get3A_964] : memref<2x64x128xf32, #tpu.memory_space<vmem>> -> memref<1x64x128xf32, #tpu.memory_space<vmem>>
        %get3A_966 = tpu.memref_squeeze %get3A_965 : memref<1x64x128xf32, #tpu.memory_space<vmem>> -> memref<64x128xf32, #tpu.memory_space<vmem>>
        %get3A_967 = arith.index_cast %add3A_839 : i32 to index
        %get3A_968 = arith.constant 112 : index
        %get3A_969 = tpu.vector_load %get3A_966[%get3A_967, %get3A_968] {strides = array<i32>} : memref<64x128xf32, #tpu.memory_space<vmem>>, vector<1x16xf32>,
        %get3A_970 = vector.shape_cast %get3A_969 : vector<1x16xf32> to vector<16xf32>
        %add3A_971 = arith.addf %get3A_143, %get3A_970 : vector<16xf32>
        %neg3A_972 = arith.constant 0.000000e+00 : f32
        %neg3A_973 = vector.broadcast %neg3A_972 : f32 to vector<16xf32>
        %neg3A_974 = arith.subf %neg3A_973, %add3A_971 : vector<16xf32>
        %exp3A_975 = math.exp %neg3A_974 : vector<16xf32>
        %add3A_976 = arith.constant 1.000000e+00 : f32
        %add3A_977 = vector.broadcast %add3A_976 : f32 to vector<16xf32>
        %add3A_978 = arith.addf %add3A_977, %exp3A_975 : vector<16xf32>
        %div3A_979 = arith.divf %add3A_971, %add3A_978 : vector<16xf32>
        %add3A_980 = arith.addf %scan3A_833, %div3A_979 : vector<16xf32>
        %mul3A_981 = arith.constant 2 : i32
        %mul3A_982 = arith.muli %mul3A_981, %scan3A_825 : i32
        %add3A_983 = arith.constant 0 : i32
        %add3A_984 = arith.addi %add3A_983, %mul3A_982 : i32
        %add3A_985 = arith.constant 1 : i32
        %add3A_986 = arith.addi %add3A_984, %add3A_985 : i32
        %get3A_987 = arith.constant 0 : i32
        %get3A_988 = arith.constant 0 : i32
        %get3A_989 = tpu.memref_slice %arg8[%scan3A_159, %get3A_987, %get3A_988] : memref<2x64x128xf32, #tpu.memory_space<vmem>> -> memref<1x64x128xf32, #tpu.memory_space<vmem>>
        %get3A_990 = tpu.memref_squeeze %get3A_989 : memref<1x64x128xf32, #tpu.memory_space<vmem>> -> memref<64x128xf32, #tpu.memory_space<vmem>>
        %get3A_991 = arith.index_cast %add3A_986 : i32 to index
        %get3A_992 = arith.constant 0 : index
        %get3A_993 = tpu.vector_load %get3A_990[%get3A_991, %get3A_992] {strides = array<i32>} : memref<64x128xf32, #tpu.memory_space<vmem>>, vector<1x16xf32>,
        %get3A_994 = vector.shape_cast %get3A_993 : vector<1x16xf32> to vector<16xf32>
        %add3A_995 = arith.addf %get3A_115, %get3A_994 : vector<16xf32>
        %neg3A_996 = arith.constant 0.000000e+00 : f32
        %neg3A_997 = vector.broadcast %neg3A_996 : f32 to vector<16xf32>
        %neg3A_998 = arith.subf %neg3A_997, %add3A_995 : vector<16xf32>
        %exp3A_999 = math.exp %neg3A_998 : vector<16xf32>
        %add3A_1000 = arith.constant 1.000000e+00 : f32
        %add3A_1001 = vector.broadcast %add3A_1000 : f32 to vector<16xf32>
        %add3A_1002 = arith.addf %add3A_1001, %exp3A_999 : vector<16xf32>
        %div3A_1003 = arith.divf %add3A_995, %add3A_1002 : vector<16xf32>
        %add3A_1004 = arith.addf %add3A_854, %div3A_1003 : vector<16xf32>
        %get3A_1005 = arith.constant 0 : i32
        %get3A_1006 = arith.constant 0 : i32
        %get3A_1007 = tpu.memref_slice %arg8[%scan3A_159, %get3A_1005, %get3A_1006] : memref<2x64x128xf32, #tpu.memory_space<vmem>> -> memref<1x64x128xf32, #tpu.memory_space<vmem>>
        %get3A_1008 = tpu.memref_squeeze %get3A_1007 : memref<1x64x128xf32, #tpu.memory_space<vmem>> -> memref<64x128xf32, #tpu.memory_space<vmem>>
        %get3A_1009 = arith.index_cast %add3A_986 : i32 to index
        %get3A_1010 = arith.constant 16 : index
        %get3A_1011 = tpu.vector_load %get3A_1008[%get3A_1009, %get3A_1010] {strides = array<i32>} : memref<64x128xf32, #tpu.memory_space<vmem>>, vector<1x16xf32>,
        %get3A_1012 = vector.shape_cast %get3A_1011 : vector<1x16xf32> to vector<16xf32>
        %add3A_1013 = arith.addf %get3A_119, %get3A_1012 : vector<16xf32>
        %neg3A_1014 = arith.constant 0.000000e+00 : f32
        %neg3A_1015 = vector.broadcast %neg3A_1014 : f32 to vector<16xf32>
        %neg3A_1016 = arith.subf %neg3A_1015, %add3A_1013 : vector<16xf32>
        %exp3A_1017 = math.exp %neg3A_1016 : vector<16xf32>
        %add3A_1018 = arith.constant 1.000000e+00 : f32
        %add3A_1019 = vector.broadcast %add3A_1018 : f32 to vector<16xf32>
        %add3A_1020 = arith.addf %add3A_1019, %exp3A_1017 : vector<16xf32>
        %div3A_1021 = arith.divf %add3A_1013, %add3A_1020 : vector<16xf32>
        %add3A_1022 = arith.addf %add3A_872, %div3A_1021 : vector<16xf32>
        %get3A_1023 = arith.constant 0 : i32
        %get3A_1024 = arith.constant 0 : i32
        %get3A_1025 = tpu.memref_slice %arg8[%scan3A_159, %get3A_1023, %get3A_1024] : memref<2x64x128xf32, #tpu.memory_space<vmem>> -> memref<1x64x128xf32, #tpu.memory_space<vmem>>
        %get3A_1026 = tpu.memref_squeeze %get3A_1025 : memref<1x64x128xf32, #tpu.memory_space<vmem>> -> memref<64x128xf32, #tpu.memory_space<vmem>>
        %get3A_1027 = arith.index_cast %add3A_986 : i32 to index
        %get3A_1028 = arith.constant 32 : index
        %get3A_1029 = tpu.vector_load %get3A_1026[%get3A_1027, %get3A_1028] {strides = array<i32>} : memref<64x128xf32, #tpu.memory_space<vmem>>, vector<1x16xf32>,
        %get3A_1030 = vector.shape_cast %get3A_1029 : vector<1x16xf32> to vector<16xf32>
        %add3A_1031 = arith.addf %get3A_123, %get3A_1030 : vector<16xf32>
        %neg3A_1032 = arith.constant 0.000000e+00 : f32
        %neg3A_1033 = vector.broadcast %neg3A_1032 : f32 to vector<16xf32>
        %neg3A_1034 = arith.subf %neg3A_1033, %add3A_1031 : vector<16xf32>
        %exp3A_1035 = math.exp %neg3A_1034 : vector<16xf32>
        %add3A_1036 = arith.constant 1.000000e+00 : f32
        %add3A_1037 = vector.broadcast %add3A_1036 : f32 to vector<16xf32>
        %add3A_1038 = arith.addf %add3A_1037, %exp3A_1035 : vector<16xf32>
        %div3A_1039 = arith.divf %add3A_1031, %add3A_1038 : vector<16xf32>
        %add3A_1040 = arith.addf %add3A_890, %div3A_1039 : vector<16xf32>
        %get3A_1041 = arith.constant 0 : i32
        %get3A_1042 = arith.constant 0 : i32
        %get3A_1043 = tpu.memref_slice %arg8[%scan3A_159, %get3A_1041, %get3A_1042] : memref<2x64x128xf32, #tpu.memory_space<vmem>> -> memref<1x64x128xf32, #tpu.memory_space<vmem>>
        %get3A_1044 = tpu.memref_squeeze %get3A_1043 : memref<1x64x128xf32, #tpu.memory_space<vmem>> -> memref<64x128xf32, #tpu.memory_space<vmem>>
        %get3A_1045 = arith.index_cast %add3A_986 : i32 to index
        %get3A_1046 = arith.constant 48 : index
        %get3A_1047 = tpu.vector_load %get3A_1044[%get3A_1045, %get3A_1046] {strides = array<i32>} : memref<64x128xf32, #tpu.memory_space<vmem>>, vector<1x16xf32>,
        %get3A_1048 = vector.shape_cast %get3A_1047 : vector<1x16xf32> to vector<16xf32>
        %add3A_1049 = arith.addf %get3A_127, %get3A_1048 : vector<16xf32>
        %neg3A_1050 = arith.constant 0.000000e+00 : f32
        %neg3A_1051 = vector.broadcast %neg3A_1050 : f32 to vector<16xf32>
        %neg3A_1052 = arith.subf %neg3A_1051, %add3A_1049 : vector<16xf32>
        %exp3A_1053 = math.exp %neg3A_1052 : vector<16xf32>
        %add3A_1054 = arith.constant 1.000000e+00 : f32
        %add3A_1055 = vector.broadcast %add3A_1054 : f32 to vector<16xf32>
        %add3A_1056 = arith.addf %add3A_1055, %exp3A_1053 : vector<16xf32>
        %div3A_1057 = arith.divf %add3A_1049, %add3A_1056 : vector<16xf32>
        %add3A_1058 = arith.addf %add3A_908, %div3A_1057 : vector<16xf32>
        %get3A_1059 = arith.constant 0 : i32
        %get3A_1060 = arith.constant 0 : i32
        %get3A_1061 = tpu.memref_slice %arg8[%scan3A_159, %get3A_1059, %get3A_1060] : memref<2x64x128xf32, #tpu.memory_space<vmem>> -> memref<1x64x128xf32, #tpu.memory_space<vmem>>
        %get3A_1062 = tpu.memref_squeeze %get3A_1061 : memref<1x64x128xf32, #tpu.memory_space<vmem>> -> memref<64x128xf32, #tpu.memory_space<vmem>>
        %get3A_1063 = arith.index_cast %add3A_986 : i32 to index
        %get3A_1064 = arith.constant 64 : index
        %get3A_1065 = tpu.vector_load %get3A_1062[%get3A_1063, %get3A_1064] {strides = array<i32>} : memref<64x128xf32, #tpu.memory_space<vmem>>, vector<1x16xf32>,
        %get3A_1066 = vector.shape_cast %get3A_1065 : vector<1x16xf32> to vector<16xf32>
        %add3A_1067 = arith.addf %get3A_131, %get3A_1066 : vector<16xf32>
        %neg3A_1068 = arith.constant 0.000000e+00 : f32
        %neg3A_1069 = vector.broadcast %neg3A_1068 : f32 to vector<16xf32>
        %neg3A_1070 = arith.subf %neg3A_1069, %add3A_1067 : vector<16xf32>
        %exp3A_1071 = math.exp %neg3A_1070 : vector<16xf32>
        %add3A_1072 = arith.constant 1.000000e+00 : f32
        %add3A_1073 = vector.broadcast %add3A_1072 : f32 to vector<16xf32>
        %add3A_1074 = arith.addf %add3A_1073, %exp3A_1071 : vector<16xf32>
        %div3A_1075 = arith.divf %add3A_1067, %add3A_1074 : vector<16xf32>
        %add3A_1076 = arith.addf %add3A_926, %div3A_1075 : vector<16xf32>
        %get3A_1077 = arith.constant 0 : i32
        %get3A_1078 = arith.constant 0 : i32
        %get3A_1079 = tpu.memref_slice %arg8[%scan3A_159, %get3A_1077, %get3A_1078] : memref<2x64x128xf32, #tpu.memory_space<vmem>> -> memref<1x64x128xf32, #tpu.memory_space<vmem>>
        %get3A_1080 = tpu.memref_squeeze %get3A_1079 : memref<1x64x128xf32, #tpu.memory_space<vmem>> -> memref<64x128xf32, #tpu.memory_space<vmem>>
        %get3A_1081 = arith.index_cast %add3A_986 : i32 to index
        %get3A_1082 = arith.constant 80 : index
        %get3A_1083 = tpu.vector_load %get3A_1080[%get3A_1081, %get3A_1082] {strides = array<i32>} : memref<64x128xf32, #tpu.memory_space<vmem>>, vector<1x16xf32>,
        %get3A_1084 = vector.shape_cast %get3A_1083 : vector<1x16xf32> to vector<16xf32>
        %add3A_1085 = arith.addf %get3A_135, %get3A_1084 : vector<16xf32>
        %neg3A_1086 = arith.constant 0.000000e+00 : f32
        %neg3A_1087 = vector.broadcast %neg3A_1086 : f32 to vector<16xf32>
        %neg3A_1088 = arith.subf %neg3A_1087, %add3A_1085 : vector<16xf32>
        %exp3A_1089 = math.exp %neg3A_1088 : vector<16xf32>
        %add3A_1090 = arith.constant 1.000000e+00 : f32
        %add3A_1091 = vector.broadcast %add3A_1090 : f32 to vector<16xf32>
        %add3A_1092 = arith.addf %add3A_1091, %exp3A_1089 : vector<16xf32>
        %div3A_1093 = arith.divf %add3A_1085, %add3A_1092 : vector<16xf32>
        %add3A_1094 = arith.addf %add3A_944, %div3A_1093 : vector<16xf32>
        %get3A_1095 = arith.constant 0 : i32
        %get3A_1096 = arith.constant 0 : i32
        %get3A_1097 = tpu.memref_slice %arg8[%scan3A_159, %get3A_1095, %get3A_1096] : memref<2x64x128xf32, #tpu.memory_space<vmem>> -> memref<1x64x128xf32, #tpu.memory_space<vmem>>
        %get3A_1098 = tpu.memref_squeeze %get3A_1097 : memref<1x64x128xf32, #tpu.memory_space<vmem>> -> memref<64x128xf32, #tpu.memory_space<vmem>>
        %get3A_1099 = arith.index_cast %add3A_986 : i32 to index
        %get3A_1100 = arith.constant 96 : index
        %get3A_1101 = tpu.vector_load %get3A_1098[%get3A_1099, %get3A_1100] {strides = array<i32>} : memref<64x128xf32, #tpu.memory_space<vmem>>, vector<1x16xf32>,
        %get3A_1102 = vector.shape_cast %get3A_1101 : vector<1x16xf32> to vector<16xf32>
        %add3A_1103 = arith.addf %get3A_139, %get3A_1102 : vector<16xf32>
        %neg3A_1104 = arith.constant 0.000000e+00 : f32
        %neg3A_1105 = vector.broadcast %neg3A_1104 : f32 to vector<16xf32>
        %neg3A_1106 = arith.subf %neg3A_1105, %add3A_1103 : vector<16xf32>
        %exp3A_1107 = math.exp %neg3A_1106 : vector<16xf32>
        %add3A_1108 = arith.constant 1.000000e+00 : f32
        %add3A_1109 = vector.broadcast %add3A_1108 : f32 to vector<16xf32>
        %add3A_1110 = arith.addf %add3A_1109, %exp3A_1107 : vector<16xf32>
        %div3A_1111 = arith.divf %add3A_1103, %add3A_1110 : vector<16xf32>
        %add3A_1112 = arith.addf %add3A_962, %div3A_1111 : vector<16xf32>
        %get3A_1113 = arith.constant 0 : i32
        %get3A_1114 = arith.constant 0 : i32
        %get3A_1115 = tpu.memref_slice %arg8[%scan3A_159, %get3A_1113, %get3A_1114] : memref<2x64x128xf32, #tpu.memory_space<vmem>> -> memref<1x64x128xf32, #tpu.memory_space<vmem>>
        %get3A_1116 = tpu.memref_squeeze %get3A_1115 : memref<1x64x128xf32, #tpu.memory_space<vmem>> -> memref<64x128xf32, #tpu.memory_space<vmem>>
        %get3A_1117 = arith.index_cast %add3A_986 : i32 to index
        %get3A_1118 = arith.constant 112 : index
        %get3A_1119 = tpu.vector_load %get3A_1116[%get3A_1117, %get3A_1118] {strides = array<i32>} : memref<64x128xf32, #tpu.memory_space<vmem>>, vector<1x16xf32>,
        %get3A_1120 = vector.shape_cast %get3A_1119 : vector<1x16xf32> to vector<16xf32>
        %add3A_1121 = arith.addf %get3A_143, %get3A_1120 : vector<16xf32>
        %neg3A_1122 = arith.constant 0.000000e+00 : f32
        %neg3A_1123 = vector.broadcast %neg3A_1122 : f32 to vector<16xf32>
        %neg3A_1124 = arith.subf %neg3A_1123, %add3A_1121 : vector<16xf32>
        %exp3A_1125 = math.exp %neg3A_1124 : vector<16xf32>
        %add3A_1126 = arith.constant 1.000000e+00 : f32
        %add3A_1127 = vector.broadcast %add3A_1126 : f32 to vector<16xf32>
        %add3A_1128 = arith.addf %add3A_1127, %exp3A_1125 : vector<16xf32>
        %div3A_1129 = arith.divf %add3A_1121, %add3A_1128 : vector<16xf32>
        %add3A_1130 = arith.addf %add3A_980, %div3A_1129 : vector<16xf32>
        scf.yield %add3A_1004, %add3A_1022, %add3A_1040, %add3A_1058, %add3A_1076, %add3A_1094, %add3A_1112, %add3A_1130 : vector<16xf32>, vector<16xf32>, vector<16xf32>, vector<16xf32>, vector<16xf32>, vector<16xf32>, vector<16xf32>, vector<16xf32>
      }
      %scan3A_165 = arith.constant 16 : i32
      %swap3A = arith.constant 0 : i32
      %swap3A_166 = arith.constant 0 : i32
      %swap3A_167 = arith.constant 0 : i32
      %swap3A_168 = arith.constant 0 : i32
      %swap3A_169 = tpu.memref_slice %arg9[%swap3A, %swap3A_167, %swap3A_168] : memref<2x2x128xf32, #tpu.memory_space<vmem>> -> memref<1x2x128xf32, #tpu.memory_space<vmem>>
      %swap3A_170 = tpu.memref_squeeze %swap3A_169 : memref<1x2x128xf32, #tpu.memory_space<vmem>> -> memref<2x128xf32, #tpu.memory_space<vmem>>
      %swap3A_171 = arith.index_cast %swap3A_166 : i32 to index
      %swap3A_172 = arith.constant 0 : index
      %swap3A_173 = tpu.vector_load %swap3A_170[%swap3A_171, %swap3A_172] {strides = array<i32>} : memref<2x128xf32, #tpu.memory_space<vmem>>, vector<1x16xf32>,
      %swap3A_174 = vector.shape_cast %swap3A_173 : vector<1x16xf32> to vector<16xf32>
      %swap3A_175 = vector.shape_cast %scan3A_164#0 : vector<16xf32> to vector<1x16xf32>
      tpu.vector_store %swap3A_170[%swap3A_171, %swap3A_172], %swap3A_175 {strides = array<i32>} : memref<2x128xf32, #tpu.memory_space<vmem>>, vector<1x16xf32>,
      %swap3A_176 = arith.constant 0 : i32
      %swap3A_177 = arith.constant 0 : i32
      %swap3A_178 = arith.constant 0 : i32
      %swap3A_179 = arith.constant 0 : i32
      %swap3A_180 = tpu.memref_slice %arg9[%swap3A_176, %swap3A_178, %swap3A_179] : memref<2x2x128xf32, #tpu.memory_space<vmem>> -> memref<1x2x128xf32, #tpu.memory_space<vmem>>
      %swap3A_181 = tpu.memref_squeeze %swap3A_180 : memref<1x2x128xf32, #tpu.memory_space<vmem>> -> memref<2x128xf32, #tpu.memory_space<vmem>>
      %swap3A_182 = arith.index_cast %swap3A_177 : i32 to index
      %swap3A_183 = arith.constant 16 : index
      %swap3A_184 = tpu.vector_load %swap3A_181[%swap3A_182, %swap3A_183] {strides = array<i32>} : memref<2x128xf32, #tpu.memory_space<vmem>>, vector<1x16xf32>,
      %swap3A_185 = vector.shape_cast %swap3A_184 : vector<1x16xf32> to vector<16xf32>
      %swap3A_186 = vector.shape_cast %scan3A_164#1 : vector<16xf32> to vector<1x16xf32>
      tpu.vector_store %swap3A_181[%swap3A_182, %swap3A_183], %swap3A_186 {strides = array<i32>} : memref<2x128xf32, #tpu.memory_space<vmem>>, vector<1x16xf32>,
      %swap3A_187 = arith.constant 0 : i32
      %swap3A_188 = arith.constant 0 : i32
      %swap3A_189 = arith.constant 0 : i32
      %swap3A_190 = arith.constant 0 : i32
      %swap3A_191 = tpu.memref_slice %arg9[%swap3A_187, %swap3A_189, %swap3A_190] : memref<2x2x128xf32, #tpu.memory_space<vmem>> -> memref<1x2x128xf32, #tpu.memory_space<vmem>>
      %swap3A_192 = tpu.memref_squeeze %swap3A_191 : memref<1x2x128xf32, #tpu.memory_space<vmem>> -> memref<2x128xf32, #tpu.memory_space<vmem>>
      %swap3A_193 = arith.index_cast %swap3A_188 : i32 to index
      %swap3A_194 = arith.constant 32 : index
      %swap3A_195 = tpu.vector_load %swap3A_192[%swap3A_193, %swap3A_194] {strides = array<i32>} : memref<2x128xf32, #tpu.memory_space<vmem>>, vector<1x16xf32>,
      %swap3A_196 = vector.shape_cast %swap3A_195 : vector<1x16xf32> to vector<16xf32>
      %swap3A_197 = vector.shape_cast %scan3A_164#2 : vector<16xf32> to vector<1x16xf32>
      tpu.vector_store %swap3A_192[%swap3A_193, %swap3A_194], %swap3A_197 {strides = array<i32>} : memref<2x128xf32, #tpu.memory_space<vmem>>, vector<1x16xf32>,
      %swap3A_198 = arith.constant 0 : i32
      %swap3A_199 = arith.constant 0 : i32
      %swap3A_200 = arith.constant 0 : i32
      %swap3A_201 = arith.constant 0 : i32
      %swap3A_202 = tpu.memref_slice %arg9[%swap3A_198, %swap3A_200, %swap3A_201] : memref<2x2x128xf32, #tpu.memory_space<vmem>> -> memref<1x2x128xf32, #tpu.memory_space<vmem>>
      %swap3A_203 = tpu.memref_squeeze %swap3A_202 : memref<1x2x128xf32, #tpu.memory_space<vmem>> -> memref<2x128xf32, #tpu.memory_space<vmem>>
      %swap3A_204 = arith.index_cast %swap3A_199 : i32 to index
      %swap3A_205 = arith.constant 48 : index
      %swap3A_206 = tpu.vector_load %swap3A_203[%swap3A_204, %swap3A_205] {strides = array<i32>} : memref<2x128xf32, #tpu.memory_space<vmem>>, vector<1x16xf32>,
      %swap3A_207 = vector.shape_cast %swap3A_206 : vector<1x16xf32> to vector<16xf32>
      %swap3A_208 = vector.shape_cast %scan3A_164#3 : vector<16xf32> to vector<1x16xf32>
      tpu.vector_store %swap3A_203[%swap3A_204, %swap3A_205], %swap3A_208 {strides = array<i32>} : memref<2x128xf32, #tpu.memory_space<vmem>>, vector<1x16xf32>,
      %swap3A_209 = arith.constant 0 : i32
      %swap3A_210 = arith.constant 0 : i32
      %swap3A_211 = arith.constant 0 : i32
      %swap3A_212 = arith.constant 0 : i32
      %swap3A_213 = tpu.memref_slice %arg9[%swap3A_209, %swap3A_211, %swap3A_212] : memref<2x2x128xf32, #tpu.memory_space<vmem>> -> memref<1x2x128xf32, #tpu.memory_space<vmem>>
      %swap3A_214 = tpu.memref_squeeze %swap3A_213 : memref<1x2x128xf32, #tpu.memory_space<vmem>> -> memref<2x128xf32, #tpu.memory_space<vmem>>
      %swap3A_215 = arith.index_cast %swap3A_210 : i32 to index
      %swap3A_216 = arith.constant 64 : index
      %swap3A_217 = tpu.vector_load %swap3A_214[%swap3A_215, %swap3A_216] {strides = array<i32>} : memref<2x128xf32, #tpu.memory_space<vmem>>, vector<1x16xf32>,
      %swap3A_218 = vector.shape_cast %swap3A_217 : vector<1x16xf32> to vector<16xf32>
      %swap3A_219 = vector.shape_cast %scan3A_164#4 : vector<16xf32> to vector<1x16xf32>
      tpu.vector_store %swap3A_214[%swap3A_215, %swap3A_216], %swap3A_219 {strides = array<i32>} : memref<2x128xf32, #tpu.memory_space<vmem>>, vector<1x16xf32>,
      %swap3A_220 = arith.constant 0 : i32
      %swap3A_221 = arith.constant 0 : i32
      %swap3A_222 = arith.constant 0 : i32
      %swap3A_223 = arith.constant 0 : i32
      %swap3A_224 = tpu.memref_slice %arg9[%swap3A_220, %swap3A_222, %swap3A_223] : memref<2x2x128xf32, #tpu.memory_space<vmem>> -> memref<1x2x128xf32, #tpu.memory_space<vmem>>
      %swap3A_225 = tpu.memref_squeeze %swap3A_224 : memref<1x2x128xf32, #tpu.memory_space<vmem>> -> memref<2x128xf32, #tpu.memory_space<vmem>>
      %swap3A_226 = arith.index_cast %swap3A_221 : i32 to index
      %swap3A_227 = arith.constant 80 : index
      %swap3A_228 = tpu.vector_load %swap3A_225[%swap3A_226, %swap3A_227] {strides = array<i32>} : memref<2x128xf32, #tpu.memory_space<vmem>>, vector<1x16xf32>,
      %swap3A_229 = vector.shape_cast %swap3A_228 : vector<1x16xf32> to vector<16xf32>
      %swap3A_230 = vector.shape_cast %scan3A_164#5 : vector<16xf32> to vector<1x16xf32>
      tpu.vector_store %swap3A_225[%swap3A_226, %swap3A_227], %swap3A_230 {strides = array<i32>} : memref<2x128xf32, #tpu.memory_space<vmem>>, vector<1x16xf32>,
      %swap3A_231 = arith.constant 0 : i32
      %swap3A_232 = arith.constant 0 : i32
      %swap3A_233 = arith.constant 0 : i32
      %swap3A_234 = arith.constant 0 : i32
      %swap3A_235 = tpu.memref_slice %arg9[%swap3A_231, %swap3A_233, %swap3A_234] : memref<2x2x128xf32, #tpu.memory_space<vmem>> -> memref<1x2x128xf32, #tpu.memory_space<vmem>>
      %swap3A_236 = tpu.memref_squeeze %swap3A_235 : memref<1x2x128xf32, #tpu.memory_space<vmem>> -> memref<2x128xf32, #tpu.memory_space<vmem>>
      %swap3A_237 = arith.index_cast %swap3A_232 : i32 to index
      %swap3A_238 = arith.constant 96 : index
      %swap3A_239 = tpu.vector_load %swap3A_236[%swap3A_237, %swap3A_238] {strides = array<i32>} : memref<2x128xf32, #tpu.memory_space<vmem>>, vector<1x16xf32>,
      %swap3A_240 = vector.shape_cast %swap3A_239 : vector<1x16xf32> to vector<16xf32>
      %swap3A_241 = vector.shape_cast %scan3A_164#6 : vector<16xf32> to vector<1x16xf32>
      tpu.vector_store %swap3A_236[%swap3A_237, %swap3A_238], %swap3A_241 {strides = array<i32>} : memref<2x128xf32, #tpu.memory_space<vmem>>, vector<1x16xf32>,
      %swap3A_242 = arith.constant 0 : i32
      %swap3A_243 = arith.constant 0 : i32
      %swap3A_244 = arith.constant 0 : i32
      %swap3A_245 = arith.constant 0 : i32
      %swap3A_246 = tpu.memref_slice %arg9[%swap3A_242, %swap3A_244, %swap3A_245] : memref<2x2x128xf32, #tpu.memory_space<vmem>> -> memref<1x2x128xf32, #tpu.memory_space<vmem>>
      %swap3A_247 = tpu.memref_squeeze %swap3A_246 : memref<1x2x128xf32, #tpu.memory_space<vmem>> -> memref<2x128xf32, #tpu.memory_space<vmem>>
      %swap3A_248 = arith.index_cast %swap3A_243 : i32 to index
      %swap3A_249 = arith.constant 112 : index
      %swap3A_250 = tpu.vector_load %swap3A_247[%swap3A_248, %swap3A_249] {strides = array<i32>} : memref<2x128xf32, #tpu.memory_space<vmem>>, vector<1x16xf32>,
      %swap3A_251 = vector.shape_cast %swap3A_250 : vector<1x16xf32> to vector<16xf32>
      %swap3A_252 = vector.shape_cast %scan3A_164#7 : vector<16xf32> to vector<1x16xf32>
      tpu.vector_store %swap3A_247[%swap3A_248, %swap3A_249], %swap3A_252 {strides = array<i32>} : memref<2x128xf32, #tpu.memory_space<vmem>>, vector<1x16xf32>,
      %jit3A_253 = arith.constant 32 : i32
      %eq3A_254 = arith.constant 0 : i32
      %eq3A_255 = arith.cmpi eq, %jit3A_253, %eq3A_254 : i32
      %jit3A_256 = arith.constant 1 : i32
      %select_n3A_257 = arith.select %eq3A_255, %jit3A_256, %jit3A_253 : i32
      %rem3A_258 = arith.remsi %add3A_56, %select_n3A_257 : i32
      %ne3A_259 = arith.constant 0 : i32
      %ne3A_260 = arith.cmpi ne, %rem3A_258, %ne3A_259 : i32
      %lt3A_261 = arith.constant 0 : i32
      %lt3A_262 = arith.cmpi slt, %rem3A_258, %lt3A_261 : i32
      %lt3A_263 = arith.constant 0 : i32
      %lt3A_264 = arith.cmpi slt, %select_n3A_257, %lt3A_263 : i32
      %ne3A_265 = arith.xori %lt3A_262, %lt3A_264 : i1
      %and3A_266 = arith.andi %ne3A_265, %ne3A_260 : i1
      %add3A_267 = arith.addi %rem3A_258, %select_n3A_257 : i32
      %select_n3A_268 = arith.select %and3A_266, %add3A_267, %rem3A_258 : i32
      %mul3A_269 = arith.constant 2 : i32
      %mul3A_270 = arith.muli %select_n3A_268, %mul3A_269 : i32
      %add3A_271 = arith.constant 1 : i32
      %add3A_272 = arith.addi %mul3A_270, %add3A_271 : i32
      %get3A_273 = arith.index_cast %add3A_272 : i32 to index
      %get3A_274 = arith.constant 0 : index
      %get3A_275 = tpu.vector_load %arg7[%get3A_273, %get3A_274] {strides = array<i32>} : memref<64x128xf32, #tpu.memory_space<vmem>>, vector<1x16xf32>,
      %get3A_276 = vector.shape_cast %get3A_275 : vector<1x16xf32> to vector<16xf32>
      %get3A_277 = arith.index_cast %add3A_272 : i32 to index
      %get3A_278 = arith.constant 16 : index
      %get3A_279 = tpu.vector_load %arg7[%get3A_277, %get3A_278] {strides = array<i32>} : memref<64x128xf32, #tpu.memory_space<vmem>>, vector<1x16xf32>,
      %get3A_280 = vector.shape_cast %get3A_279 : vector<1x16xf32> to vector<16xf32>
      %get3A_281 = arith.index_cast %add3A_272 : i32 to index
      %get3A_282 = arith.constant 32 : index
      %get3A_283 = tpu.vector_load %arg7[%get3A_281, %get3A_282] {strides = array<i32>} : memref<64x128xf32, #tpu.memory_space<vmem>>, vector<1x16xf32>,
      %get3A_284 = vector.shape_cast %get3A_283 : vector<1x16xf32> to vector<16xf32>
      %get3A_285 = arith.index_cast %add3A_272 : i32 to index
      %get3A_286 = arith.constant 48 : index
      %get3A_287 = tpu.vector_load %arg7[%get3A_285, %get3A_286] {strides = array<i32>} : memref<64x128xf32, #tpu.memory_space<vmem>>, vector<1x16xf32>,
      %get3A_288 = vector.shape_cast %get3A_287 : vector<1x16xf32> to vector<16xf32>
      %get3A_289 = arith.index_cast %add3A_272 : i32 to index
      %get3A_290 = arith.constant 64 : index
      %get3A_291 = tpu.vector_load %arg7[%get3A_289, %get3A_290] {strides = array<i32>} : memref<64x128xf32, #tpu.memory_space<vmem>>, vector<1x16xf32>,
      %get3A_292 = vector.shape_cast %get3A_291 : vector<1x16xf32> to vector<16xf32>
      %get3A_293 = arith.index_cast %add3A_272 : i32 to index
      %get3A_294 = arith.constant 80 : index
      %get3A_295 = tpu.vector_load %arg7[%get3A_293, %get3A_294] {strides = array<i32>} : memref<64x128xf32, #tpu.memory_space<vmem>>, vector<1x16xf32>,
      %get3A_296 = vector.shape_cast %get3A_295 : vector<1x16xf32> to vector<16xf32>
      %get3A_297 = arith.index_cast %add3A_272 : i32 to index
      %get3A_298 = arith.constant 96 : index
      %get3A_299 = tpu.vector_load %arg7[%get3A_297, %get3A_298] {strides = array<i32>} : memref<64x128xf32, #tpu.memory_space<vmem>>, vector<1x16xf32>,
      %get3A_300 = vector.shape_cast %get3A_299 : vector<1x16xf32> to vector<16xf32>
      %get3A_301 = arith.index_cast %add3A_272 : i32 to index
      %get3A_302 = arith.constant 112 : index
      %get3A_303 = tpu.vector_load %arg7[%get3A_301, %get3A_302] {strides = array<i32>} : memref<64x128xf32, #tpu.memory_space<vmem>>, vector<1x16xf32>,
      %get3A_304 = vector.shape_cast %get3A_303 : vector<1x16xf32> to vector<16xf32>
      %broadcast_in_dim3A_305 = arith.constant 0.000000e+00 : f32
      %broadcast_in_dim3A_306 = vector.broadcast %broadcast_in_dim3A_305 : f32 to vector<16xf32>
      %broadcast_in_dim3A_307 = arith.constant 0.000000e+00 : f32
      %broadcast_in_dim3A_308 = vector.broadcast %broadcast_in_dim3A_307 : f32 to vector<16xf32>
      %broadcast_in_dim3A_309 = arith.constant 0.000000e+00 : f32
      %broadcast_in_dim3A_310 = vector.broadcast %broadcast_in_dim3A_309 : f32 to vector<16xf32>
      %broadcast_in_dim3A_311 = arith.constant 0.000000e+00 : f32
      %broadcast_in_dim3A_312 = vector.broadcast %broadcast_in_dim3A_311 : f32 to vector<16xf32>
      %broadcast_in_dim3A_313 = arith.constant 0.000000e+00 : f32
      %broadcast_in_dim3A_314 = vector.broadcast %broadcast_in_dim3A_313 : f32 to vector<16xf32>
      %broadcast_in_dim3A_315 = arith.constant 0.000000e+00 : f32
      %broadcast_in_dim3A_316 = vector.broadcast %broadcast_in_dim3A_315 : f32 to vector<16xf32>
      %broadcast_in_dim3A_317 = arith.constant 0.000000e+00 : f32
      %broadcast_in_dim3A_318 = vector.broadcast %broadcast_in_dim3A_317 : f32 to vector<16xf32>
      %broadcast_in_dim3A_319 = arith.constant 0.000000e+00 : f32
      %broadcast_in_dim3A_320 = vector.broadcast %broadcast_in_dim3A_319 : f32 to vector<16xf32>
      %scan3A_321 = arith.constant 0 : i32
      %scan3A_322 = arith.constant 0 : i32
      %scan3A_323 = arith.constant 16 : i32
      %scan3A_324 = arith.addi %scan3A_322, %scan3A_323 : i32
      %scan3A_325 = arith.constant 1 : i32
      %scan3A_326:8 = scf.for %scan3A_825 = %scan3A_322 to %scan3A_324 step %scan3A_325 iter_args(%scan3A_826 = %broadcast_in_dim3A_306, %scan3A_827 = %broadcast_in_dim3A_308, %scan3A_828 = %broadcast_in_dim3A_310, %scan3A_829 = %broadcast_in_dim3A_312, %scan3A_830 = %broadcast_in_dim3A_314, %scan3A_831 = %broadcast_in_dim3A_316, %scan3A_832 = %broadcast_in_dim3A_318, %scan3A_833 = %broadcast_in_dim3A_320) -> (vector<16xf32>, vector<16xf32>, vector<16xf32>, vector<16xf32>, vector<16xf32>, vector<16xf32>, vector<16xf32>, vector<16xf32>)  : i32 {
        %mul3A_834 = arith.constant 2 : i32
        %mul3A_835 = arith.muli %mul3A_834, %scan3A_825 : i32
        %add3A_836 = arith.constant 32 : i32
        %add3A_837 = arith.addi %add3A_836, %mul3A_835 : i32
        %add3A_838 = arith.constant 0 : i32
        %add3A_839 = arith.addi %add3A_837, %add3A_838 : i32
        %get3A_840 = arith.constant 0 : i32
        %get3A_841 = arith.constant 0 : i32
        %get3A_842 = tpu.memref_slice %arg8[%scan3A_321, %get3A_840, %get3A_841] : memref<2x64x128xf32, #tpu.memory_space<vmem>> -> memref<1x64x128xf32, #tpu.memory_space<vmem>>
        %get3A_843 = tpu.memref_squeeze %get3A_842 : memref<1x64x128xf32, #tpu.memory_space<vmem>> -> memref<64x128xf32, #tpu.memory_space<vmem>>
        %get3A_844 = arith.index_cast %add3A_839 : i32 to index
        %get3A_845 = arith.constant 0 : index
        %get3A_846 = tpu.vector_load %get3A_843[%get3A_844, %get3A_845] {strides = array<i32>} : memref<64x128xf32, #tpu.memory_space<vmem>>, vector<1x16xf32>,
        %get3A_847 = vector.shape_cast %get3A_846 : vector<1x16xf32> to vector<16xf32>
        %add3A_848 = arith.addf %get3A_276, %get3A_847 : vector<16xf32>
        %neg3A = arith.constant 0.000000e+00 : f32
        %neg3A_849 = vector.broadcast %neg3A : f32 to vector<16xf32>
        %neg3A_850 = arith.subf %neg3A_849, %add3A_848 : vector<16xf32>
        %exp3A = math.exp %neg3A_850 : vector<16xf32>
        %add3A_851 = arith.constant 1.000000e+00 : f32
        %add3A_852 = vector.broadcast %add3A_851 : f32 to vector<16xf32>
        %add3A_853 = arith.addf %add3A_852, %exp3A : vector<16xf32>
        %div3A = arith.divf %add3A_848, %add3A_853 : vector<16xf32>
        %add3A_854 = arith.addf %scan3A_826, %div3A : vector<16xf32>
        %get3A_855 = arith.constant 0 : i32
        %get3A_856 = arith.constant 0 : i32
        %get3A_857 = tpu.memref_slice %arg8[%scan3A_321, %get3A_855, %get3A_856] : memref<2x64x128xf32, #tpu.memory_space<vmem>> -> memref<1x64x128xf32, #tpu.memory_space<vmem>>
        %get3A_858 = tpu.memref_squeeze %get3A_857 : memref<1x64x128xf32, #tpu.memory_space<vmem>> -> memref<64x128xf32, #tpu.memory_space<vmem>>
        %get3A_859 = arith.index_cast %add3A_839 : i32 to index
        %get3A_860 = arith.constant 16 : index
        %get3A_861 = tpu.vector_load %get3A_858[%get3A_859, %get3A_860] {strides = array<i32>} : memref<64x128xf32, #tpu.memory_space<vmem>>, vector<1x16xf32>,
        %get3A_862 = vector.shape_cast %get3A_861 : vector<1x16xf32> to vector<16xf32>
        %add3A_863 = arith.addf %get3A_280, %get3A_862 : vector<16xf32>
        %neg3A_864 = arith.constant 0.000000e+00 : f32
        %neg3A_865 = vector.broadcast %neg3A_864 : f32 to vector<16xf32>
        %neg3A_866 = arith.subf %neg3A_865, %add3A_863 : vector<16xf32>
        %exp3A_867 = math.exp %neg3A_866 : vector<16xf32>
        %add3A_868 = arith.constant 1.000000e+00 : f32
        %add3A_869 = vector.broadcast %add3A_868 : f32 to vector<16xf32>
        %add3A_870 = arith.addf %add3A_869, %exp3A_867 : vector<16xf32>
        %div3A_871 = arith.divf %add3A_863, %add3A_870 : vector<16xf32>
        %add3A_872 = arith.addf %scan3A_827, %div3A_871 : vector<16xf32>
        %get3A_873 = arith.constant 0 : i32
        %get3A_874 = arith.constant 0 : i32
        %get3A_875 = tpu.memref_slice %arg8[%scan3A_321, %get3A_873, %get3A_874] : memref<2x64x128xf32, #tpu.memory_space<vmem>> -> memref<1x64x128xf32, #tpu.memory_space<vmem>>
        %get3A_876 = tpu.memref_squeeze %get3A_875 : memref<1x64x128xf32, #tpu.memory_space<vmem>> -> memref<64x128xf32, #tpu.memory_space<vmem>>
        %get3A_877 = arith.index_cast %add3A_839 : i32 to index
        %get3A_878 = arith.constant 32 : index
        %get3A_879 = tpu.vector_load %get3A_876[%get3A_877, %get3A_878] {strides = array<i32>} : memref<64x128xf32, #tpu.memory_space<vmem>>, vector<1x16xf32>,
        %get3A_880 = vector.shape_cast %get3A_879 : vector<1x16xf32> to vector<16xf32>
        %add3A_881 = arith.addf %get3A_284, %get3A_880 : vector<16xf32>
        %neg3A_882 = arith.constant 0.000000e+00 : f32
        %neg3A_883 = vector.broadcast %neg3A_882 : f32 to vector<16xf32>
        %neg3A_884 = arith.subf %neg3A_883, %add3A_881 : vector<16xf32>
        %exp3A_885 = math.exp %neg3A_884 : vector<16xf32>
        %add3A_886 = arith.constant 1.000000e+00 : f32
        %add3A_887 = vector.broadcast %add3A_886 : f32 to vector<16xf32>
        %add3A_888 = arith.addf %add3A_887, %exp3A_885 : vector<16xf32>
        %div3A_889 = arith.divf %add3A_881, %add3A_888 : vector<16xf32>
        %add3A_890 = arith.addf %scan3A_828, %div3A_889 : vector<16xf32>
        %get3A_891 = arith.constant 0 : i32
        %get3A_892 = arith.constant 0 : i32
        %get3A_893 = tpu.memref_slice %arg8[%scan3A_321, %get3A_891, %get3A_892] : memref<2x64x128xf32, #tpu.memory_space<vmem>> -> memref<1x64x128xf32, #tpu.memory_space<vmem>>
        %get3A_894 = tpu.memref_squeeze %get3A_893 : memref<1x64x128xf32, #tpu.memory_space<vmem>> -> memref<64x128xf32, #tpu.memory_space<vmem>>
        %get3A_895 = arith.index_cast %add3A_839 : i32 to index
        %get3A_896 = arith.constant 48 : index
        %get3A_897 = tpu.vector_load %get3A_894[%get3A_895, %get3A_896] {strides = array<i32>} : memref<64x128xf32, #tpu.memory_space<vmem>>, vector<1x16xf32>,
        %get3A_898 = vector.shape_cast %get3A_897 : vector<1x16xf32> to vector<16xf32>
        %add3A_899 = arith.addf %get3A_288, %get3A_898 : vector<16xf32>
        %neg3A_900 = arith.constant 0.000000e+00 : f32
        %neg3A_901 = vector.broadcast %neg3A_900 : f32 to vector<16xf32>
        %neg3A_902 = arith.subf %neg3A_901, %add3A_899 : vector<16xf32>
        %exp3A_903 = math.exp %neg3A_902 : vector<16xf32>
        %add3A_904 = arith.constant 1.000000e+00 : f32
        %add3A_905 = vector.broadcast %add3A_904 : f32 to vector<16xf32>
        %add3A_906 = arith.addf %add3A_905, %exp3A_903 : vector<16xf32>
        %div3A_907 = arith.divf %add3A_899, %add3A_906 : vector<16xf32>
        %add3A_908 = arith.addf %scan3A_829, %div3A_907 : vector<16xf32>
        %get3A_909 = arith.constant 0 : i32
        %get3A_910 = arith.constant 0 : i32
        %get3A_911 = tpu.memref_slice %arg8[%scan3A_321, %get3A_909, %get3A_910] : memref<2x64x128xf32, #tpu.memory_space<vmem>> -> memref<1x64x128xf32, #tpu.memory_space<vmem>>
        %get3A_912 = tpu.memref_squeeze %get3A_911 : memref<1x64x128xf32, #tpu.memory_space<vmem>> -> memref<64x128xf32, #tpu.memory_space<vmem>>
        %get3A_913 = arith.index_cast %add3A_839 : i32 to index
        %get3A_914 = arith.constant 64 : index
        %get3A_915 = tpu.vector_load %get3A_912[%get3A_913, %get3A_914] {strides = array<i32>} : memref<64x128xf32, #tpu.memory_space<vmem>>, vector<1x16xf32>,
        %get3A_916 = vector.shape_cast %get3A_915 : vector<1x16xf32> to vector<16xf32>
        %add3A_917 = arith.addf %get3A_292, %get3A_916 : vector<16xf32>
        %neg3A_918 = arith.constant 0.000000e+00 : f32
        %neg3A_919 = vector.broadcast %neg3A_918 : f32 to vector<16xf32>
        %neg3A_920 = arith.subf %neg3A_919, %add3A_917 : vector<16xf32>
        %exp3A_921 = math.exp %neg3A_920 : vector<16xf32>
        %add3A_922 = arith.constant 1.000000e+00 : f32
        %add3A_923 = vector.broadcast %add3A_922 : f32 to vector<16xf32>
        %add3A_924 = arith.addf %add3A_923, %exp3A_921 : vector<16xf32>
        %div3A_925 = arith.divf %add3A_917, %add3A_924 : vector<16xf32>
        %add3A_926 = arith.addf %scan3A_830, %div3A_925 : vector<16xf32>
        %get3A_927 = arith.constant 0 : i32
        %get3A_928 = arith.constant 0 : i32
        %get3A_929 = tpu.memref_slice %arg8[%scan3A_321, %get3A_927, %get3A_928] : memref<2x64x128xf32, #tpu.memory_space<vmem>> -> memref<1x64x128xf32, #tpu.memory_space<vmem>>
        %get3A_930 = tpu.memref_squeeze %get3A_929 : memref<1x64x128xf32, #tpu.memory_space<vmem>> -> memref<64x128xf32, #tpu.memory_space<vmem>>
        %get3A_931 = arith.index_cast %add3A_839 : i32 to index
        %get3A_932 = arith.constant 80 : index
        %get3A_933 = tpu.vector_load %get3A_930[%get3A_931, %get3A_932] {strides = array<i32>} : memref<64x128xf32, #tpu.memory_space<vmem>>, vector<1x16xf32>,
        %get3A_934 = vector.shape_cast %get3A_933 : vector<1x16xf32> to vector<16xf32>
        %add3A_935 = arith.addf %get3A_296, %get3A_934 : vector<16xf32>
        %neg3A_936 = arith.constant 0.000000e+00 : f32
        %neg3A_937 = vector.broadcast %neg3A_936 : f32 to vector<16xf32>
        %neg3A_938 = arith.subf %neg3A_937, %add3A_935 : vector<16xf32>
        %exp3A_939 = math.exp %neg3A_938 : vector<16xf32>
        %add3A_940 = arith.constant 1.000000e+00 : f32
        %add3A_941 = vector.broadcast %add3A_940 : f32 to vector<16xf32>
        %add3A_942 = arith.addf %add3A_941, %exp3A_939 : vector<16xf32>
        %div3A_943 = arith.divf %add3A_935, %add3A_942 : vector<16xf32>
        %add3A_944 = arith.addf %scan3A_831, %div3A_943 : vector<16xf32>
        %get3A_945 = arith.constant 0 : i32
        %get3A_946 = arith.constant 0 : i32
        %get3A_947 = tpu.memref_slice %arg8[%scan3A_321, %get3A_945, %get3A_946] : memref<2x64x128xf32, #tpu.memory_space<vmem>> -> memref<1x64x128xf32, #tpu.memory_space<vmem>>
        %get3A_948 = tpu.memref_squeeze %get3A_947 : memref<1x64x128xf32, #tpu.memory_space<vmem>> -> memref<64x128xf32, #tpu.memory_space<vmem>>
        %get3A_949 = arith.index_cast %add3A_839 : i32 to index
        %get3A_950 = arith.constant 96 : index
        %get3A_951 = tpu.vector_load %get3A_948[%get3A_949, %get3A_950] {strides = array<i32>} : memref<64x128xf32, #tpu.memory_space<vmem>>, vector<1x16xf32>,
        %get3A_952 = vector.shape_cast %get3A_951 : vector<1x16xf32> to vector<16xf32>
        %add3A_953 = arith.addf %get3A_300, %get3A_952 : vector<16xf32>
        %neg3A_954 = arith.constant 0.000000e+00 : f32
        %neg3A_955 = vector.broadcast %neg3A_954 : f32 to vector<16xf32>
        %neg3A_956 = arith.subf %neg3A_955, %add3A_953 : vector<16xf32>
        %exp3A_957 = math.exp %neg3A_956 : vector<16xf32>
        %add3A_958 = arith.constant 1.000000e+00 : f32
        %add3A_959 = vector.broadcast %add3A_958 : f32 to vector<16xf32>
        %add3A_960 = arith.addf %add3A_959, %exp3A_957 : vector<16xf32>
        %div3A_961 = arith.divf %add3A_953, %add3A_960 : vector<16xf32>
        %add3A_962 = arith.addf %scan3A_832, %div3A_961 : vector<16xf32>
        %get3A_963 = arith.constant 0 : i32
        %get3A_964 = arith.constant 0 : i32
        %get3A_965 = tpu.memref_slice %arg8[%scan3A_321, %get3A_963, %get3A_964] : memref<2x64x128xf32, #tpu.memory_space<vmem>> -> memref<1x64x128xf32, #tpu.memory_space<vmem>>
        %get3A_966 = tpu.memref_squeeze %get3A_965 : memref<1x64x128xf32, #tpu.memory_space<vmem>> -> memref<64x128xf32, #tpu.memory_space<vmem>>
        %get3A_967 = arith.index_cast %add3A_839 : i32 to index
        %get3A_968 = arith.constant 112 : index
        %get3A_969 = tpu.vector_load %get3A_966[%get3A_967, %get3A_968] {strides = array<i32>} : memref<64x128xf32, #tpu.memory_space<vmem>>, vector<1x16xf32>,
        %get3A_970 = vector.shape_cast %get3A_969 : vector<1x16xf32> to vector<16xf32>
        %add3A_971 = arith.addf %get3A_304, %get3A_970 : vector<16xf32>
        %neg3A_972 = arith.constant 0.000000e+00 : f32
        %neg3A_973 = vector.broadcast %neg3A_972 : f32 to vector<16xf32>
        %neg3A_974 = arith.subf %neg3A_973, %add3A_971 : vector<16xf32>
        %exp3A_975 = math.exp %neg3A_974 : vector<16xf32>
        %add3A_976 = arith.constant 1.000000e+00 : f32
        %add3A_977 = vector.broadcast %add3A_976 : f32 to vector<16xf32>
        %add3A_978 = arith.addf %add3A_977, %exp3A_975 : vector<16xf32>
        %div3A_979 = arith.divf %add3A_971, %add3A_978 : vector<16xf32>
        %add3A_980 = arith.addf %scan3A_833, %div3A_979 : vector<16xf32>
        %mul3A_981 = arith.constant 2 : i32
        %mul3A_982 = arith.muli %mul3A_981, %scan3A_825 : i32
        %add3A_983 = arith.constant 32 : i32
        %add3A_984 = arith.addi %add3A_983, %mul3A_982 : i32
        %add3A_985 = arith.constant 1 : i32
        %add3A_986 = arith.addi %add3A_984, %add3A_985 : i32
        %get3A_987 = arith.constant 0 : i32
        %get3A_988 = arith.constant 0 : i32
        %get3A_989 = tpu.memref_slice %arg8[%scan3A_321, %get3A_987, %get3A_988] : memref<2x64x128xf32, #tpu.memory_space<vmem>> -> memref<1x64x128xf32, #tpu.memory_space<vmem>>
        %get3A_990 = tpu.memref_squeeze %get3A_989 : memref<1x64x128xf32, #tpu.memory_space<vmem>> -> memref<64x128xf32, #tpu.memory_space<vmem>>
        %get3A_991 = arith.index_cast %add3A_986 : i32 to index
        %get3A_992 = arith.constant 0 : index
        %get3A_993 = tpu.vector_load %get3A_990[%get3A_991, %get3A_992] {strides = array<i32>} : memref<64x128xf32, #tpu.memory_space<vmem>>, vector<1x16xf32>,
        %get3A_994 = vector.shape_cast %get3A_993 : vector<1x16xf32> to vector<16xf32>
        %add3A_995 = arith.addf %get3A_276, %get3A_994 : vector<16xf32>
        %neg3A_996 = arith.constant 0.000000e+00 : f32
        %neg3A_997 = vector.broadcast %neg3A_996 : f32 to vector<16xf32>
        %neg3A_998 = arith.subf %neg3A_997, %add3A_995 : vector<16xf32>
        %exp3A_999 = math.exp %neg3A_998 : vector<16xf32>
        %add3A_1000 = arith.constant 1.000000e+00 : f32
        %add3A_1001 = vector.broadcast %add3A_1000 : f32 to vector<16xf32>
        %add3A_1002 = arith.addf %add3A_1001, %exp3A_999 : vector<16xf32>
        %div3A_1003 = arith.divf %add3A_995, %add3A_1002 : vector<16xf32>
        %add3A_1004 = arith.addf %add3A_854, %div3A_1003 : vector<16xf32>
        %get3A_1005 = arith.constant 0 : i32
        %get3A_1006 = arith.constant 0 : i32
        %get3A_1007 = tpu.memref_slice %arg8[%scan3A_321, %get3A_1005, %get3A_1006] : memref<2x64x128xf32, #tpu.memory_space<vmem>> -> memref<1x64x128xf32, #tpu.memory_space<vmem>>
        %get3A_1008 = tpu.memref_squeeze %get3A_1007 : memref<1x64x128xf32, #tpu.memory_space<vmem>> -> memref<64x128xf32, #tpu.memory_space<vmem>>
        %get3A_1009 = arith.index_cast %add3A_986 : i32 to index
        %get3A_1010 = arith.constant 16 : index
        %get3A_1011 = tpu.vector_load %get3A_1008[%get3A_1009, %get3A_1010] {strides = array<i32>} : memref<64x128xf32, #tpu.memory_space<vmem>>, vector<1x16xf32>,
        %get3A_1012 = vector.shape_cast %get3A_1011 : vector<1x16xf32> to vector<16xf32>
        %add3A_1013 = arith.addf %get3A_280, %get3A_1012 : vector<16xf32>
        %neg3A_1014 = arith.constant 0.000000e+00 : f32
        %neg3A_1015 = vector.broadcast %neg3A_1014 : f32 to vector<16xf32>
        %neg3A_1016 = arith.subf %neg3A_1015, %add3A_1013 : vector<16xf32>
        %exp3A_1017 = math.exp %neg3A_1016 : vector<16xf32>
        %add3A_1018 = arith.constant 1.000000e+00 : f32
        %add3A_1019 = vector.broadcast %add3A_1018 : f32 to vector<16xf32>
        %add3A_1020 = arith.addf %add3A_1019, %exp3A_1017 : vector<16xf32>
        %div3A_1021 = arith.divf %add3A_1013, %add3A_1020 : vector<16xf32>
        %add3A_1022 = arith.addf %add3A_872, %div3A_1021 : vector<16xf32>
        %get3A_1023 = arith.constant 0 : i32
        %get3A_1024 = arith.constant 0 : i32
        %get3A_1025 = tpu.memref_slice %arg8[%scan3A_321, %get3A_1023, %get3A_1024] : memref<2x64x128xf32, #tpu.memory_space<vmem>> -> memref<1x64x128xf32, #tpu.memory_space<vmem>>
        %get3A_1026 = tpu.memref_squeeze %get3A_1025 : memref<1x64x128xf32, #tpu.memory_space<vmem>> -> memref<64x128xf32, #tpu.memory_space<vmem>>
        %get3A_1027 = arith.index_cast %add3A_986 : i32 to index
        %get3A_1028 = arith.constant 32 : index
        %get3A_1029 = tpu.vector_load %get3A_1026[%get3A_1027, %get3A_1028] {strides = array<i32>} : memref<64x128xf32, #tpu.memory_space<vmem>>, vector<1x16xf32>,
        %get3A_1030 = vector.shape_cast %get3A_1029 : vector<1x16xf32> to vector<16xf32>
        %add3A_1031 = arith.addf %get3A_284, %get3A_1030 : vector<16xf32>
        %neg3A_1032 = arith.constant 0.000000e+00 : f32
        %neg3A_1033 = vector.broadcast %neg3A_1032 : f32 to vector<16xf32>
        %neg3A_1034 = arith.subf %neg3A_1033, %add3A_1031 : vector<16xf32>
        %exp3A_1035 = math.exp %neg3A_1034 : vector<16xf32>
        %add3A_1036 = arith.constant 1.000000e+00 : f32
        %add3A_1037 = vector.broadcast %add3A_1036 : f32 to vector<16xf32>
        %add3A_1038 = arith.addf %add3A_1037, %exp3A_1035 : vector<16xf32>
        %div3A_1039 = arith.divf %add3A_1031, %add3A_1038 : vector<16xf32>
        %add3A_1040 = arith.addf %add3A_890, %div3A_1039 : vector<16xf32>
        %get3A_1041 = arith.constant 0 : i32
        %get3A_1042 = arith.constant 0 : i32
        %get3A_1043 = tpu.memref_slice %arg8[%scan3A_321, %get3A_1041, %get3A_1042] : memref<2x64x128xf32, #tpu.memory_space<vmem>> -> memref<1x64x128xf32, #tpu.memory_space<vmem>>
        %get3A_1044 = tpu.memref_squeeze %get3A_1043 : memref<1x64x128xf32, #tpu.memory_space<vmem>> -> memref<64x128xf32, #tpu.memory_space<vmem>>
        %get3A_1045 = arith.index_cast %add3A_986 : i32 to index
        %get3A_1046 = arith.constant 48 : index
        %get3A_1047 = tpu.vector_load %get3A_1044[%get3A_1045, %get3A_1046] {strides = array<i32>} : memref<64x128xf32, #tpu.memory_space<vmem>>, vector<1x16xf32>,
        %get3A_1048 = vector.shape_cast %get3A_1047 : vector<1x16xf32> to vector<16xf32>
        %add3A_1049 = arith.addf %get3A_288, %get3A_1048 : vector<16xf32>
        %neg3A_1050 = arith.constant 0.000000e+00 : f32
        %neg3A_1051 = vector.broadcast %neg3A_1050 : f32 to vector<16xf32>
        %neg3A_1052 = arith.subf %neg3A_1051, %add3A_1049 : vector<16xf32>
        %exp3A_1053 = math.exp %neg3A_1052 : vector<16xf32>
        %add3A_1054 = arith.constant 1.000000e+00 : f32
        %add3A_1055 = vector.broadcast %add3A_1054 : f32 to vector<16xf32>
        %add3A_1056 = arith.addf %add3A_1055, %exp3A_1053 : vector<16xf32>
        %div3A_1057 = arith.divf %add3A_1049, %add3A_1056 : vector<16xf32>
        %add3A_1058 = arith.addf %add3A_908, %div3A_1057 : vector<16xf32>
        %get3A_1059 = arith.constant 0 : i32
        %get3A_1060 = arith.constant 0 : i32
        %get3A_1061 = tpu.memref_slice %arg8[%scan3A_321, %get3A_1059, %get3A_1060] : memref<2x64x128xf32, #tpu.memory_space<vmem>> -> memref<1x64x128xf32, #tpu.memory_space<vmem>>
        %get3A_1062 = tpu.memref_squeeze %get3A_1061 : memref<1x64x128xf32, #tpu.memory_space<vmem>> -> memref<64x128xf32, #tpu.memory_space<vmem>>
        %get3A_1063 = arith.index_cast %add3A_986 : i32 to index
        %get3A_1064 = arith.constant 64 : index
        %get3A_1065 = tpu.vector_load %get3A_1062[%get3A_1063, %get3A_1064] {strides = array<i32>} : memref<64x128xf32, #tpu.memory_space<vmem>>, vector<1x16xf32>,
        %get3A_1066 = vector.shape_cast %get3A_1065 : vector<1x16xf32> to vector<16xf32>
        %add3A_1067 = arith.addf %get3A_292, %get3A_1066 : vector<16xf32>
        %neg3A_1068 = arith.constant 0.000000e+00 : f32
        %neg3A_1069 = vector.broadcast %neg3A_1068 : f32 to vector<16xf32>
        %neg3A_1070 = arith.subf %neg3A_1069, %add3A_1067 : vector<16xf32>
        %exp3A_1071 = math.exp %neg3A_1070 : vector<16xf32>
        %add3A_1072 = arith.constant 1.000000e+00 : f32
        %add3A_1073 = vector.broadcast %add3A_1072 : f32 to vector<16xf32>
        %add3A_1074 = arith.addf %add3A_1073, %exp3A_1071 : vector<16xf32>
        %div3A_1075 = arith.divf %add3A_1067, %add3A_1074 : vector<16xf32>
        %add3A_1076 = arith.addf %add3A_926, %div3A_1075 : vector<16xf32>
        %get3A_1077 = arith.constant 0 : i32
        %get3A_1078 = arith.constant 0 : i32
        %get3A_1079 = tpu.memref_slice %arg8[%scan3A_321, %get3A_1077, %get3A_1078] : memref<2x64x128xf32, #tpu.memory_space<vmem>> -> memref<1x64x128xf32, #tpu.memory_space<vmem>>
        %get3A_1080 = tpu.memref_squeeze %get3A_1079 : memref<1x64x128xf32, #tpu.memory_space<vmem>> -> memref<64x128xf32, #tpu.memory_space<vmem>>
        %get3A_1081 = arith.index_cast %add3A_986 : i32 to index
        %get3A_1082 = arith.constant 80 : index
        %get3A_1083 = tpu.vector_load %get3A_1080[%get3A_1081, %get3A_1082] {strides = array<i32>} : memref<64x128xf32, #tpu.memory_space<vmem>>, vector<1x16xf32>,
        %get3A_1084 = vector.shape_cast %get3A_1083 : vector<1x16xf32> to vector<16xf32>
        %add3A_1085 = arith.addf %get3A_296, %get3A_1084 : vector<16xf32>
        %neg3A_1086 = arith.constant 0.000000e+00 : f32
        %neg3A_1087 = vector.broadcast %neg3A_1086 : f32 to vector<16xf32>
        %neg3A_1088 = arith.subf %neg3A_1087, %add3A_1085 : vector<16xf32>
        %exp3A_1089 = math.exp %neg3A_1088 : vector<16xf32>
        %add3A_1090 = arith.constant 1.000000e+00 : f32
        %add3A_1091 = vector.broadcast %add3A_1090 : f32 to vector<16xf32>
        %add3A_1092 = arith.addf %add3A_1091, %exp3A_1089 : vector<16xf32>
        %div3A_1093 = arith.divf %add3A_1085, %add3A_1092 : vector<16xf32>
        %add3A_1094 = arith.addf %add3A_944, %div3A_1093 : vector<16xf32>
        %get3A_1095 = arith.constant 0 : i32
        %get3A_1096 = arith.constant 0 : i32
        %get3A_1097 = tpu.memref_slice %arg8[%scan3A_321, %get3A_1095, %get3A_1096] : memref<2x64x128xf32, #tpu.memory_space<vmem>> -> memref<1x64x128xf32, #tpu.memory_space<vmem>>
        %get3A_1098 = tpu.memref_squeeze %get3A_1097 : memref<1x64x128xf32, #tpu.memory_space<vmem>> -> memref<64x128xf32, #tpu.memory_space<vmem>>
        %get3A_1099 = arith.index_cast %add3A_986 : i32 to index
        %get3A_1100 = arith.constant 96 : index
        %get3A_1101 = tpu.vector_load %get3A_1098[%get3A_1099, %get3A_1100] {strides = array<i32>} : memref<64x128xf32, #tpu.memory_space<vmem>>, vector<1x16xf32>,
        %get3A_1102 = vector.shape_cast %get3A_1101 : vector<1x16xf32> to vector<16xf32>
        %add3A_1103 = arith.addf %get3A_300, %get3A_1102 : vector<16xf32>
        %neg3A_1104 = arith.constant 0.000000e+00 : f32
        %neg3A_1105 = vector.broadcast %neg3A_1104 : f32 to vector<16xf32>
        %neg3A_1106 = arith.subf %neg3A_1105, %add3A_1103 : vector<16xf32>
        %exp3A_1107 = math.exp %neg3A_1106 : vector<16xf32>
        %add3A_1108 = arith.constant 1.000000e+00 : f32
        %add3A_1109 = vector.broadcast %add3A_1108 : f32 to vector<16xf32>
        %add3A_1110 = arith.addf %add3A_1109, %exp3A_1107 : vector<16xf32>
        %div3A_1111 = arith.divf %add3A_1103, %add3A_1110 : vector<16xf32>
        %add3A_1112 = arith.addf %add3A_962, %div3A_1111 : vector<16xf32>
        %get3A_1113 = arith.constant 0 : i32
        %get3A_1114 = arith.constant 0 : i32
        %get3A_1115 = tpu.memref_slice %arg8[%scan3A_321, %get3A_1113, %get3A_1114] : memref<2x64x128xf32, #tpu.memory_space<vmem>> -> memref<1x64x128xf32, #tpu.memory_space<vmem>>
        %get3A_1116 = tpu.memref_squeeze %get3A_1115 : memref<1x64x128xf32, #tpu.memory_space<vmem>> -> memref<64x128xf32, #tpu.memory_space<vmem>>
        %get3A_1117 = arith.index_cast %add3A_986 : i32 to index
        %get3A_1118 = arith.constant 112 : index
        %get3A_1119 = tpu.vector_load %get3A_1116[%get3A_1117, %get3A_1118] {strides = array<i32>} : memref<64x128xf32, #tpu.memory_space<vmem>>, vector<1x16xf32>,
        %get3A_1120 = vector.shape_cast %get3A_1119 : vector<1x16xf32> to vector<16xf32>
        %add3A_1121 = arith.addf %get3A_304, %get3A_1120 : vector<16xf32>
        %neg3A_1122 = arith.constant 0.000000e+00 : f32
        %neg3A_1123 = vector.broadcast %neg3A_1122 : f32 to vector<16xf32>
        %neg3A_1124 = arith.subf %neg3A_1123, %add3A_1121 : vector<16xf32>
        %exp3A_1125 = math.exp %neg3A_1124 : vector<16xf32>
        %add3A_1126 = arith.constant 1.000000e+00 : f32
        %add3A_1127 = vector.broadcast %add3A_1126 : f32 to vector<16xf32>
        %add3A_1128 = arith.addf %add3A_1127, %exp3A_1125 : vector<16xf32>
        %div3A_1129 = arith.divf %add3A_1121, %add3A_1128 : vector<16xf32>
        %add3A_1130 = arith.addf %add3A_980, %div3A_1129 : vector<16xf32>
        scf.yield %add3A_1004, %add3A_1022, %add3A_1040, %add3A_1058, %add3A_1076, %add3A_1094, %add3A_1112, %add3A_1130 : vector<16xf32>, vector<16xf32>, vector<16xf32>, vector<16xf32>, vector<16xf32>, vector<16xf32>, vector<16xf32>, vector<16xf32>
      }
      %scan3A_327 = arith.constant 16 : i32
      %swap3A_328 = arith.constant 0 : i32
      %swap3A_329 = arith.constant 1 : i32
      %swap3A_330 = arith.constant 0 : i32
      %swap3A_331 = arith.constant 0 : i32
      %swap3A_332 = tpu.memref_slice %arg9[%swap3A_328, %swap3A_330, %swap3A_331] : memref<2x2x128xf32, #tpu.memory_space<vmem>> -> memref<1x2x128xf32, #tpu.memory_space<vmem>>
      %swap3A_333 = tpu.memref_squeeze %swap3A_332 : memref<1x2x128xf32, #tpu.memory_space<vmem>> -> memref<2x128xf32, #tpu.memory_space<vmem>>
      %swap3A_334 = arith.index_cast %swap3A_329 : i32 to index
      %swap3A_335 = arith.constant 0 : index
      %swap3A_336 = tpu.vector_load %swap3A_333[%swap3A_334, %swap3A_335] {strides = array<i32>} : memref<2x128xf32, #tpu.memory_space<vmem>>, vector<1x16xf32>,
      %swap3A_337 = vector.shape_cast %swap3A_336 : vector<1x16xf32> to vector<16xf32>
      %swap3A_338 = vector.shape_cast %scan3A_326#0 : vector<16xf32> to vector<1x16xf32>
      tpu.vector_store %swap3A_333[%swap3A_334, %swap3A_335], %swap3A_338 {strides = array<i32>} : memref<2x128xf32, #tpu.memory_space<vmem>>, vector<1x16xf32>,
      %swap3A_339 = arith.constant 0 : i32
      %swap3A_340 = arith.constant 1 : i32
      %swap3A_341 = arith.constant 0 : i32
      %swap3A_342 = arith.constant 0 : i32
      %swap3A_343 = tpu.memref_slice %arg9[%swap3A_339, %swap3A_341, %swap3A_342] : memref<2x2x128xf32, #tpu.memory_space<vmem>> -> memref<1x2x128xf32, #tpu.memory_space<vmem>>
      %swap3A_344 = tpu.memref_squeeze %swap3A_343 : memref<1x2x128xf32, #tpu.memory_space<vmem>> -> memref<2x128xf32, #tpu.memory_space<vmem>>
      %swap3A_345 = arith.index_cast %swap3A_340 : i32 to index
      %swap3A_346 = arith.constant 16 : index
      %swap3A_347 = tpu.vector_load %swap3A_344[%swap3A_345, %swap3A_346] {strides = array<i32>} : memref<2x128xf32, #tpu.memory_space<vmem>>, vector<1x16xf32>,
      %swap3A_348 = vector.shape_cast %swap3A_347 : vector<1x16xf32> to vector<16xf32>
      %swap3A_349 = vector.shape_cast %scan3A_326#1 : vector<16xf32> to vector<1x16xf32>
      tpu.vector_store %swap3A_344[%swap3A_345, %swap3A_346], %swap3A_349 {strides = array<i32>} : memref<2x128xf32, #tpu.memory_space<vmem>>, vector<1x16xf32>,
      %swap3A_350 = arith.constant 0 : i32
      %swap3A_351 = arith.constant 1 : i32
      %swap3A_352 = arith.constant 0 : i32
      %swap3A_353 = arith.constant 0 : i32
      %swap3A_354 = tpu.memref_slice %arg9[%swap3A_350, %swap3A_352, %swap3A_353] : memref<2x2x128xf32, #tpu.memory_space<vmem>> -> memref<1x2x128xf32, #tpu.memory_space<vmem>>
      %swap3A_355 = tpu.memref_squeeze %swap3A_354 : memref<1x2x128xf32, #tpu.memory_space<vmem>> -> memref<2x128xf32, #tpu.memory_space<vmem>>
      %swap3A_356 = arith.index_cast %swap3A_351 : i32 to index
      %swap3A_357 = arith.constant 32 : index
      %swap3A_358 = tpu.vector_load %swap3A_355[%swap3A_356, %swap3A_357] {strides = array<i32>} : memref<2x128xf32, #tpu.memory_space<vmem>>, vector<1x16xf32>,
      %swap3A_359 = vector.shape_cast %swap3A_358 : vector<1x16xf32> to vector<16xf32>
      %swap3A_360 = vector.shape_cast %scan3A_326#2 : vector<16xf32> to vector<1x16xf32>
      tpu.vector_store %swap3A_355[%swap3A_356, %swap3A_357], %swap3A_360 {strides = array<i32>} : memref<2x128xf32, #tpu.memory_space<vmem>>, vector<1x16xf32>,
      %swap3A_361 = arith.constant 0 : i32
      %swap3A_362 = arith.constant 1 : i32
      %swap3A_363 = arith.constant 0 : i32
      %swap3A_364 = arith.constant 0 : i32
      %swap3A_365 = tpu.memref_slice %arg9[%swap3A_361, %swap3A_363, %swap3A_364] : memref<2x2x128xf32, #tpu.memory_space<vmem>> -> memref<1x2x128xf32, #tpu.memory_space<vmem>>
      %swap3A_366 = tpu.memref_squeeze %swap3A_365 : memref<1x2x128xf32, #tpu.memory_space<vmem>> -> memref<2x128xf32, #tpu.memory_space<vmem>>
      %swap3A_367 = arith.index_cast %swap3A_362 : i32 to index
      %swap3A_368 = arith.constant 48 : index
      %swap3A_369 = tpu.vector_load %swap3A_366[%swap3A_367, %swap3A_368] {strides = array<i32>} : memref<2x128xf32, #tpu.memory_space<vmem>>, vector<1x16xf32>,
      %swap3A_370 = vector.shape_cast %swap3A_369 : vector<1x16xf32> to vector<16xf32>
      %swap3A_371 = vector.shape_cast %scan3A_326#3 : vector<16xf32> to vector<1x16xf32>
      tpu.vector_store %swap3A_366[%swap3A_367, %swap3A_368], %swap3A_371 {strides = array<i32>} : memref<2x128xf32, #tpu.memory_space<vmem>>, vector<1x16xf32>,
      %swap3A_372 = arith.constant 0 : i32
      %swap3A_373 = arith.constant 1 : i32
      %swap3A_374 = arith.constant 0 : i32
      %swap3A_375 = arith.constant 0 : i32
      %swap3A_376 = tpu.memref_slice %arg9[%swap3A_372, %swap3A_374, %swap3A_375] : memref<2x2x128xf32, #tpu.memory_space<vmem>> -> memref<1x2x128xf32, #tpu.memory_space<vmem>>
      %swap3A_377 = tpu.memref_squeeze %swap3A_376 : memref<1x2x128xf32, #tpu.memory_space<vmem>> -> memref<2x128xf32, #tpu.memory_space<vmem>>
      %swap3A_378 = arith.index_cast %swap3A_373 : i32 to index
      %swap3A_379 = arith.constant 64 : index
      %swap3A_380 = tpu.vector_load %swap3A_377[%swap3A_378, %swap3A_379] {strides = array<i32>} : memref<2x128xf32, #tpu.memory_space<vmem>>, vector<1x16xf32>,
      %swap3A_381 = vector.shape_cast %swap3A_380 : vector<1x16xf32> to vector<16xf32>
      %swap3A_382 = vector.shape_cast %scan3A_326#4 : vector<16xf32> to vector<1x16xf32>
      tpu.vector_store %swap3A_377[%swap3A_378, %swap3A_379], %swap3A_382 {strides = array<i32>} : memref<2x128xf32, #tpu.memory_space<vmem>>, vector<1x16xf32>,
      %swap3A_383 = arith.constant 0 : i32
      %swap3A_384 = arith.constant 1 : i32
      %swap3A_385 = arith.constant 0 : i32
      %swap3A_386 = arith.constant 0 : i32
      %swap3A_387 = tpu.memref_slice %arg9[%swap3A_383, %swap3A_385, %swap3A_386] : memref<2x2x128xf32, #tpu.memory_space<vmem>> -> memref<1x2x128xf32, #tpu.memory_space<vmem>>
      %swap3A_388 = tpu.memref_squeeze %swap3A_387 : memref<1x2x128xf32, #tpu.memory_space<vmem>> -> memref<2x128xf32, #tpu.memory_space<vmem>>
      %swap3A_389 = arith.index_cast %swap3A_384 : i32 to index
      %swap3A_390 = arith.constant 80 : index
      %swap3A_391 = tpu.vector_load %swap3A_388[%swap3A_389, %swap3A_390] {strides = array<i32>} : memref<2x128xf32, #tpu.memory_space<vmem>>, vector<1x16xf32>,
      %swap3A_392 = vector.shape_cast %swap3A_391 : vector<1x16xf32> to vector<16xf32>
      %swap3A_393 = vector.shape_cast %scan3A_326#5 : vector<16xf32> to vector<1x16xf32>
      tpu.vector_store %swap3A_388[%swap3A_389, %swap3A_390], %swap3A_393 {strides = array<i32>} : memref<2x128xf32, #tpu.memory_space<vmem>>, vector<1x16xf32>,
      %swap3A_394 = arith.constant 0 : i32
      %swap3A_395 = arith.constant 1 : i32
      %swap3A_396 = arith.constant 0 : i32
      %swap3A_397 = arith.constant 0 : i32
      %swap3A_398 = tpu.memref_slice %arg9[%swap3A_394, %swap3A_396, %swap3A_397] : memref<2x2x128xf32, #tpu.memory_space<vmem>> -> memref<1x2x128xf32, #tpu.memory_space<vmem>>
      %swap3A_399 = tpu.memref_squeeze %swap3A_398 : memref<1x2x128xf32, #tpu.memory_space<vmem>> -> memref<2x128xf32, #tpu.memory_space<vmem>>
      %swap3A_400 = arith.index_cast %swap3A_395 : i32 to index
      %swap3A_401 = arith.constant 96 : index
      %swap3A_402 = tpu.vector_load %swap3A_399[%swap3A_400, %swap3A_401] {strides = array<i32>} : memref<2x128xf32, #tpu.memory_space<vmem>>, vector<1x16xf32>,
      %swap3A_403 = vector.shape_cast %swap3A_402 : vector<1x16xf32> to vector<16xf32>
      %swap3A_404 = vector.shape_cast %scan3A_326#6 : vector<16xf32> to vector<1x16xf32>
      tpu.vector_store %swap3A_399[%swap3A_400, %swap3A_401], %swap3A_404 {strides = array<i32>} : memref<2x128xf32, #tpu.memory_space<vmem>>, vector<1x16xf32>,
      %swap3A_405 = arith.constant 0 : i32
      %swap3A_406 = arith.constant 1 : i32
      %swap3A_407 = arith.constant 0 : i32
      %swap3A_408 = arith.constant 0 : i32
      %swap3A_409 = tpu.memref_slice %arg9[%swap3A_405, %swap3A_407, %swap3A_408] : memref<2x2x128xf32, #tpu.memory_space<vmem>> -> memref<1x2x128xf32, #tpu.memory_space<vmem>>
      %swap3A_410 = tpu.memref_squeeze %swap3A_409 : memref<1x2x128xf32, #tpu.memory_space<vmem>> -> memref<2x128xf32, #tpu.memory_space<vmem>>
      %swap3A_411 = arith.index_cast %swap3A_406 : i32 to index
      %swap3A_412 = arith.constant 112 : index
      %swap3A_413 = tpu.vector_load %swap3A_410[%swap3A_411, %swap3A_412] {strides = array<i32>} : memref<2x128xf32, #tpu.memory_space<vmem>>, vector<1x16xf32>,
      %swap3A_414 = vector.shape_cast %swap3A_413 : vector<1x16xf32> to vector<16xf32>
      %swap3A_415 = vector.shape_cast %scan3A_326#7 : vector<16xf32> to vector<1x16xf32>
      tpu.vector_store %swap3A_410[%swap3A_411, %swap3A_412], %swap3A_415 {strides = array<i32>} : memref<2x128xf32, #tpu.memory_space<vmem>>, vector<1x16xf32>,
      %mul3A_416 = arith.constant 2 : i32
      %mul3A_417 = arith.muli %add3A_56, %mul3A_416 : i32
      %add3A_418 = arith.addi %mul3A_2, %mul3A_417 : i32
      %dma_start3A_419 = arith.constant 0 : i32
      %dma_start3A_420 = arith.constant 0 : i32
      %dma_start3A_421 = arith.constant 0 : i32
      %dma_start3A_422 = tpu.memref_slice %arg9[%dma_start3A_419, %dma_start3A_420, %dma_start3A_421] : memref<2x2x128xf32, #tpu.memory_space<vmem>> -> memref<1x2x128xf32, #tpu.memory_space<vmem>>
      %dma_start3A_423 = tpu.memref_squeeze %dma_start3A_422 : memref<1x2x128xf32, #tpu.memory_space<vmem>> -> memref<2x128xf32, #tpu.memory_space<vmem>>
      %dma_start3A_424 = arith.constant 0 : i32
      %dma_start3A_425 = tpu.memref_slice %arg5[%add3A_418, %dma_start3A_424] : memref<10240x128xf32, #tpu.memory_space<hbm>> -> memref<2x128xf32, #tpu.memory_space<hbm>>
      %dma_start3A_426 = arith.constant 0 : i32
      %dma_start3A_427 = tpu.memref_slice %arg5[%add3A_418, %dma_start3A_426] : memref<10240x128xf32, #tpu.memory_space<hbm>> -> memref<2x128xf32, #tpu.memory_space<hbm>>
      %dma_start3A_428 = arith.constant 0 : i32
      %dma_start3A_429 = arith.constant 0 : i32
      %dma_start3A_430 = tpu.memref_slice %arg9[%dma_start3A_419, %dma_start3A_428, %dma_start3A_429] : memref<2x2x128xf32, #tpu.memory_space<vmem>> -> memref<1x2x128xf32, #tpu.memory_space<vmem>>
      %dma_start3A_431 = tpu.memref_squeeze %dma_start3A_430 : memref<1x2x128xf32, #tpu.memory_space<vmem>> -> memref<2x128xf32, #tpu.memory_space<vmem>>
      tpu.enqueue_dma source(%dma_start3A_431 : memref<2x128xf32, #tpu.memory_space<vmem>>) target(%dma_start3A_427 : memref<2x128xf32, #tpu.memory_space<hbm>>) target_semaphore(%arg13 : memref<!tpu.dma_semaphore, #tpu.memory_space<semaphore_mem>>)
      %mul3A_432 = arith.constant 2 : i32
      %mul3A_433 = arith.muli %mul3A_432, %scan3A_52 : i32
      %add3A_434 = arith.constant 1 : i32
      %add3A_435 = arith.addi %mul3A_433, %add3A_434 : i32
      %jit3A_436 = arith.constant 32 : i32
      %eq3A_437 = arith.constant 0 : i32
      %eq3A_438 = arith.cmpi eq, %jit3A_436, %eq3A_437 : i32
      %jit3A_439 = arith.constant 1 : i32
      %select_n3A_440 = arith.select %eq3A_438, %jit3A_439, %jit3A_436 : i32
      %rem3A_441 = arith.remsi %add3A_435, %select_n3A_440 : i32
      %ne3A_442 = arith.constant 0 : i32
      %ne3A_443 = arith.cmpi ne, %rem3A_441, %ne3A_442 : i32
      %lt3A_444 = arith.constant 0 : i32
      %lt3A_445 = arith.cmpi slt, %rem3A_441, %lt3A_444 : i32
      %lt3A_446 = arith.constant 0 : i32
      %lt3A_447 = arith.cmpi slt, %select_n3A_440, %lt3A_446 : i32
      %ne3A_448 = arith.xori %lt3A_445, %lt3A_447 : i1
      %and3A_449 = arith.andi %ne3A_448, %ne3A_443 : i1
      %add3A_450 = arith.addi %rem3A_441, %select_n3A_440 : i32
      %select_n3A_451 = arith.select %and3A_449, %add3A_450, %rem3A_441 : i32
      %eq3A_452 = arith.constant 0 : i32
      %eq3A_453 = arith.cmpi eq, %select_n3A_451, %eq3A_452 : i32
      %gt3A_454 = arith.constant 0 : i32
      %gt3A_455 = arith.cmpi sgt, %add3A_435, %gt3A_454 : i32
      %and3A_456 = arith.andi %eq3A_453, %gt3A_455 : i1
      %convert_element_type3A_457 = arith.extui %and3A_456 : i1 to i32
      %cond3A_458 = arith.constant 0 : i32
      %cond3A_459 = arith.cmpi ne, %convert_element_type3A_457, %cond3A_458 : i32
      scf.if %cond3A_459 {
        %jit3A_825 = arith.constant 32 : i32
        %div3A = arith.divsi %add3A_435, %jit3A_825 : i32
        %sign3A = arith.constant 0 : i32
        %sign3A_826 = arith.cmpi sgt, %add3A_435, %sign3A : i32
        %sign3A_827 = arith.extui %sign3A_826 : i1 to i32
        %sign3A_828 = arith.constant 0 : i32
        %sign3A_829 = arith.cmpi slt, %add3A_435, %sign3A_828 : i32
        %sign3A_830 = arith.extui %sign3A_829 : i1 to i32
        %sign3A_831 = arith.subi %sign3A_827, %sign3A_830 : i32
        %sign3A_832 = arith.constant 0 : i32
        %sign3A_833 = arith.cmpi sgt, %jit3A_825, %sign3A_832 : i32
        %sign3A_834 = arith.extui %sign3A_833 : i1 to i32
        %sign3A_835 = arith.constant 0 : i32
        %sign3A_836 = arith.cmpi slt, %jit3A_825, %sign3A_835 : i32
        %sign3A_837 = arith.extui %sign3A_836 : i1 to i32
        %sign3A_838 = arith.subi %sign3A_834, %sign3A_837 : i32
        %ne3A_839 = arith.cmpi ne, %sign3A_831, %sign3A_838 : i32
        %rem3A_840 = arith.remsi %add3A_435, %jit3A_825 : i32
        %ne3A_841 = arith.constant 0 : i32
        %ne3A_842 = arith.cmpi ne, %rem3A_840, %ne3A_841 : i32
        %and3A_843 = arith.andi %ne3A_839, %ne3A_842 : i1
        %sub3A = arith.constant 1 : i32
        %sub3A_844 = arith.subi %div3A, %sub3A : i32
        %select_n3A_845 = arith.select %and3A_843, %sub3A_844, %div3A : i32
        %mul3A_846 = arith.constant 64 : i32
        %mul3A_847 = arith.muli %select_n3A_845, %mul3A_846 : i32
        %add3A_848 = arith.addi %mul3A_2, %mul3A_847 : i32
        "tpu.region"() ({
          %run_scoped3A = tpu.sem_alloc : memref<!tpu.dma_semaphore, #tpu.memory_space<semaphore_mem>>
          %dma_start3A_849 = arith.constant 0 : i32
          %dma_start3A_850 = tpu.memref_slice %arg2[%add3A_848, %dma_start3A_849] : memref<10240x128xf32, #tpu.memory_space<hbm>> -> memref<64x128xf32, #tpu.memory_space<hbm>>
          %dma_start3A_851 = arith.constant 0 : i32
          %dma_start3A_852 = tpu.memref_slice %arg2[%add3A_848, %dma_start3A_851] : memref<10240x128xf32, #tpu.memory_space<hbm>> -> memref<64x128xf32, #tpu.memory_space<hbm>>
          tpu.enqueue_dma source(%dma_start3A_852 : memref<64x128xf32, #tpu.memory_space<hbm>>) target(%arg7 : memref<64x128xf32, #tpu.memory_space<vmem>>) target_semaphore(%run_scoped3A : memref<!tpu.dma_semaphore, #tpu.memory_space<semaphore_mem>>)
          %dma_wait3A_853 = arith.constant 0 : i32
          %dma_wait3A_854 = tpu.memref_slice %arg2[%add3A_848, %dma_wait3A_853] : memref<10240x128xf32, #tpu.memory_space<hbm>> -> memref<64x128xf32, #tpu.memory_space<hbm>>
          %dma_wait3A_855 = arith.constant 0 : i32
          %dma_wait3A_856 = tpu.memref_slice %arg2[%add3A_848, %dma_wait3A_855] : memref<10240x128xf32, #tpu.memory_space<hbm>> -> memref<64x128xf32, #tpu.memory_space<hbm>>
          tpu.wait_dma2 semaphore(%run_scoped3A : memref<!tpu.dma_semaphore, #tpu.memory_space<semaphore_mem>>) src(%dma_wait3A_856 : memref<64x128xf32, #tpu.memory_space<hbm>>) dst(%arg7 : memref<64x128xf32, #tpu.memory_space<vmem>>)
          tpu.yield
        }) : () -> ()
      } else {
      }
      %add3A_460 = arith.constant 1 : i32
      %add3A_461 = arith.addi %add3A_435, %add3A_460 : i32
      %lt3A_462 = arith.constant 160 : i32
      %lt3A_463 = arith.cmpi slt, %add3A_461, %lt3A_462 : i32
      %convert_element_type3A_464 = arith.extui %lt3A_463 : i1 to i32
      %cond3A_465 = arith.constant 0 : i32
      %cond3A_466 = arith.cmpi ne, %convert_element_type3A_464, %cond3A_465 : i32
      scf.if %cond3A_466 {
        %add3A_825 = arith.constant 1 : i32
        %add3A_826 = arith.addi %add3A_435, %add3A_825 : i32
        %dma_start3A_827 = arith.constant 0 : i32
        %dma_start3A_828 = arith.constant 0 : i32
        %dma_start3A_829 = arith.constant 0 : i32
        %dma_start3A_830 = tpu.memref_slice %arg8[%dma_start3A_827, %dma_start3A_828, %dma_start3A_829] : memref<2x64x128xf32, #tpu.memory_space<vmem>> -> memref<1x64x128xf32, #tpu.memory_space<vmem>>
        %dma_start3A_831 = tpu.memref_squeeze %dma_start3A_830 : memref<1x64x128xf32, #tpu.memory_space<vmem>> -> memref<64x128xf32, #tpu.memory_space<vmem>>
        %dma_start3A_832 = arith.constant 0 : i32
        %dma_start3A_833 = tpu.memref_slice %arg6[%add3A_826, %dma_start3A_832] : memref<160x64xi32, #tpu.memory_space<vmem>> -> memref<1x64xi32, #tpu.memory_space<vmem>>
        %dma_start3A_834 = tpu.memref_squeeze %dma_start3A_833 : memref<1x64xi32, #tpu.memory_space<vmem>> -> memref<64xi32, #tpu.memory_space<vmem>>
        %dma_start3A_835 = arith.constant 0 : i32
        %dma_start3A_836 = arith.constant 0 : i32
        %dma_start3A_837 = tpu.memref_slice %arg10[%dma_start3A_835, %dma_start3A_836] : memref<10240x128xf32, #tpu.memory_space<vmem_shared>> -> memref<10240x128xf32, #tpu.memory_space<vmem_shared>>
        tpu.enqueue_indirect_dma source(%dma_start3A_837 : memref<10240x128xf32, #tpu.memory_space<vmem_shared>>) target(%dma_start3A_831 : memref<64x128xf32, #tpu.memory_space<vmem>>) offsets(%dma_start3A_834 : memref<64xi32, #tpu.memory_space<vmem>>) semaphore(%arg11 : memref<!tpu.dma_semaphore, #tpu.memory_space<semaphore_mem>>)
      } else {
      }
      %dma_wait3A_467 = arith.constant 1 : i32
      %dma_wait3A_468 = arith.constant 0 : i32
      %dma_wait3A_469 = arith.constant 0 : i32
      %dma_wait3A_470 = tpu.memref_slice %arg8[%dma_wait3A_467, %dma_wait3A_468, %dma_wait3A_469] : memref<2x64x128xf32, #tpu.memory_space<vmem>> -> memref<1x64x128xf32, #tpu.memory_space<vmem>>
      %dma_wait3A_471 = tpu.memref_squeeze %dma_wait3A_470 : memref<1x64x128xf32, #tpu.memory_space<vmem>> -> memref<64x128xf32, #tpu.memory_space<vmem>>
      %dma_wait3A_472 = arith.constant 0 : i32
      %dma_wait3A_473 = tpu.memref_slice %arg6[%add3A_435, %dma_wait3A_472] : memref<160x64xi32, #tpu.memory_space<vmem>> -> memref<1x64xi32, #tpu.memory_space<vmem>>
      %dma_wait3A_474 = tpu.memref_squeeze %dma_wait3A_473 : memref<1x64xi32, #tpu.memory_space<vmem>> -> memref<64xi32, #tpu.memory_space<vmem>>
      %dma_wait3A_475 = arith.constant 0 : i32
      %dma_wait3A_476 = arith.constant 0 : i32
      %dma_wait3A_477 = tpu.memref_slice %arg10[%dma_wait3A_475, %dma_wait3A_476] : memref<10240x128xf32, #tpu.memory_space<vmem_shared>> -> memref<10240x128xf32, #tpu.memory_space<vmem_shared>>
      tpu.wait_indirect_dma semaphore(%arg12 : memref<!tpu.dma_semaphore, #tpu.memory_space<semaphore_mem>>) src(%dma_wait3A_477 : memref<10240x128xf32, #tpu.memory_space<vmem_shared>>) dst(%dma_wait3A_471 : memref<64x128xf32, #tpu.memory_space<vmem>>)
      %ge3A_478 = arith.constant 2 : i32
      %ge3A_479 = arith.cmpi sge, %add3A_435, %ge3A_478 : i32
      %convert_element_type3A_480 = arith.extui %ge3A_479 : i1 to i32
      %cond3A_481 = arith.constant 0 : i32
      %cond3A_482 = arith.cmpi ne, %convert_element_type3A_480, %cond3A_481 : i32
      scf.if %cond3A_482 {
        %dma_wait3A_825 = arith.constant 1 : i32
        %dma_wait3A_826 = arith.constant 0 : i32
        %dma_wait3A_827 = arith.constant 0 : i32
        %dma_wait3A_828 = tpu.memref_slice %arg9[%dma_wait3A_825, %dma_wait3A_826, %dma_wait3A_827] : memref<2x2x128xf32, #tpu.memory_space<vmem>> -> memref<1x2x128xf32, #tpu.memory_space<vmem>>
        %dma_wait3A_829 = tpu.memref_squeeze %dma_wait3A_828 : memref<1x2x128xf32, #tpu.memory_space<vmem>> -> memref<2x128xf32, #tpu.memory_space<vmem>>
        %dma_wait3A_830 = arith.constant 0 : i32
        %dma_wait3A_831 = arith.constant 0 : i32
        %dma_wait3A_832 = tpu.memref_slice %arg5[%dma_wait3A_830, %dma_wait3A_831] : memref<10240x128xf32, #tpu.memory_space<hbm>> -> memref<2x128xf32, #tpu.memory_space<hbm>>
        %dma_wait3A_833 = arith.constant 0 : i32
        %dma_wait3A_834 = arith.constant 0 : i32
        %dma_wait3A_835 = tpu.memref_slice %arg5[%dma_wait3A_833, %dma_wait3A_834] : memref<10240x128xf32, #tpu.memory_space<hbm>> -> memref<2x128xf32, #tpu.memory_space<hbm>>
        %dma_wait3A_836 = arith.constant 0 : i32
        %dma_wait3A_837 = arith.constant 0 : i32
        %dma_wait3A_838 = tpu.memref_slice %arg9[%dma_wait3A_825, %dma_wait3A_836, %dma_wait3A_837] : memref<2x2x128xf32, #tpu.memory_space<vmem>> -> memref<1x2x128xf32, #tpu.memory_space<vmem>>
        %dma_wait3A_839 = tpu.memref_squeeze %dma_wait3A_838 : memref<1x2x128xf32, #tpu.memory_space<vmem>> -> memref<2x128xf32, #tpu.memory_space<vmem>>
        tpu.wait_dma2 semaphore(%arg14 : memref<!tpu.dma_semaphore, #tpu.memory_space<semaphore_mem>>) src(%dma_wait3A_839 : memref<2x128xf32, #tpu.memory_space<vmem>>) dst(%dma_wait3A_835 : memref<2x128xf32, #tpu.memory_space<hbm>>)
      } else {
      }
      %jit3A_483 = arith.constant 32 : i32
      %eq3A_484 = arith.constant 0 : i32
      %eq3A_485 = arith.cmpi eq, %jit3A_483, %eq3A_484 : i32
      %jit3A_486 = arith.constant 1 : i32
      %select_n3A_487 = arith.select %eq3A_485, %jit3A_486, %jit3A_483 : i32
      %rem3A_488 = arith.remsi %add3A_435, %select_n3A_487 : i32
      %ne3A_489 = arith.constant 0 : i32
      %ne3A_490 = arith.cmpi ne, %rem3A_488, %ne3A_489 : i32
      %lt3A_491 = arith.constant 0 : i32
      %lt3A_492 = arith.cmpi slt, %rem3A_488, %lt3A_491 : i32
      %lt3A_493 = arith.constant 0 : i32
      %lt3A_494 = arith.cmpi slt, %select_n3A_487, %lt3A_493 : i32
      %ne3A_495 = arith.xori %lt3A_492, %lt3A_494 : i1
      %and3A_496 = arith.andi %ne3A_495, %ne3A_490 : i1
      %add3A_497 = arith.addi %rem3A_488, %select_n3A_487 : i32
      %select_n3A_498 = arith.select %and3A_496, %add3A_497, %rem3A_488 : i32
      %mul3A_499 = arith.constant 2 : i32
      %mul3A_500 = arith.muli %select_n3A_498, %mul3A_499 : i32
      %add3A_501 = arith.constant 0 : i32
      %add3A_502 = arith.addi %mul3A_500, %add3A_501 : i32
      %get3A_503 = arith.index_cast %add3A_502 : i32 to index
      %get3A_504 = arith.constant 0 : index
      %get3A_505 = tpu.vector_load %arg7[%get3A_503, %get3A_504] {strides = array<i32>} : memref<64x128xf32, #tpu.memory_space<vmem>>, vector<1x16xf32>,
      %get3A_506 = vector.shape_cast %get3A_505 : vector<1x16xf32> to vector<16xf32>
      %get3A_507 = arith.index_cast %add3A_502 : i32 to index
      %get3A_508 = arith.constant 16 : index
      %get3A_509 = tpu.vector_load %arg7[%get3A_507, %get3A_508] {strides = array<i32>} : memref<64x128xf32, #tpu.memory_space<vmem>>, vector<1x16xf32>,
      %get3A_510 = vector.shape_cast %get3A_509 : vector<1x16xf32> to vector<16xf32>
      %get3A_511 = arith.index_cast %add3A_502 : i32 to index
      %get3A_512 = arith.constant 32 : index
      %get3A_513 = tpu.vector_load %arg7[%get3A_511, %get3A_512] {strides = array<i32>} : memref<64x128xf32, #tpu.memory_space<vmem>>, vector<1x16xf32>,
      %get3A_514 = vector.shape_cast %get3A_513 : vector<1x16xf32> to vector<16xf32>
      %get3A_515 = arith.index_cast %add3A_502 : i32 to index
      %get3A_516 = arith.constant 48 : index
      %get3A_517 = tpu.vector_load %arg7[%get3A_515, %get3A_516] {strides = array<i32>} : memref<64x128xf32, #tpu.memory_space<vmem>>, vector<1x16xf32>,
      %get3A_518 = vector.shape_cast %get3A_517 : vector<1x16xf32> to vector<16xf32>
      %get3A_519 = arith.index_cast %add3A_502 : i32 to index
      %get3A_520 = arith.constant 64 : index
      %get3A_521 = tpu.vector_load %arg7[%get3A_519, %get3A_520] {strides = array<i32>} : memref<64x128xf32, #tpu.memory_space<vmem>>, vector<1x16xf32>,
      %get3A_522 = vector.shape_cast %get3A_521 : vector<1x16xf32> to vector<16xf32>
      %get3A_523 = arith.index_cast %add3A_502 : i32 to index
      %get3A_524 = arith.constant 80 : index
      %get3A_525 = tpu.vector_load %arg7[%get3A_523, %get3A_524] {strides = array<i32>} : memref<64x128xf32, #tpu.memory_space<vmem>>, vector<1x16xf32>,
      %get3A_526 = vector.shape_cast %get3A_525 : vector<1x16xf32> to vector<16xf32>
      %get3A_527 = arith.index_cast %add3A_502 : i32 to index
      %get3A_528 = arith.constant 96 : index
      %get3A_529 = tpu.vector_load %arg7[%get3A_527, %get3A_528] {strides = array<i32>} : memref<64x128xf32, #tpu.memory_space<vmem>>, vector<1x16xf32>,
      %get3A_530 = vector.shape_cast %get3A_529 : vector<1x16xf32> to vector<16xf32>
      %get3A_531 = arith.index_cast %add3A_502 : i32 to index
      %get3A_532 = arith.constant 112 : index
      %get3A_533 = tpu.vector_load %arg7[%get3A_531, %get3A_532] {strides = array<i32>} : memref<64x128xf32, #tpu.memory_space<vmem>>, vector<1x16xf32>,
      %get3A_534 = vector.shape_cast %get3A_533 : vector<1x16xf32> to vector<16xf32>
      %broadcast_in_dim3A_535 = arith.constant 0.000000e+00 : f32
      %broadcast_in_dim3A_536 = vector.broadcast %broadcast_in_dim3A_535 : f32 to vector<16xf32>
      %broadcast_in_dim3A_537 = arith.constant 0.000000e+00 : f32
      %broadcast_in_dim3A_538 = vector.broadcast %broadcast_in_dim3A_537 : f32 to vector<16xf32>
      %broadcast_in_dim3A_539 = arith.constant 0.000000e+00 : f32
      %broadcast_in_dim3A_540 = vector.broadcast %broadcast_in_dim3A_539 : f32 to vector<16xf32>
      %broadcast_in_dim3A_541 = arith.constant 0.000000e+00 : f32
      %broadcast_in_dim3A_542 = vector.broadcast %broadcast_in_dim3A_541 : f32 to vector<16xf32>
      %broadcast_in_dim3A_543 = arith.constant 0.000000e+00 : f32
      %broadcast_in_dim3A_544 = vector.broadcast %broadcast_in_dim3A_543 : f32 to vector<16xf32>
      %broadcast_in_dim3A_545 = arith.constant 0.000000e+00 : f32
      %broadcast_in_dim3A_546 = vector.broadcast %broadcast_in_dim3A_545 : f32 to vector<16xf32>
      %broadcast_in_dim3A_547 = arith.constant 0.000000e+00 : f32
      %broadcast_in_dim3A_548 = vector.broadcast %broadcast_in_dim3A_547 : f32 to vector<16xf32>
      %broadcast_in_dim3A_549 = arith.constant 0.000000e+00 : f32
      %broadcast_in_dim3A_550 = vector.broadcast %broadcast_in_dim3A_549 : f32 to vector<16xf32>
      %scan3A_551 = arith.constant 1 : i32
      %scan3A_552 = arith.constant 0 : i32
      %scan3A_553 = arith.constant 16 : i32
      %scan3A_554 = arith.addi %scan3A_552, %scan3A_553 : i32
      %scan3A_555 = arith.constant 1 : i32
      %scan3A_556:8 = scf.for %scan3A_825 = %scan3A_552 to %scan3A_554 step %scan3A_555 iter_args(%scan3A_826 = %broadcast_in_dim3A_536, %scan3A_827 = %broadcast_in_dim3A_538, %scan3A_828 = %broadcast_in_dim3A_540, %scan3A_829 = %broadcast_in_dim3A_542, %scan3A_830 = %broadcast_in_dim3A_544, %scan3A_831 = %broadcast_in_dim3A_546, %scan3A_832 = %broadcast_in_dim3A_548, %scan3A_833 = %broadcast_in_dim3A_550) -> (vector<16xf32>, vector<16xf32>, vector<16xf32>, vector<16xf32>, vector<16xf32>, vector<16xf32>, vector<16xf32>, vector<16xf32>)  : i32 {
        %mul3A_834 = arith.constant 2 : i32
        %mul3A_835 = arith.muli %mul3A_834, %scan3A_825 : i32
        %add3A_836 = arith.constant 0 : i32
        %add3A_837 = arith.addi %add3A_836, %mul3A_835 : i32
        %add3A_838 = arith.constant 0 : i32
        %add3A_839 = arith.addi %add3A_837, %add3A_838 : i32
        %get3A_840 = arith.constant 0 : i32
        %get3A_841 = arith.constant 0 : i32
        %get3A_842 = tpu.memref_slice %arg8[%scan3A_551, %get3A_840, %get3A_841] : memref<2x64x128xf32, #tpu.memory_space<vmem>> -> memref<1x64x128xf32, #tpu.memory_space<vmem>>
        %get3A_843 = tpu.memref_squeeze %get3A_842 : memref<1x64x128xf32, #tpu.memory_space<vmem>> -> memref<64x128xf32, #tpu.memory_space<vmem>>
        %get3A_844 = arith.index_cast %add3A_839 : i32 to index
        %get3A_845 = arith.constant 0 : index
        %get3A_846 = tpu.vector_load %get3A_843[%get3A_844, %get3A_845] {strides = array<i32>} : memref<64x128xf32, #tpu.memory_space<vmem>>, vector<1x16xf32>,
        %get3A_847 = vector.shape_cast %get3A_846 : vector<1x16xf32> to vector<16xf32>
        %add3A_848 = arith.addf %get3A_506, %get3A_847 : vector<16xf32>
        %neg3A = arith.constant 0.000000e+00 : f32
        %neg3A_849 = vector.broadcast %neg3A : f32 to vector<16xf32>
        %neg3A_850 = arith.subf %neg3A_849, %add3A_848 : vector<16xf32>
        %exp3A = math.exp %neg3A_850 : vector<16xf32>
        %add3A_851 = arith.constant 1.000000e+00 : f32
        %add3A_852 = vector.broadcast %add3A_851 : f32 to vector<16xf32>
        %add3A_853 = arith.addf %add3A_852, %exp3A : vector<16xf32>
        %div3A = arith.divf %add3A_848, %add3A_853 : vector<16xf32>
        %add3A_854 = arith.addf %scan3A_826, %div3A : vector<16xf32>
        %get3A_855 = arith.constant 0 : i32
        %get3A_856 = arith.constant 0 : i32
        %get3A_857 = tpu.memref_slice %arg8[%scan3A_551, %get3A_855, %get3A_856] : memref<2x64x128xf32, #tpu.memory_space<vmem>> -> memref<1x64x128xf32, #tpu.memory_space<vmem>>
        %get3A_858 = tpu.memref_squeeze %get3A_857 : memref<1x64x128xf32, #tpu.memory_space<vmem>> -> memref<64x128xf32, #tpu.memory_space<vmem>>
        %get3A_859 = arith.index_cast %add3A_839 : i32 to index
        %get3A_860 = arith.constant 16 : index
        %get3A_861 = tpu.vector_load %get3A_858[%get3A_859, %get3A_860] {strides = array<i32>} : memref<64x128xf32, #tpu.memory_space<vmem>>, vector<1x16xf32>,
        %get3A_862 = vector.shape_cast %get3A_861 : vector<1x16xf32> to vector<16xf32>
        %add3A_863 = arith.addf %get3A_510, %get3A_862 : vector<16xf32>
        %neg3A_864 = arith.constant 0.000000e+00 : f32
        %neg3A_865 = vector.broadcast %neg3A_864 : f32 to vector<16xf32>
        %neg3A_866 = arith.subf %neg3A_865, %add3A_863 : vector<16xf32>
        %exp3A_867 = math.exp %neg3A_866 : vector<16xf32>
        %add3A_868 = arith.constant 1.000000e+00 : f32
        %add3A_869 = vector.broadcast %add3A_868 : f32 to vector<16xf32>
        %add3A_870 = arith.addf %add3A_869, %exp3A_867 : vector<16xf32>
        %div3A_871 = arith.divf %add3A_863, %add3A_870 : vector<16xf32>
        %add3A_872 = arith.addf %scan3A_827, %div3A_871 : vector<16xf32>
        %get3A_873 = arith.constant 0 : i32
        %get3A_874 = arith.constant 0 : i32
        %get3A_875 = tpu.memref_slice %arg8[%scan3A_551, %get3A_873, %get3A_874] : memref<2x64x128xf32, #tpu.memory_space<vmem>> -> memref<1x64x128xf32, #tpu.memory_space<vmem>>
        %get3A_876 = tpu.memref_squeeze %get3A_875 : memref<1x64x128xf32, #tpu.memory_space<vmem>> -> memref<64x128xf32, #tpu.memory_space<vmem>>
        %get3A_877 = arith.index_cast %add3A_839 : i32 to index
        %get3A_878 = arith.constant 32 : index
        %get3A_879 = tpu.vector_load %get3A_876[%get3A_877, %get3A_878] {strides = array<i32>} : memref<64x128xf32, #tpu.memory_space<vmem>>, vector<1x16xf32>,
        %get3A_880 = vector.shape_cast %get3A_879 : vector<1x16xf32> to vector<16xf32>
        %add3A_881 = arith.addf %get3A_514, %get3A_880 : vector<16xf32>
        %neg3A_882 = arith.constant 0.000000e+00 : f32
        %neg3A_883 = vector.broadcast %neg3A_882 : f32 to vector<16xf32>
        %neg3A_884 = arith.subf %neg3A_883, %add3A_881 : vector<16xf32>
        %exp3A_885 = math.exp %neg3A_884 : vector<16xf32>
        %add3A_886 = arith.constant 1.000000e+00 : f32
        %add3A_887 = vector.broadcast %add3A_886 : f32 to vector<16xf32>
        %add3A_888 = arith.addf %add3A_887, %exp3A_885 : vector<16xf32>
        %div3A_889 = arith.divf %add3A_881, %add3A_888 : vector<16xf32>
        %add3A_890 = arith.addf %scan3A_828, %div3A_889 : vector<16xf32>
        %get3A_891 = arith.constant 0 : i32
        %get3A_892 = arith.constant 0 : i32
        %get3A_893 = tpu.memref_slice %arg8[%scan3A_551, %get3A_891, %get3A_892] : memref<2x64x128xf32, #tpu.memory_space<vmem>> -> memref<1x64x128xf32, #tpu.memory_space<vmem>>
        %get3A_894 = tpu.memref_squeeze %get3A_893 : memref<1x64x128xf32, #tpu.memory_space<vmem>> -> memref<64x128xf32, #tpu.memory_space<vmem>>
        %get3A_895 = arith.index_cast %add3A_839 : i32 to index
        %get3A_896 = arith.constant 48 : index
        %get3A_897 = tpu.vector_load %get3A_894[%get3A_895, %get3A_896] {strides = array<i32>} : memref<64x128xf32, #tpu.memory_space<vmem>>, vector<1x16xf32>,
        %get3A_898 = vector.shape_cast %get3A_897 : vector<1x16xf32> to vector<16xf32>
        %add3A_899 = arith.addf %get3A_518, %get3A_898 : vector<16xf32>
        %neg3A_900 = arith.constant 0.000000e+00 : f32
        %neg3A_901 = vector.broadcast %neg3A_900 : f32 to vector<16xf32>
        %neg3A_902 = arith.subf %neg3A_901, %add3A_899 : vector<16xf32>
        %exp3A_903 = math.exp %neg3A_902 : vector<16xf32>
        %add3A_904 = arith.constant 1.000000e+00 : f32
        %add3A_905 = vector.broadcast %add3A_904 : f32 to vector<16xf32>
        %add3A_906 = arith.addf %add3A_905, %exp3A_903 : vector<16xf32>
        %div3A_907 = arith.divf %add3A_899, %add3A_906 : vector<16xf32>
        %add3A_908 = arith.addf %scan3A_829, %div3A_907 : vector<16xf32>
        %get3A_909 = arith.constant 0 : i32
        %get3A_910 = arith.constant 0 : i32
        %get3A_911 = tpu.memref_slice %arg8[%scan3A_551, %get3A_909, %get3A_910] : memref<2x64x128xf32, #tpu.memory_space<vmem>> -> memref<1x64x128xf32, #tpu.memory_space<vmem>>
        %get3A_912 = tpu.memref_squeeze %get3A_911 : memref<1x64x128xf32, #tpu.memory_space<vmem>> -> memref<64x128xf32, #tpu.memory_space<vmem>>
        %get3A_913 = arith.index_cast %add3A_839 : i32 to index
        %get3A_914 = arith.constant 64 : index
        %get3A_915 = tpu.vector_load %get3A_912[%get3A_913, %get3A_914] {strides = array<i32>} : memref<64x128xf32, #tpu.memory_space<vmem>>, vector<1x16xf32>,
        %get3A_916 = vector.shape_cast %get3A_915 : vector<1x16xf32> to vector<16xf32>
        %add3A_917 = arith.addf %get3A_522, %get3A_916 : vector<16xf32>
        %neg3A_918 = arith.constant 0.000000e+00 : f32
        %neg3A_919 = vector.broadcast %neg3A_918 : f32 to vector<16xf32>
        %neg3A_920 = arith.subf %neg3A_919, %add3A_917 : vector<16xf32>
        %exp3A_921 = math.exp %neg3A_920 : vector<16xf32>
        %add3A_922 = arith.constant 1.000000e+00 : f32
        %add3A_923 = vector.broadcast %add3A_922 : f32 to vector<16xf32>
        %add3A_924 = arith.addf %add3A_923, %exp3A_921 : vector<16xf32>
        %div3A_925 = arith.divf %add3A_917, %add3A_924 : vector<16xf32>
        %add3A_926 = arith.addf %scan3A_830, %div3A_925 : vector<16xf32>
        %get3A_927 = arith.constant 0 : i32
        %get3A_928 = arith.constant 0 : i32
        %get3A_929 = tpu.memref_slice %arg8[%scan3A_551, %get3A_927, %get3A_928] : memref<2x64x128xf32, #tpu.memory_space<vmem>> -> memref<1x64x128xf32, #tpu.memory_space<vmem>>
        %get3A_930 = tpu.memref_squeeze %get3A_929 : memref<1x64x128xf32, #tpu.memory_space<vmem>> -> memref<64x128xf32, #tpu.memory_space<vmem>>
        %get3A_931 = arith.index_cast %add3A_839 : i32 to index
        %get3A_932 = arith.constant 80 : index
        %get3A_933 = tpu.vector_load %get3A_930[%get3A_931, %get3A_932] {strides = array<i32>} : memref<64x128xf32, #tpu.memory_space<vmem>>, vector<1x16xf32>,
        %get3A_934 = vector.shape_cast %get3A_933 : vector<1x16xf32> to vector<16xf32>
        %add3A_935 = arith.addf %get3A_526, %get3A_934 : vector<16xf32>
        %neg3A_936 = arith.constant 0.000000e+00 : f32
        %neg3A_937 = vector.broadcast %neg3A_936 : f32 to vector<16xf32>
        %neg3A_938 = arith.subf %neg3A_937, %add3A_935 : vector<16xf32>
        %exp3A_939 = math.exp %neg3A_938 : vector<16xf32>
        %add3A_940 = arith.constant 1.000000e+00 : f32
        %add3A_941 = vector.broadcast %add3A_940 : f32 to vector<16xf32>
        %add3A_942 = arith.addf %add3A_941, %exp3A_939 : vector<16xf32>
        %div3A_943 = arith.divf %add3A_935, %add3A_942 : vector<16xf32>
        %add3A_944 = arith.addf %scan3A_831, %div3A_943 : vector<16xf32>
        %get3A_945 = arith.constant 0 : i32
        %get3A_946 = arith.constant 0 : i32
        %get3A_947 = tpu.memref_slice %arg8[%scan3A_551, %get3A_945, %get3A_946] : memref<2x64x128xf32, #tpu.memory_space<vmem>> -> memref<1x64x128xf32, #tpu.memory_space<vmem>>
        %get3A_948 = tpu.memref_squeeze %get3A_947 : memref<1x64x128xf32, #tpu.memory_space<vmem>> -> memref<64x128xf32, #tpu.memory_space<vmem>>
        %get3A_949 = arith.index_cast %add3A_839 : i32 to index
        %get3A_950 = arith.constant 96 : index
        %get3A_951 = tpu.vector_load %get3A_948[%get3A_949, %get3A_950] {strides = array<i32>} : memref<64x128xf32, #tpu.memory_space<vmem>>, vector<1x16xf32>,
        %get3A_952 = vector.shape_cast %get3A_951 : vector<1x16xf32> to vector<16xf32>
        %add3A_953 = arith.addf %get3A_530, %get3A_952 : vector<16xf32>
        %neg3A_954 = arith.constant 0.000000e+00 : f32
        %neg3A_955 = vector.broadcast %neg3A_954 : f32 to vector<16xf32>
        %neg3A_956 = arith.subf %neg3A_955, %add3A_953 : vector<16xf32>
        %exp3A_957 = math.exp %neg3A_956 : vector<16xf32>
        %add3A_958 = arith.constant 1.000000e+00 : f32
        %add3A_959 = vector.broadcast %add3A_958 : f32 to vector<16xf32>
        %add3A_960 = arith.addf %add3A_959, %exp3A_957 : vector<16xf32>
        %div3A_961 = arith.divf %add3A_953, %add3A_960 : vector<16xf32>
        %add3A_962 = arith.addf %scan3A_832, %div3A_961 : vector<16xf32>
        %get3A_963 = arith.constant 0 : i32
        %get3A_964 = arith.constant 0 : i32
        %get3A_965 = tpu.memref_slice %arg8[%scan3A_551, %get3A_963, %get3A_964] : memref<2x64x128xf32, #tpu.memory_space<vmem>> -> memref<1x64x128xf32, #tpu.memory_space<vmem>>
        %get3A_966 = tpu.memref_squeeze %get3A_965 : memref<1x64x128xf32, #tpu.memory_space<vmem>> -> memref<64x128xf32, #tpu.memory_space<vmem>>
        %get3A_967 = arith.index_cast %add3A_839 : i32 to index
        %get3A_968 = arith.constant 112 : index
        %get3A_969 = tpu.vector_load %get3A_966[%get3A_967, %get3A_968] {strides = array<i32>} : memref<64x128xf32, #tpu.memory_space<vmem>>, vector<1x16xf32>,
        %get3A_970 = vector.shape_cast %get3A_969 : vector<1x16xf32> to vector<16xf32>
        %add3A_971 = arith.addf %get3A_534, %get3A_970 : vector<16xf32>
        %neg3A_972 = arith.constant 0.000000e+00 : f32
        %neg3A_973 = vector.broadcast %neg3A_972 : f32 to vector<16xf32>
        %neg3A_974 = arith.subf %neg3A_973, %add3A_971 : vector<16xf32>
        %exp3A_975 = math.exp %neg3A_974 : vector<16xf32>
        %add3A_976 = arith.constant 1.000000e+00 : f32
        %add3A_977 = vector.broadcast %add3A_976 : f32 to vector<16xf32>
        %add3A_978 = arith.addf %add3A_977, %exp3A_975 : vector<16xf32>
        %div3A_979 = arith.divf %add3A_971, %add3A_978 : vector<16xf32>
        %add3A_980 = arith.addf %scan3A_833, %div3A_979 : vector<16xf32>
        %mul3A_981 = arith.constant 2 : i32
        %mul3A_982 = arith.muli %mul3A_981, %scan3A_825 : i32
        %add3A_983 = arith.constant 0 : i32
        %add3A_984 = arith.addi %add3A_983, %mul3A_982 : i32
        %add3A_985 = arith.constant 1 : i32
        %add3A_986 = arith.addi %add3A_984, %add3A_985 : i32
        %get3A_987 = arith.constant 0 : i32
        %get3A_988 = arith.constant 0 : i32
        %get3A_989 = tpu.memref_slice %arg8[%scan3A_551, %get3A_987, %get3A_988] : memref<2x64x128xf32, #tpu.memory_space<vmem>> -> memref<1x64x128xf32, #tpu.memory_space<vmem>>
        %get3A_990 = tpu.memref_squeeze %get3A_989 : memref<1x64x128xf32, #tpu.memory_space<vmem>> -> memref<64x128xf32, #tpu.memory_space<vmem>>
        %get3A_991 = arith.index_cast %add3A_986 : i32 to index
        %get3A_992 = arith.constant 0 : index
        %get3A_993 = tpu.vector_load %get3A_990[%get3A_991, %get3A_992] {strides = array<i32>} : memref<64x128xf32, #tpu.memory_space<vmem>>, vector<1x16xf32>,
        %get3A_994 = vector.shape_cast %get3A_993 : vector<1x16xf32> to vector<16xf32>
        %add3A_995 = arith.addf %get3A_506, %get3A_994 : vector<16xf32>
        %neg3A_996 = arith.constant 0.000000e+00 : f32
        %neg3A_997 = vector.broadcast %neg3A_996 : f32 to vector<16xf32>
        %neg3A_998 = arith.subf %neg3A_997, %add3A_995 : vector<16xf32>
        %exp3A_999 = math.exp %neg3A_998 : vector<16xf32>
        %add3A_1000 = arith.constant 1.000000e+00 : f32
        %add3A_1001 = vector.broadcast %add3A_1000 : f32 to vector<16xf32>
        %add3A_1002 = arith.addf %add3A_1001, %exp3A_999 : vector<16xf32>
        %div3A_1003 = arith.divf %add3A_995, %add3A_1002 : vector<16xf32>
        %add3A_1004 = arith.addf %add3A_854, %div3A_1003 : vector<16xf32>
        %get3A_1005 = arith.constant 0 : i32
        %get3A_1006 = arith.constant 0 : i32
        %get3A_1007 = tpu.memref_slice %arg8[%scan3A_551, %get3A_1005, %get3A_1006] : memref<2x64x128xf32, #tpu.memory_space<vmem>> -> memref<1x64x128xf32, #tpu.memory_space<vmem>>
        %get3A_1008 = tpu.memref_squeeze %get3A_1007 : memref<1x64x128xf32, #tpu.memory_space<vmem>> -> memref<64x128xf32, #tpu.memory_space<vmem>>
        %get3A_1009 = arith.index_cast %add3A_986 : i32 to index
        %get3A_1010 = arith.constant 16 : index
        %get3A_1011 = tpu.vector_load %get3A_1008[%get3A_1009, %get3A_1010] {strides = array<i32>} : memref<64x128xf32, #tpu.memory_space<vmem>>, vector<1x16xf32>,
        %get3A_1012 = vector.shape_cast %get3A_1011 : vector<1x16xf32> to vector<16xf32>
        %add3A_1013 = arith.addf %get3A_510, %get3A_1012 : vector<16xf32>
        %neg3A_1014 = arith.constant 0.000000e+00 : f32
        %neg3A_1015 = vector.broadcast %neg3A_1014 : f32 to vector<16xf32>
        %neg3A_1016 = arith.subf %neg3A_1015, %add3A_1013 : vector<16xf32>
        %exp3A_1017 = math.exp %neg3A_1016 : vector<16xf32>
        %add3A_1018 = arith.constant 1.000000e+00 : f32
        %add3A_1019 = vector.broadcast %add3A_1018 : f32 to vector<16xf32>
        %add3A_1020 = arith.addf %add3A_1019, %exp3A_1017 : vector<16xf32>
        %div3A_1021 = arith.divf %add3A_1013, %add3A_1020 : vector<16xf32>
        %add3A_1022 = arith.addf %add3A_872, %div3A_1021 : vector<16xf32>
        %get3A_1023 = arith.constant 0 : i32
        %get3A_1024 = arith.constant 0 : i32
        %get3A_1025 = tpu.memref_slice %arg8[%scan3A_551, %get3A_1023, %get3A_1024] : memref<2x64x128xf32, #tpu.memory_space<vmem>> -> memref<1x64x128xf32, #tpu.memory_space<vmem>>
        %get3A_1026 = tpu.memref_squeeze %get3A_1025 : memref<1x64x128xf32, #tpu.memory_space<vmem>> -> memref<64x128xf32, #tpu.memory_space<vmem>>
        %get3A_1027 = arith.index_cast %add3A_986 : i32 to index
        %get3A_1028 = arith.constant 32 : index
        %get3A_1029 = tpu.vector_load %get3A_1026[%get3A_1027, %get3A_1028] {strides = array<i32>} : memref<64x128xf32, #tpu.memory_space<vmem>>, vector<1x16xf32>,
        %get3A_1030 = vector.shape_cast %get3A_1029 : vector<1x16xf32> to vector<16xf32>
        %add3A_1031 = arith.addf %get3A_514, %get3A_1030 : vector<16xf32>
        %neg3A_1032 = arith.constant 0.000000e+00 : f32
        %neg3A_1033 = vector.broadcast %neg3A_1032 : f32 to vector<16xf32>
        %neg3A_1034 = arith.subf %neg3A_1033, %add3A_1031 : vector<16xf32>
        %exp3A_1035 = math.exp %neg3A_1034 : vector<16xf32>
        %add3A_1036 = arith.constant 1.000000e+00 : f32
        %add3A_1037 = vector.broadcast %add3A_1036 : f32 to vector<16xf32>
        %add3A_1038 = arith.addf %add3A_1037, %exp3A_1035 : vector<16xf32>
        %div3A_1039 = arith.divf %add3A_1031, %add3A_1038 : vector<16xf32>
        %add3A_1040 = arith.addf %add3A_890, %div3A_1039 : vector<16xf32>
        %get3A_1041 = arith.constant 0 : i32
        %get3A_1042 = arith.constant 0 : i32
        %get3A_1043 = tpu.memref_slice %arg8[%scan3A_551, %get3A_1041, %get3A_1042] : memref<2x64x128xf32, #tpu.memory_space<vmem>> -> memref<1x64x128xf32, #tpu.memory_space<vmem>>
        %get3A_1044 = tpu.memref_squeeze %get3A_1043 : memref<1x64x128xf32, #tpu.memory_space<vmem>> -> memref<64x128xf32, #tpu.memory_space<vmem>>
        %get3A_1045 = arith.index_cast %add3A_986 : i32 to index
        %get3A_1046 = arith.constant 48 : index
        %get3A_1047 = tpu.vector_load %get3A_1044[%get3A_1045, %get3A_1046] {strides = array<i32>} : memref<64x128xf32, #tpu.memory_space<vmem>>, vector<1x16xf32>,
        %get3A_1048 = vector.shape_cast %get3A_1047 : vector<1x16xf32> to vector<16xf32>
        %add3A_1049 = arith.addf %get3A_518, %get3A_1048 : vector<16xf32>
        %neg3A_1050 = arith.constant 0.000000e+00 : f32
        %neg3A_1051 = vector.broadcast %neg3A_1050 : f32 to vector<16xf32>
        %neg3A_1052 = arith.subf %neg3A_1051, %add3A_1049 : vector<16xf32>
        %exp3A_1053 = math.exp %neg3A_1052 : vector<16xf32>
        %add3A_1054 = arith.constant 1.000000e+00 : f32
        %add3A_1055 = vector.broadcast %add3A_1054 : f32 to vector<16xf32>
        %add3A_1056 = arith.addf %add3A_1055, %exp3A_1053 : vector<16xf32>
        %div3A_1057 = arith.divf %add3A_1049, %add3A_1056 : vector<16xf32>
        %add3A_1058 = arith.addf %add3A_908, %div3A_1057 : vector<16xf32>
        %get3A_1059 = arith.constant 0 : i32
        %get3A_1060 = arith.constant 0 : i32
        %get3A_1061 = tpu.memref_slice %arg8[%scan3A_551, %get3A_1059, %get3A_1060] : memref<2x64x128xf32, #tpu.memory_space<vmem>> -> memref<1x64x128xf32, #tpu.memory_space<vmem>>
        %get3A_1062 = tpu.memref_squeeze %get3A_1061 : memref<1x64x128xf32, #tpu.memory_space<vmem>> -> memref<64x128xf32, #tpu.memory_space<vmem>>
        %get3A_1063 = arith.index_cast %add3A_986 : i32 to index
        %get3A_1064 = arith.constant 64 : index
        %get3A_1065 = tpu.vector_load %get3A_1062[%get3A_1063, %get3A_1064] {strides = array<i32>} : memref<64x128xf32, #tpu.memory_space<vmem>>, vector<1x16xf32>,
        %get3A_1066 = vector.shape_cast %get3A_1065 : vector<1x16xf32> to vector<16xf32>
        %add3A_1067 = arith.addf %get3A_522, %get3A_1066 : vector<16xf32>
        %neg3A_1068 = arith.constant 0.000000e+00 : f32
        %neg3A_1069 = vector.broadcast %neg3A_1068 : f32 to vector<16xf32>
        %neg3A_1070 = arith.subf %neg3A_1069, %add3A_1067 : vector<16xf32>
        %exp3A_1071 = math.exp %neg3A_1070 : vector<16xf32>
        %add3A_1072 = arith.constant 1.000000e+00 : f32
        %add3A_1073 = vector.broadcast %add3A_1072 : f32 to vector<16xf32>
        %add3A_1074 = arith.addf %add3A_1073, %exp3A_1071 : vector<16xf32>
        %div3A_1075 = arith.divf %add3A_1067, %add3A_1074 : vector<16xf32>
        %add3A_1076 = arith.addf %add3A_926, %div3A_1075 : vector<16xf32>
        %get3A_1077 = arith.constant 0 : i32
        %get3A_1078 = arith.constant 0 : i32
        %get3A_1079 = tpu.memref_slice %arg8[%scan3A_551, %get3A_1077, %get3A_1078] : memref<2x64x128xf32, #tpu.memory_space<vmem>> -> memref<1x64x128xf32, #tpu.memory_space<vmem>>
        %get3A_1080 = tpu.memref_squeeze %get3A_1079 : memref<1x64x128xf32, #tpu.memory_space<vmem>> -> memref<64x128xf32, #tpu.memory_space<vmem>>
        %get3A_1081 = arith.index_cast %add3A_986 : i32 to index
        %get3A_1082 = arith.constant 80 : index
        %get3A_1083 = tpu.vector_load %get3A_1080[%get3A_1081, %get3A_1082] {strides = array<i32>} : memref<64x128xf32, #tpu.memory_space<vmem>>, vector<1x16xf32>,
        %get3A_1084 = vector.shape_cast %get3A_1083 : vector<1x16xf32> to vector<16xf32>
        %add3A_1085 = arith.addf %get3A_526, %get3A_1084 : vector<16xf32>
        %neg3A_1086 = arith.constant 0.000000e+00 : f32
        %neg3A_1087 = vector.broadcast %neg3A_1086 : f32 to vector<16xf32>
        %neg3A_1088 = arith.subf %neg3A_1087, %add3A_1085 : vector<16xf32>
        %exp3A_1089 = math.exp %neg3A_1088 : vector<16xf32>
        %add3A_1090 = arith.constant 1.000000e+00 : f32
        %add3A_1091 = vector.broadcast %add3A_1090 : f32 to vector<16xf32>
        %add3A_1092 = arith.addf %add3A_1091, %exp3A_1089 : vector<16xf32>
        %div3A_1093 = arith.divf %add3A_1085, %add3A_1092 : vector<16xf32>
        %add3A_1094 = arith.addf %add3A_944, %div3A_1093 : vector<16xf32>
        %get3A_1095 = arith.constant 0 : i32
        %get3A_1096 = arith.constant 0 : i32
        %get3A_1097 = tpu.memref_slice %arg8[%scan3A_551, %get3A_1095, %get3A_1096] : memref<2x64x128xf32, #tpu.memory_space<vmem>> -> memref<1x64x128xf32, #tpu.memory_space<vmem>>
        %get3A_1098 = tpu.memref_squeeze %get3A_1097 : memref<1x64x128xf32, #tpu.memory_space<vmem>> -> memref<64x128xf32, #tpu.memory_space<vmem>>
        %get3A_1099 = arith.index_cast %add3A_986 : i32 to index
        %get3A_1100 = arith.constant 96 : index
        %get3A_1101 = tpu.vector_load %get3A_1098[%get3A_1099, %get3A_1100] {strides = array<i32>} : memref<64x128xf32, #tpu.memory_space<vmem>>, vector<1x16xf32>,
        %get3A_1102 = vector.shape_cast %get3A_1101 : vector<1x16xf32> to vector<16xf32>
        %add3A_1103 = arith.addf %get3A_530, %get3A_1102 : vector<16xf32>
        %neg3A_1104 = arith.constant 0.000000e+00 : f32
        %neg3A_1105 = vector.broadcast %neg3A_1104 : f32 to vector<16xf32>
        %neg3A_1106 = arith.subf %neg3A_1105, %add3A_1103 : vector<16xf32>
        %exp3A_1107 = math.exp %neg3A_1106 : vector<16xf32>
        %add3A_1108 = arith.constant 1.000000e+00 : f32
        %add3A_1109 = vector.broadcast %add3A_1108 : f32 to vector<16xf32>
        %add3A_1110 = arith.addf %add3A_1109, %exp3A_1107 : vector<16xf32>
        %div3A_1111 = arith.divf %add3A_1103, %add3A_1110 : vector<16xf32>
        %add3A_1112 = arith.addf %add3A_962, %div3A_1111 : vector<16xf32>
        %get3A_1113 = arith.constant 0 : i32
        %get3A_1114 = arith.constant 0 : i32
        %get3A_1115 = tpu.memref_slice %arg8[%scan3A_551, %get3A_1113, %get3A_1114] : memref<2x64x128xf32, #tpu.memory_space<vmem>> -> memref<1x64x128xf32, #tpu.memory_space<vmem>>
        %get3A_1116 = tpu.memref_squeeze %get3A_1115 : memref<1x64x128xf32, #tpu.memory_space<vmem>> -> memref<64x128xf32, #tpu.memory_space<vmem>>
        %get3A_1117 = arith.index_cast %add3A_986 : i32 to index
        %get3A_1118 = arith.constant 112 : index
        %get3A_1119 = tpu.vector_load %get3A_1116[%get3A_1117, %get3A_1118] {strides = array<i32>} : memref<64x128xf32, #tpu.memory_space<vmem>>, vector<1x16xf32>,
        %get3A_1120 = vector.shape_cast %get3A_1119 : vector<1x16xf32> to vector<16xf32>
        %add3A_1121 = arith.addf %get3A_534, %get3A_1120 : vector<16xf32>
        %neg3A_1122 = arith.constant 0.000000e+00 : f32
        %neg3A_1123 = vector.broadcast %neg3A_1122 : f32 to vector<16xf32>
        %neg3A_1124 = arith.subf %neg3A_1123, %add3A_1121 : vector<16xf32>
        %exp3A_1125 = math.exp %neg3A_1124 : vector<16xf32>
        %add3A_1126 = arith.constant 1.000000e+00 : f32
        %add3A_1127 = vector.broadcast %add3A_1126 : f32 to vector<16xf32>
        %add3A_1128 = arith.addf %add3A_1127, %exp3A_1125 : vector<16xf32>
        %div3A_1129 = arith.divf %add3A_1121, %add3A_1128 : vector<16xf32>
        %add3A_1130 = arith.addf %add3A_980, %div3A_1129 : vector<16xf32>
        scf.yield %add3A_1004, %add3A_1022, %add3A_1040, %add3A_1058, %add3A_1076, %add3A_1094, %add3A_1112, %add3A_1130 : vector<16xf32>, vector<16xf32>, vector<16xf32>, vector<16xf32>, vector<16xf32>, vector<16xf32>, vector<16xf32>, vector<16xf32>
      }
      %scan3A_557 = arith.constant 16 : i32
      %swap3A_558 = arith.constant 1 : i32
      %swap3A_559 = arith.constant 0 : i32
      %swap3A_560 = arith.constant 0 : i32
      %swap3A_561 = arith.constant 0 : i32
      %swap3A_562 = tpu.memref_slice %arg9[%swap3A_558, %swap3A_560, %swap3A_561] : memref<2x2x128xf32, #tpu.memory_space<vmem>> -> memref<1x2x128xf32, #tpu.memory_space<vmem>>
      %swap3A_563 = tpu.memref_squeeze %swap3A_562 : memref<1x2x128xf32, #tpu.memory_space<vmem>> -> memref<2x128xf32, #tpu.memory_space<vmem>>
      %swap3A_564 = arith.index_cast %swap3A_559 : i32 to index
      %swap3A_565 = arith.constant 0 : index
      %swap3A_566 = tpu.vector_load %swap3A_563[%swap3A_564, %swap3A_565] {strides = array<i32>} : memref<2x128xf32, #tpu.memory_space<vmem>>, vector<1x16xf32>,
      %swap3A_567 = vector.shape_cast %swap3A_566 : vector<1x16xf32> to vector<16xf32>
      %swap3A_568 = vector.shape_cast %scan3A_556#0 : vector<16xf32> to vector<1x16xf32>
      tpu.vector_store %swap3A_563[%swap3A_564, %swap3A_565], %swap3A_568 {strides = array<i32>} : memref<2x128xf32, #tpu.memory_space<vmem>>, vector<1x16xf32>,
      %swap3A_569 = arith.constant 1 : i32
      %swap3A_570 = arith.constant 0 : i32
      %swap3A_571 = arith.constant 0 : i32
      %swap3A_572 = arith.constant 0 : i32
      %swap3A_573 = tpu.memref_slice %arg9[%swap3A_569, %swap3A_571, %swap3A_572] : memref<2x2x128xf32, #tpu.memory_space<vmem>> -> memref<1x2x128xf32, #tpu.memory_space<vmem>>
      %swap3A_574 = tpu.memref_squeeze %swap3A_573 : memref<1x2x128xf32, #tpu.memory_space<vmem>> -> memref<2x128xf32, #tpu.memory_space<vmem>>
      %swap3A_575 = arith.index_cast %swap3A_570 : i32 to index
      %swap3A_576 = arith.constant 16 : index
      %swap3A_577 = tpu.vector_load %swap3A_574[%swap3A_575, %swap3A_576] {strides = array<i32>} : memref<2x128xf32, #tpu.memory_space<vmem>>, vector<1x16xf32>,
      %swap3A_578 = vector.shape_cast %swap3A_577 : vector<1x16xf32> to vector<16xf32>
      %swap3A_579 = vector.shape_cast %scan3A_556#1 : vector<16xf32> to vector<1x16xf32>
      tpu.vector_store %swap3A_574[%swap3A_575, %swap3A_576], %swap3A_579 {strides = array<i32>} : memref<2x128xf32, #tpu.memory_space<vmem>>, vector<1x16xf32>,
      %swap3A_580 = arith.constant 1 : i32
      %swap3A_581 = arith.constant 0 : i32
      %swap3A_582 = arith.constant 0 : i32
      %swap3A_583 = arith.constant 0 : i32
      %swap3A_584 = tpu.memref_slice %arg9[%swap3A_580, %swap3A_582, %swap3A_583] : memref<2x2x128xf32, #tpu.memory_space<vmem>> -> memref<1x2x128xf32, #tpu.memory_space<vmem>>
      %swap3A_585 = tpu.memref_squeeze %swap3A_584 : memref<1x2x128xf32, #tpu.memory_space<vmem>> -> memref<2x128xf32, #tpu.memory_space<vmem>>
      %swap3A_586 = arith.index_cast %swap3A_581 : i32 to index
      %swap3A_587 = arith.constant 32 : index
      %swap3A_588 = tpu.vector_load %swap3A_585[%swap3A_586, %swap3A_587] {strides = array<i32>} : memref<2x128xf32, #tpu.memory_space<vmem>>, vector<1x16xf32>,
      %swap3A_589 = vector.shape_cast %swap3A_588 : vector<1x16xf32> to vector<16xf32>
      %swap3A_590 = vector.shape_cast %scan3A_556#2 : vector<16xf32> to vector<1x16xf32>
      tpu.vector_store %swap3A_585[%swap3A_586, %swap3A_587], %swap3A_590 {strides = array<i32>} : memref<2x128xf32, #tpu.memory_space<vmem>>, vector<1x16xf32>,
      %swap3A_591 = arith.constant 1 : i32
      %swap3A_592 = arith.constant 0 : i32
      %swap3A_593 = arith.constant 0 : i32
      %swap3A_594 = arith.constant 0 : i32
      %swap3A_595 = tpu.memref_slice %arg9[%swap3A_591, %swap3A_593, %swap3A_594] : memref<2x2x128xf32, #tpu.memory_space<vmem>> -> memref<1x2x128xf32, #tpu.memory_space<vmem>>
      %swap3A_596 = tpu.memref_squeeze %swap3A_595 : memref<1x2x128xf32, #tpu.memory_space<vmem>> -> memref<2x128xf32, #tpu.memory_space<vmem>>
      %swap3A_597 = arith.index_cast %swap3A_592 : i32 to index
      %swap3A_598 = arith.constant 48 : index
      %swap3A_599 = tpu.vector_load %swap3A_596[%swap3A_597, %swap3A_598] {strides = array<i32>} : memref<2x128xf32, #tpu.memory_space<vmem>>, vector<1x16xf32>,
      %swap3A_600 = vector.shape_cast %swap3A_599 : vector<1x16xf32> to vector<16xf32>
      %swap3A_601 = vector.shape_cast %scan3A_556#3 : vector<16xf32> to vector<1x16xf32>
      tpu.vector_store %swap3A_596[%swap3A_597, %swap3A_598], %swap3A_601 {strides = array<i32>} : memref<2x128xf32, #tpu.memory_space<vmem>>, vector<1x16xf32>,
      %swap3A_602 = arith.constant 1 : i32
      %swap3A_603 = arith.constant 0 : i32
      %swap3A_604 = arith.constant 0 : i32
      %swap3A_605 = arith.constant 0 : i32
      %swap3A_606 = tpu.memref_slice %arg9[%swap3A_602, %swap3A_604, %swap3A_605] : memref<2x2x128xf32, #tpu.memory_space<vmem>> -> memref<1x2x128xf32, #tpu.memory_space<vmem>>
      %swap3A_607 = tpu.memref_squeeze %swap3A_606 : memref<1x2x128xf32, #tpu.memory_space<vmem>> -> memref<2x128xf32, #tpu.memory_space<vmem>>
      %swap3A_608 = arith.index_cast %swap3A_603 : i32 to index
      %swap3A_609 = arith.constant 64 : index
      %swap3A_610 = tpu.vector_load %swap3A_607[%swap3A_608, %swap3A_609] {strides = array<i32>} : memref<2x128xf32, #tpu.memory_space<vmem>>, vector<1x16xf32>,
      %swap3A_611 = vector.shape_cast %swap3A_610 : vector<1x16xf32> to vector<16xf32>
      %swap3A_612 = vector.shape_cast %scan3A_556#4 : vector<16xf32> to vector<1x16xf32>
      tpu.vector_store %swap3A_607[%swap3A_608, %swap3A_609], %swap3A_612 {strides = array<i32>} : memref<2x128xf32, #tpu.memory_space<vmem>>, vector<1x16xf32>,
      %swap3A_613 = arith.constant 1 : i32
      %swap3A_614 = arith.constant 0 : i32
      %swap3A_615 = arith.constant 0 : i32
      %swap3A_616 = arith.constant 0 : i32
      %swap3A_617 = tpu.memref_slice %arg9[%swap3A_613, %swap3A_615, %swap3A_616] : memref<2x2x128xf32, #tpu.memory_space<vmem>> -> memref<1x2x128xf32, #tpu.memory_space<vmem>>
      %swap3A_618 = tpu.memref_squeeze %swap3A_617 : memref<1x2x128xf32, #tpu.memory_space<vmem>> -> memref<2x128xf32, #tpu.memory_space<vmem>>
      %swap3A_619 = arith.index_cast %swap3A_614 : i32 to index
      %swap3A_620 = arith.constant 80 : index
      %swap3A_621 = tpu.vector_load %swap3A_618[%swap3A_619, %swap3A_620] {strides = array<i32>} : memref<2x128xf32, #tpu.memory_space<vmem>>, vector<1x16xf32>,
      %swap3A_622 = vector.shape_cast %swap3A_621 : vector<1x16xf32> to vector<16xf32>
      %swap3A_623 = vector.shape_cast %scan3A_556#5 : vector<16xf32> to vector<1x16xf32>
      tpu.vector_store %swap3A_618[%swap3A_619, %swap3A_620], %swap3A_623 {strides = array<i32>} : memref<2x128xf32, #tpu.memory_space<vmem>>, vector<1x16xf32>,
      %swap3A_624 = arith.constant 1 : i32
      %swap3A_625 = arith.constant 0 : i32
      %swap3A_626 = arith.constant 0 : i32
      %swap3A_627 = arith.constant 0 : i32
      %swap3A_628 = tpu.memref_slice %arg9[%swap3A_624, %swap3A_626, %swap3A_627] : memref<2x2x128xf32, #tpu.memory_space<vmem>> -> memref<1x2x128xf32, #tpu.memory_space<vmem>>
      %swap3A_629 = tpu.memref_squeeze %swap3A_628 : memref<1x2x128xf32, #tpu.memory_space<vmem>> -> memref<2x128xf32, #tpu.memory_space<vmem>>
      %swap3A_630 = arith.index_cast %swap3A_625 : i32 to index
      %swap3A_631 = arith.constant 96 : index
      %swap3A_632 = tpu.vector_load %swap3A_629[%swap3A_630, %swap3A_631] {strides = array<i32>} : memref<2x128xf32, #tpu.memory_space<vmem>>, vector<1x16xf32>,
      %swap3A_633 = vector.shape_cast %swap3A_632 : vector<1x16xf32> to vector<16xf32>
      %swap3A_634 = vector.shape_cast %scan3A_556#6 : vector<16xf32> to vector<1x16xf32>
      tpu.vector_store %swap3A_629[%swap3A_630, %swap3A_631], %swap3A_634 {strides = array<i32>} : memref<2x128xf32, #tpu.memory_space<vmem>>, vector<1x16xf32>,
      %swap3A_635 = arith.constant 1 : i32
      %swap3A_636 = arith.constant 0 : i32
      %swap3A_637 = arith.constant 0 : i32
      %swap3A_638 = arith.constant 0 : i32
      %swap3A_639 = tpu.memref_slice %arg9[%swap3A_635, %swap3A_637, %swap3A_638] : memref<2x2x128xf32, #tpu.memory_space<vmem>> -> memref<1x2x128xf32, #tpu.memory_space<vmem>>
      %swap3A_640 = tpu.memref_squeeze %swap3A_639 : memref<1x2x128xf32, #tpu.memory_space<vmem>> -> memref<2x128xf32, #tpu.memory_space<vmem>>
      %swap3A_641 = arith.index_cast %swap3A_636 : i32 to index
      %swap3A_642 = arith.constant 112 : index
      %swap3A_643 = tpu.vector_load %swap3A_640[%swap3A_641, %swap3A_642] {strides = array<i32>} : memref<2x128xf32, #tpu.memory_space<vmem>>, vector<1x16xf32>,
      %swap3A_644 = vector.shape_cast %swap3A_643 : vector<1x16xf32> to vector<16xf32>
      %swap3A_645 = vector.shape_cast %scan3A_556#7 : vector<16xf32> to vector<1x16xf32>
      tpu.vector_store %swap3A_640[%swap3A_641, %swap3A_642], %swap3A_645 {strides = array<i32>} : memref<2x128xf32, #tpu.memory_space<vmem>>, vector<1x16xf32>,
      %jit3A_646 = arith.constant 32 : i32
      %eq3A_647 = arith.constant 0 : i32
      %eq3A_648 = arith.cmpi eq, %jit3A_646, %eq3A_647 : i32
      %jit3A_649 = arith.constant 1 : i32
      %select_n3A_650 = arith.select %eq3A_648, %jit3A_649, %jit3A_646 : i32
      %rem3A_651 = arith.remsi %add3A_435, %select_n3A_650 : i32
      %ne3A_652 = arith.constant 0 : i32
      %ne3A_653 = arith.cmpi ne, %rem3A_651, %ne3A_652 : i32
      %lt3A_654 = arith.constant 0 : i32
      %lt3A_655 = arith.cmpi slt, %rem3A_651, %lt3A_654 : i32
      %lt3A_656 = arith.constant 0 : i32
      %lt3A_657 = arith.cmpi slt, %select_n3A_650, %lt3A_656 : i32
      %ne3A_658 = arith.xori %lt3A_655, %lt3A_657 : i1
      %and3A_659 = arith.andi %ne3A_658, %ne3A_653 : i1
      %add3A_660 = arith.addi %rem3A_651, %select_n3A_650 : i32
      %select_n3A_661 = arith.select %and3A_659, %add3A_660, %rem3A_651 : i32
      %mul3A_662 = arith.constant 2 : i32
      %mul3A_663 = arith.muli %select_n3A_661, %mul3A_662 : i32
      %add3A_664 = arith.constant 1 : i32
      %add3A_665 = arith.addi %mul3A_663, %add3A_664 : i32
      %get3A_666 = arith.index_cast %add3A_665 : i32 to index
      %get3A_667 = arith.constant 0 : index
      %get3A_668 = tpu.vector_load %arg7[%get3A_666, %get3A_667] {strides = array<i32>} : memref<64x128xf32, #tpu.memory_space<vmem>>, vector<1x16xf32>,
      %get3A_669 = vector.shape_cast %get3A_668 : vector<1x16xf32> to vector<16xf32>
      %get3A_670 = arith.index_cast %add3A_665 : i32 to index
      %get3A_671 = arith.constant 16 : index
      %get3A_672 = tpu.vector_load %arg7[%get3A_670, %get3A_671] {strides = array<i32>} : memref<64x128xf32, #tpu.memory_space<vmem>>, vector<1x16xf32>,
      %get3A_673 = vector.shape_cast %get3A_672 : vector<1x16xf32> to vector<16xf32>
      %get3A_674 = arith.index_cast %add3A_665 : i32 to index
      %get3A_675 = arith.constant 32 : index
      %get3A_676 = tpu.vector_load %arg7[%get3A_674, %get3A_675] {strides = array<i32>} : memref<64x128xf32, #tpu.memory_space<vmem>>, vector<1x16xf32>,
      %get3A_677 = vector.shape_cast %get3A_676 : vector<1x16xf32> to vector<16xf32>
      %get3A_678 = arith.index_cast %add3A_665 : i32 to index
      %get3A_679 = arith.constant 48 : index
      %get3A_680 = tpu.vector_load %arg7[%get3A_678, %get3A_679] {strides = array<i32>} : memref<64x128xf32, #tpu.memory_space<vmem>>, vector<1x16xf32>,
      %get3A_681 = vector.shape_cast %get3A_680 : vector<1x16xf32> to vector<16xf32>
      %get3A_682 = arith.index_cast %add3A_665 : i32 to index
      %get3A_683 = arith.constant 64 : index
      %get3A_684 = tpu.vector_load %arg7[%get3A_682, %get3A_683] {strides = array<i32>} : memref<64x128xf32, #tpu.memory_space<vmem>>, vector<1x16xf32>,
      %get3A_685 = vector.shape_cast %get3A_684 : vector<1x16xf32> to vector<16xf32>
      %get3A_686 = arith.index_cast %add3A_665 : i32 to index
      %get3A_687 = arith.constant 80 : index
      %get3A_688 = tpu.vector_load %arg7[%get3A_686, %get3A_687] {strides = array<i32>} : memref<64x128xf32, #tpu.memory_space<vmem>>, vector<1x16xf32>,
      %get3A_689 = vector.shape_cast %get3A_688 : vector<1x16xf32> to vector<16xf32>
      %get3A_690 = arith.index_cast %add3A_665 : i32 to index
      %get3A_691 = arith.constant 96 : index
      %get3A_692 = tpu.vector_load %arg7[%get3A_690, %get3A_691] {strides = array<i32>} : memref<64x128xf32, #tpu.memory_space<vmem>>, vector<1x16xf32>,
      %get3A_693 = vector.shape_cast %get3A_692 : vector<1x16xf32> to vector<16xf32>
      %get3A_694 = arith.index_cast %add3A_665 : i32 to index
      %get3A_695 = arith.constant 112 : index
      %get3A_696 = tpu.vector_load %arg7[%get3A_694, %get3A_695] {strides = array<i32>} : memref<64x128xf32, #tpu.memory_space<vmem>>, vector<1x16xf32>,
      %get3A_697 = vector.shape_cast %get3A_696 : vector<1x16xf32> to vector<16xf32>
      %broadcast_in_dim3A_698 = arith.constant 0.000000e+00 : f32
      %broadcast_in_dim3A_699 = vector.broadcast %broadcast_in_dim3A_698 : f32 to vector<16xf32>
      %broadcast_in_dim3A_700 = arith.constant 0.000000e+00 : f32
      %broadcast_in_dim3A_701 = vector.broadcast %broadcast_in_dim3A_700 : f32 to vector<16xf32>
      %broadcast_in_dim3A_702 = arith.constant 0.000000e+00 : f32
      %broadcast_in_dim3A_703 = vector.broadcast %broadcast_in_dim3A_702 : f32 to vector<16xf32>
      %broadcast_in_dim3A_704 = arith.constant 0.000000e+00 : f32
      %broadcast_in_dim3A_705 = vector.broadcast %broadcast_in_dim3A_704 : f32 to vector<16xf32>
      %broadcast_in_dim3A_706 = arith.constant 0.000000e+00 : f32
      %broadcast_in_dim3A_707 = vector.broadcast %broadcast_in_dim3A_706 : f32 to vector<16xf32>
      %broadcast_in_dim3A_708 = arith.constant 0.000000e+00 : f32
      %broadcast_in_dim3A_709 = vector.broadcast %broadcast_in_dim3A_708 : f32 to vector<16xf32>
      %broadcast_in_dim3A_710 = arith.constant 0.000000e+00 : f32
      %broadcast_in_dim3A_711 = vector.broadcast %broadcast_in_dim3A_710 : f32 to vector<16xf32>
      %broadcast_in_dim3A_712 = arith.constant 0.000000e+00 : f32
      %broadcast_in_dim3A_713 = vector.broadcast %broadcast_in_dim3A_712 : f32 to vector<16xf32>
      %scan3A_714 = arith.constant 1 : i32
      %scan3A_715 = arith.constant 0 : i32
      %scan3A_716 = arith.constant 16 : i32
      %scan3A_717 = arith.addi %scan3A_715, %scan3A_716 : i32
      %scan3A_718 = arith.constant 1 : i32
      %scan3A_719:8 = scf.for %scan3A_825 = %scan3A_715 to %scan3A_717 step %scan3A_718 iter_args(%scan3A_826 = %broadcast_in_dim3A_699, %scan3A_827 = %broadcast_in_dim3A_701, %scan3A_828 = %broadcast_in_dim3A_703, %scan3A_829 = %broadcast_in_dim3A_705, %scan3A_830 = %broadcast_in_dim3A_707, %scan3A_831 = %broadcast_in_dim3A_709, %scan3A_832 = %broadcast_in_dim3A_711, %scan3A_833 = %broadcast_in_dim3A_713) -> (vector<16xf32>, vector<16xf32>, vector<16xf32>, vector<16xf32>, vector<16xf32>, vector<16xf32>, vector<16xf32>, vector<16xf32>)  : i32 {
        %mul3A_834 = arith.constant 2 : i32
        %mul3A_835 = arith.muli %mul3A_834, %scan3A_825 : i32
        %add3A_836 = arith.constant 32 : i32
        %add3A_837 = arith.addi %add3A_836, %mul3A_835 : i32
        %add3A_838 = arith.constant 0 : i32
        %add3A_839 = arith.addi %add3A_837, %add3A_838 : i32
        %get3A_840 = arith.constant 0 : i32
        %get3A_841 = arith.constant 0 : i32
        %get3A_842 = tpu.memref_slice %arg8[%scan3A_714, %get3A_840, %get3A_841] : memref<2x64x128xf32, #tpu.memory_space<vmem>> -> memref<1x64x128xf32, #tpu.memory_space<vmem>>
        %get3A_843 = tpu.memref_squeeze %get3A_842 : memref<1x64x128xf32, #tpu.memory_space<vmem>> -> memref<64x128xf32, #tpu.memory_space<vmem>>
        %get3A_844 = arith.index_cast %add3A_839 : i32 to index
        %get3A_845 = arith.constant 0 : index
        %get3A_846 = tpu.vector_load %get3A_843[%get3A_844, %get3A_845] {strides = array<i32>} : memref<64x128xf32, #tpu.memory_space<vmem>>, vector<1x16xf32>,
        %get3A_847 = vector.shape_cast %get3A_846 : vector<1x16xf32> to vector<16xf32>
        %add3A_848 = arith.addf %get3A_669, %get3A_847 : vector<16xf32>
        %neg3A = arith.constant 0.000000e+00 : f32
        %neg3A_849 = vector.broadcast %neg3A : f32 to vector<16xf32>
        %neg3A_850 = arith.subf %neg3A_849, %add3A_848 : vector<16xf32>
        %exp3A = math.exp %neg3A_850 : vector<16xf32>
        %add3A_851 = arith.constant 1.000000e+00 : f32
        %add3A_852 = vector.broadcast %add3A_851 : f32 to vector<16xf32>
        %add3A_853 = arith.addf %add3A_852, %exp3A : vector<16xf32>
        %div3A = arith.divf %add3A_848, %add3A_853 : vector<16xf32>
        %add3A_854 = arith.addf %scan3A_826, %div3A : vector<16xf32>
        %get3A_855 = arith.constant 0 : i32
        %get3A_856 = arith.constant 0 : i32
        %get3A_857 = tpu.memref_slice %arg8[%scan3A_714, %get3A_855, %get3A_856] : memref<2x64x128xf32, #tpu.memory_space<vmem>> -> memref<1x64x128xf32, #tpu.memory_space<vmem>>
        %get3A_858 = tpu.memref_squeeze %get3A_857 : memref<1x64x128xf32, #tpu.memory_space<vmem>> -> memref<64x128xf32, #tpu.memory_space<vmem>>
        %get3A_859 = arith.index_cast %add3A_839 : i32 to index
        %get3A_860 = arith.constant 16 : index
        %get3A_861 = tpu.vector_load %get3A_858[%get3A_859, %get3A_860] {strides = array<i32>} : memref<64x128xf32, #tpu.memory_space<vmem>>, vector<1x16xf32>,
        %get3A_862 = vector.shape_cast %get3A_861 : vector<1x16xf32> to vector<16xf32>
        %add3A_863 = arith.addf %get3A_673, %get3A_862 : vector<16xf32>
        %neg3A_864 = arith.constant 0.000000e+00 : f32
        %neg3A_865 = vector.broadcast %neg3A_864 : f32 to vector<16xf32>
        %neg3A_866 = arith.subf %neg3A_865, %add3A_863 : vector<16xf32>
        %exp3A_867 = math.exp %neg3A_866 : vector<16xf32>
        %add3A_868 = arith.constant 1.000000e+00 : f32
        %add3A_869 = vector.broadcast %add3A_868 : f32 to vector<16xf32>
        %add3A_870 = arith.addf %add3A_869, %exp3A_867 : vector<16xf32>
        %div3A_871 = arith.divf %add3A_863, %add3A_870 : vector<16xf32>
        %add3A_872 = arith.addf %scan3A_827, %div3A_871 : vector<16xf32>
        %get3A_873 = arith.constant 0 : i32
        %get3A_874 = arith.constant 0 : i32
        %get3A_875 = tpu.memref_slice %arg8[%scan3A_714, %get3A_873, %get3A_874] : memref<2x64x128xf32, #tpu.memory_space<vmem>> -> memref<1x64x128xf32, #tpu.memory_space<vmem>>
        %get3A_876 = tpu.memref_squeeze %get3A_875 : memref<1x64x128xf32, #tpu.memory_space<vmem>> -> memref<64x128xf32, #tpu.memory_space<vmem>>
        %get3A_877 = arith.index_cast %add3A_839 : i32 to index
        %get3A_878 = arith.constant 32 : index
        %get3A_879 = tpu.vector_load %get3A_876[%get3A_877, %get3A_878] {strides = array<i32>} : memref<64x128xf32, #tpu.memory_space<vmem>>, vector<1x16xf32>,
        %get3A_880 = vector.shape_cast %get3A_879 : vector<1x16xf32> to vector<16xf32>
        %add3A_881 = arith.addf %get3A_677, %get3A_880 : vector<16xf32>
        %neg3A_882 = arith.constant 0.000000e+00 : f32
        %neg3A_883 = vector.broadcast %neg3A_882 : f32 to vector<16xf32>
        %neg3A_884 = arith.subf %neg3A_883, %add3A_881 : vector<16xf32>
        %exp3A_885 = math.exp %neg3A_884 : vector<16xf32>
        %add3A_886 = arith.constant 1.000000e+00 : f32
        %add3A_887 = vector.broadcast %add3A_886 : f32 to vector<16xf32>
        %add3A_888 = arith.addf %add3A_887, %exp3A_885 : vector<16xf32>
        %div3A_889 = arith.divf %add3A_881, %add3A_888 : vector<16xf32>
        %add3A_890 = arith.addf %scan3A_828, %div3A_889 : vector<16xf32>
        %get3A_891 = arith.constant 0 : i32
        %get3A_892 = arith.constant 0 : i32
        %get3A_893 = tpu.memref_slice %arg8[%scan3A_714, %get3A_891, %get3A_892] : memref<2x64x128xf32, #tpu.memory_space<vmem>> -> memref<1x64x128xf32, #tpu.memory_space<vmem>>
        %get3A_894 = tpu.memref_squeeze %get3A_893 : memref<1x64x128xf32, #tpu.memory_space<vmem>> -> memref<64x128xf32, #tpu.memory_space<vmem>>
        %get3A_895 = arith.index_cast %add3A_839 : i32 to index
        %get3A_896 = arith.constant 48 : index
        %get3A_897 = tpu.vector_load %get3A_894[%get3A_895, %get3A_896] {strides = array<i32>} : memref<64x128xf32, #tpu.memory_space<vmem>>, vector<1x16xf32>,
        %get3A_898 = vector.shape_cast %get3A_897 : vector<1x16xf32> to vector<16xf32>
        %add3A_899 = arith.addf %get3A_681, %get3A_898 : vector<16xf32>
        %neg3A_900 = arith.constant 0.000000e+00 : f32
        %neg3A_901 = vector.broadcast %neg3A_900 : f32 to vector<16xf32>
        %neg3A_902 = arith.subf %neg3A_901, %add3A_899 : vector<16xf32>
        %exp3A_903 = math.exp %neg3A_902 : vector<16xf32>
        %add3A_904 = arith.constant 1.000000e+00 : f32
        %add3A_905 = vector.broadcast %add3A_904 : f32 to vector<16xf32>
        %add3A_906 = arith.addf %add3A_905, %exp3A_903 : vector<16xf32>
        %div3A_907 = arith.divf %add3A_899, %add3A_906 : vector<16xf32>
        %add3A_908 = arith.addf %scan3A_829, %div3A_907 : vector<16xf32>
        %get3A_909 = arith.constant 0 : i32
        %get3A_910 = arith.constant 0 : i32
        %get3A_911 = tpu.memref_slice %arg8[%scan3A_714, %get3A_909, %get3A_910] : memref<2x64x128xf32, #tpu.memory_space<vmem>> -> memref<1x64x128xf32, #tpu.memory_space<vmem>>
        %get3A_912 = tpu.memref_squeeze %get3A_911 : memref<1x64x128xf32, #tpu.memory_space<vmem>> -> memref<64x128xf32, #tpu.memory_space<vmem>>
        %get3A_913 = arith.index_cast %add3A_839 : i32 to index
        %get3A_914 = arith.constant 64 : index
        %get3A_915 = tpu.vector_load %get3A_912[%get3A_913, %get3A_914] {strides = array<i32>} : memref<64x128xf32, #tpu.memory_space<vmem>>, vector<1x16xf32>,
        %get3A_916 = vector.shape_cast %get3A_915 : vector<1x16xf32> to vector<16xf32>
        %add3A_917 = arith.addf %get3A_685, %get3A_916 : vector<16xf32>
        %neg3A_918 = arith.constant 0.000000e+00 : f32
        %neg3A_919 = vector.broadcast %neg3A_918 : f32 to vector<16xf32>
        %neg3A_920 = arith.subf %neg3A_919, %add3A_917 : vector<16xf32>
        %exp3A_921 = math.exp %neg3A_920 : vector<16xf32>
        %add3A_922 = arith.constant 1.000000e+00 : f32
        %add3A_923 = vector.broadcast %add3A_922 : f32 to vector<16xf32>
        %add3A_924 = arith.addf %add3A_923, %exp3A_921 : vector<16xf32>
        %div3A_925 = arith.divf %add3A_917, %add3A_924 : vector<16xf32>
        %add3A_926 = arith.addf %scan3A_830, %div3A_925 : vector<16xf32>
        %get3A_927 = arith.constant 0 : i32
        %get3A_928 = arith.constant 0 : i32
        %get3A_929 = tpu.memref_slice %arg8[%scan3A_714, %get3A_927, %get3A_928] : memref<2x64x128xf32, #tpu.memory_space<vmem>> -> memref<1x64x128xf32, #tpu.memory_space<vmem>>
        %get3A_930 = tpu.memref_squeeze %get3A_929 : memref<1x64x128xf32, #tpu.memory_space<vmem>> -> memref<64x128xf32, #tpu.memory_space<vmem>>
        %get3A_931 = arith.index_cast %add3A_839 : i32 to index
        %get3A_932 = arith.constant 80 : index
        %get3A_933 = tpu.vector_load %get3A_930[%get3A_931, %get3A_932] {strides = array<i32>} : memref<64x128xf32, #tpu.memory_space<vmem>>, vector<1x16xf32>,
        %get3A_934 = vector.shape_cast %get3A_933 : vector<1x16xf32> to vector<16xf32>
        %add3A_935 = arith.addf %get3A_689, %get3A_934 : vector<16xf32>
        %neg3A_936 = arith.constant 0.000000e+00 : f32
        %neg3A_937 = vector.broadcast %neg3A_936 : f32 to vector<16xf32>
        %neg3A_938 = arith.subf %neg3A_937, %add3A_935 : vector<16xf32>
        %exp3A_939 = math.exp %neg3A_938 : vector<16xf32>
        %add3A_940 = arith.constant 1.000000e+00 : f32
        %add3A_941 = vector.broadcast %add3A_940 : f32 to vector<16xf32>
        %add3A_942 = arith.addf %add3A_941, %exp3A_939 : vector<16xf32>
        %div3A_943 = arith.divf %add3A_935, %add3A_942 : vector<16xf32>
        %add3A_944 = arith.addf %scan3A_831, %div3A_943 : vector<16xf32>
        %get3A_945 = arith.constant 0 : i32
        %get3A_946 = arith.constant 0 : i32
        %get3A_947 = tpu.memref_slice %arg8[%scan3A_714, %get3A_945, %get3A_946] : memref<2x64x128xf32, #tpu.memory_space<vmem>> -> memref<1x64x128xf32, #tpu.memory_space<vmem>>
        %get3A_948 = tpu.memref_squeeze %get3A_947 : memref<1x64x128xf32, #tpu.memory_space<vmem>> -> memref<64x128xf32, #tpu.memory_space<vmem>>
        %get3A_949 = arith.index_cast %add3A_839 : i32 to index
        %get3A_950 = arith.constant 96 : index
        %get3A_951 = tpu.vector_load %get3A_948[%get3A_949, %get3A_950] {strides = array<i32>} : memref<64x128xf32, #tpu.memory_space<vmem>>, vector<1x16xf32>,
        %get3A_952 = vector.shape_cast %get3A_951 : vector<1x16xf32> to vector<16xf32>
        %add3A_953 = arith.addf %get3A_693, %get3A_952 : vector<16xf32>
        %neg3A_954 = arith.constant 0.000000e+00 : f32
        %neg3A_955 = vector.broadcast %neg3A_954 : f32 to vector<16xf32>
        %neg3A_956 = arith.subf %neg3A_955, %add3A_953 : vector<16xf32>
        %exp3A_957 = math.exp %neg3A_956 : vector<16xf32>
        %add3A_958 = arith.constant 1.000000e+00 : f32
        %add3A_959 = vector.broadcast %add3A_958 : f32 to vector<16xf32>
        %add3A_960 = arith.addf %add3A_959, %exp3A_957 : vector<16xf32>
        %div3A_961 = arith.divf %add3A_953, %add3A_960 : vector<16xf32>
        %add3A_962 = arith.addf %scan3A_832, %div3A_961 : vector<16xf32>
        %get3A_963 = arith.constant 0 : i32
        %get3A_964 = arith.constant 0 : i32
        %get3A_965 = tpu.memref_slice %arg8[%scan3A_714, %get3A_963, %get3A_964] : memref<2x64x128xf32, #tpu.memory_space<vmem>> -> memref<1x64x128xf32, #tpu.memory_space<vmem>>
        %get3A_966 = tpu.memref_squeeze %get3A_965 : memref<1x64x128xf32, #tpu.memory_space<vmem>> -> memref<64x128xf32, #tpu.memory_space<vmem>>
        %get3A_967 = arith.index_cast %add3A_839 : i32 to index
        %get3A_968 = arith.constant 112 : index
        %get3A_969 = tpu.vector_load %get3A_966[%get3A_967, %get3A_968] {strides = array<i32>} : memref<64x128xf32, #tpu.memory_space<vmem>>, vector<1x16xf32>,
        %get3A_970 = vector.shape_cast %get3A_969 : vector<1x16xf32> to vector<16xf32>
        %add3A_971 = arith.addf %get3A_697, %get3A_970 : vector<16xf32>
        %neg3A_972 = arith.constant 0.000000e+00 : f32
        %neg3A_973 = vector.broadcast %neg3A_972 : f32 to vector<16xf32>
        %neg3A_974 = arith.subf %neg3A_973, %add3A_971 : vector<16xf32>
        %exp3A_975 = math.exp %neg3A_974 : vector<16xf32>
        %add3A_976 = arith.constant 1.000000e+00 : f32
        %add3A_977 = vector.broadcast %add3A_976 : f32 to vector<16xf32>
        %add3A_978 = arith.addf %add3A_977, %exp3A_975 : vector<16xf32>
        %div3A_979 = arith.divf %add3A_971, %add3A_978 : vector<16xf32>
        %add3A_980 = arith.addf %scan3A_833, %div3A_979 : vector<16xf32>
        %mul3A_981 = arith.constant 2 : i32
        %mul3A_982 = arith.muli %mul3A_981, %scan3A_825 : i32
        %add3A_983 = arith.constant 32 : i32
        %add3A_984 = arith.addi %add3A_983, %mul3A_982 : i32
        %add3A_985 = arith.constant 1 : i32
        %add3A_986 = arith.addi %add3A_984, %add3A_985 : i32
        %get3A_987 = arith.constant 0 : i32
        %get3A_988 = arith.constant 0 : i32
        %get3A_989 = tpu.memref_slice %arg8[%scan3A_714, %get3A_987, %get3A_988] : memref<2x64x128xf32, #tpu.memory_space<vmem>> -> memref<1x64x128xf32, #tpu.memory_space<vmem>>
        %get3A_990 = tpu.memref_squeeze %get3A_989 : memref<1x64x128xf32, #tpu.memory_space<vmem>> -> memref<64x128xf32, #tpu.memory_space<vmem>>
        %get3A_991 = arith.index_cast %add3A_986 : i32 to index
        %get3A_992 = arith.constant 0 : index
        %get3A_993 = tpu.vector_load %get3A_990[%get3A_991, %get3A_992] {strides = array<i32>} : memref<64x128xf32, #tpu.memory_space<vmem>>, vector<1x16xf32>,
        %get3A_994 = vector.shape_cast %get3A_993 : vector<1x16xf32> to vector<16xf32>
        %add3A_995 = arith.addf %get3A_669, %get3A_994 : vector<16xf32>
        %neg3A_996 = arith.constant 0.000000e+00 : f32
        %neg3A_997 = vector.broadcast %neg3A_996 : f32 to vector<16xf32>
        %neg3A_998 = arith.subf %neg3A_997, %add3A_995 : vector<16xf32>
        %exp3A_999 = math.exp %neg3A_998 : vector<16xf32>
        %add3A_1000 = arith.constant 1.000000e+00 : f32
        %add3A_1001 = vector.broadcast %add3A_1000 : f32 to vector<16xf32>
        %add3A_1002 = arith.addf %add3A_1001, %exp3A_999 : vector<16xf32>
        %div3A_1003 = arith.divf %add3A_995, %add3A_1002 : vector<16xf32>
        %add3A_1004 = arith.addf %add3A_854, %div3A_1003 : vector<16xf32>
        %get3A_1005 = arith.constant 0 : i32
        %get3A_1006 = arith.constant 0 : i32
        %get3A_1007 = tpu.memref_slice %arg8[%scan3A_714, %get3A_1005, %get3A_1006] : memref<2x64x128xf32, #tpu.memory_space<vmem>> -> memref<1x64x128xf32, #tpu.memory_space<vmem>>
        %get3A_1008 = tpu.memref_squeeze %get3A_1007 : memref<1x64x128xf32, #tpu.memory_space<vmem>> -> memref<64x128xf32, #tpu.memory_space<vmem>>
        %get3A_1009 = arith.index_cast %add3A_986 : i32 to index
        %get3A_1010 = arith.constant 16 : index
        %get3A_1011 = tpu.vector_load %get3A_1008[%get3A_1009, %get3A_1010] {strides = array<i32>} : memref<64x128xf32, #tpu.memory_space<vmem>>, vector<1x16xf32>,
        %get3A_1012 = vector.shape_cast %get3A_1011 : vector<1x16xf32> to vector<16xf32>
        %add3A_1013 = arith.addf %get3A_673, %get3A_1012 : vector<16xf32>
        %neg3A_1014 = arith.constant 0.000000e+00 : f32
        %neg3A_1015 = vector.broadcast %neg3A_1014 : f32 to vector<16xf32>
        %neg3A_1016 = arith.subf %neg3A_1015, %add3A_1013 : vector<16xf32>
        %exp3A_1017 = math.exp %neg3A_1016 : vector<16xf32>
        %add3A_1018 = arith.constant 1.000000e+00 : f32
        %add3A_1019 = vector.broadcast %add3A_1018 : f32 to vector<16xf32>
        %add3A_1020 = arith.addf %add3A_1019, %exp3A_1017 : vector<16xf32>
        %div3A_1021 = arith.divf %add3A_1013, %add3A_1020 : vector<16xf32>
        %add3A_1022 = arith.addf %add3A_872, %div3A_1021 : vector<16xf32>
        %get3A_1023 = arith.constant 0 : i32
        %get3A_1024 = arith.constant 0 : i32
        %get3A_1025 = tpu.memref_slice %arg8[%scan3A_714, %get3A_1023, %get3A_1024] : memref<2x64x128xf32, #tpu.memory_space<vmem>> -> memref<1x64x128xf32, #tpu.memory_space<vmem>>
        %get3A_1026 = tpu.memref_squeeze %get3A_1025 : memref<1x64x128xf32, #tpu.memory_space<vmem>> -> memref<64x128xf32, #tpu.memory_space<vmem>>
        %get3A_1027 = arith.index_cast %add3A_986 : i32 to index
        %get3A_1028 = arith.constant 32 : index
        %get3A_1029 = tpu.vector_load %get3A_1026[%get3A_1027, %get3A_1028] {strides = array<i32>} : memref<64x128xf32, #tpu.memory_space<vmem>>, vector<1x16xf32>,
        %get3A_1030 = vector.shape_cast %get3A_1029 : vector<1x16xf32> to vector<16xf32>
        %add3A_1031 = arith.addf %get3A_677, %get3A_1030 : vector<16xf32>
        %neg3A_1032 = arith.constant 0.000000e+00 : f32
        %neg3A_1033 = vector.broadcast %neg3A_1032 : f32 to vector<16xf32>
        %neg3A_1034 = arith.subf %neg3A_1033, %add3A_1031 : vector<16xf32>
        %exp3A_1035 = math.exp %neg3A_1034 : vector<16xf32>
        %add3A_1036 = arith.constant 1.000000e+00 : f32
        %add3A_1037 = vector.broadcast %add3A_1036 : f32 to vector<16xf32>
        %add3A_1038 = arith.addf %add3A_1037, %exp3A_1035 : vector<16xf32>
        %div3A_1039 = arith.divf %add3A_1031, %add3A_1038 : vector<16xf32>
        %add3A_1040 = arith.addf %add3A_890, %div3A_1039 : vector<16xf32>
        %get3A_1041 = arith.constant 0 : i32
        %get3A_1042 = arith.constant 0 : i32
        %get3A_1043 = tpu.memref_slice %arg8[%scan3A_714, %get3A_1041, %get3A_1042] : memref<2x64x128xf32, #tpu.memory_space<vmem>> -> memref<1x64x128xf32, #tpu.memory_space<vmem>>
        %get3A_1044 = tpu.memref_squeeze %get3A_1043 : memref<1x64x128xf32, #tpu.memory_space<vmem>> -> memref<64x128xf32, #tpu.memory_space<vmem>>
        %get3A_1045 = arith.index_cast %add3A_986 : i32 to index
        %get3A_1046 = arith.constant 48 : index
        %get3A_1047 = tpu.vector_load %get3A_1044[%get3A_1045, %get3A_1046] {strides = array<i32>} : memref<64x128xf32, #tpu.memory_space<vmem>>, vector<1x16xf32>,
        %get3A_1048 = vector.shape_cast %get3A_1047 : vector<1x16xf32> to vector<16xf32>
        %add3A_1049 = arith.addf %get3A_681, %get3A_1048 : vector<16xf32>
        %neg3A_1050 = arith.constant 0.000000e+00 : f32
        %neg3A_1051 = vector.broadcast %neg3A_1050 : f32 to vector<16xf32>
        %neg3A_1052 = arith.subf %neg3A_1051, %add3A_1049 : vector<16xf32>
        %exp3A_1053 = math.exp %neg3A_1052 : vector<16xf32>
        %add3A_1054 = arith.constant 1.000000e+00 : f32
        %add3A_1055 = vector.broadcast %add3A_1054 : f32 to vector<16xf32>
        %add3A_1056 = arith.addf %add3A_1055, %exp3A_1053 : vector<16xf32>
        %div3A_1057 = arith.divf %add3A_1049, %add3A_1056 : vector<16xf32>
        %add3A_1058 = arith.addf %add3A_908, %div3A_1057 : vector<16xf32>
        %get3A_1059 = arith.constant 0 : i32
        %get3A_1060 = arith.constant 0 : i32
        %get3A_1061 = tpu.memref_slice %arg8[%scan3A_714, %get3A_1059, %get3A_1060] : memref<2x64x128xf32, #tpu.memory_space<vmem>> -> memref<1x64x128xf32, #tpu.memory_space<vmem>>
        %get3A_1062 = tpu.memref_squeeze %get3A_1061 : memref<1x64x128xf32, #tpu.memory_space<vmem>> -> memref<64x128xf32, #tpu.memory_space<vmem>>
        %get3A_1063 = arith.index_cast %add3A_986 : i32 to index
        %get3A_1064 = arith.constant 64 : index
        %get3A_1065 = tpu.vector_load %get3A_1062[%get3A_1063, %get3A_1064] {strides = array<i32>} : memref<64x128xf32, #tpu.memory_space<vmem>>, vector<1x16xf32>,
        %get3A_1066 = vector.shape_cast %get3A_1065 : vector<1x16xf32> to vector<16xf32>
        %add3A_1067 = arith.addf %get3A_685, %get3A_1066 : vector<16xf32>
        %neg3A_1068 = arith.constant 0.000000e+00 : f32
        %neg3A_1069 = vector.broadcast %neg3A_1068 : f32 to vector<16xf32>
        %neg3A_1070 = arith.subf %neg3A_1069, %add3A_1067 : vector<16xf32>
        %exp3A_1071 = math.exp %neg3A_1070 : vector<16xf32>
        %add3A_1072 = arith.constant 1.000000e+00 : f32
        %add3A_1073 = vector.broadcast %add3A_1072 : f32 to vector<16xf32>
        %add3A_1074 = arith.addf %add3A_1073, %exp3A_1071 : vector<16xf32>
        %div3A_1075 = arith.divf %add3A_1067, %add3A_1074 : vector<16xf32>
        %add3A_1076 = arith.addf %add3A_926, %div3A_1075 : vector<16xf32>
        %get3A_1077 = arith.constant 0 : i32
        %get3A_1078 = arith.constant 0 : i32
        %get3A_1079 = tpu.memref_slice %arg8[%scan3A_714, %get3A_1077, %get3A_1078] : memref<2x64x128xf32, #tpu.memory_space<vmem>> -> memref<1x64x128xf32, #tpu.memory_space<vmem>>
        %get3A_1080 = tpu.memref_squeeze %get3A_1079 : memref<1x64x128xf32, #tpu.memory_space<vmem>> -> memref<64x128xf32, #tpu.memory_space<vmem>>
        %get3A_1081 = arith.index_cast %add3A_986 : i32 to index
        %get3A_1082 = arith.constant 80 : index
        %get3A_1083 = tpu.vector_load %get3A_1080[%get3A_1081, %get3A_1082] {strides = array<i32>} : memref<64x128xf32, #tpu.memory_space<vmem>>, vector<1x16xf32>,
        %get3A_1084 = vector.shape_cast %get3A_1083 : vector<1x16xf32> to vector<16xf32>
        %add3A_1085 = arith.addf %get3A_689, %get3A_1084 : vector<16xf32>
        %neg3A_1086 = arith.constant 0.000000e+00 : f32
        %neg3A_1087 = vector.broadcast %neg3A_1086 : f32 to vector<16xf32>
        %neg3A_1088 = arith.subf %neg3A_1087, %add3A_1085 : vector<16xf32>
        %exp3A_1089 = math.exp %neg3A_1088 : vector<16xf32>
        %add3A_1090 = arith.constant 1.000000e+00 : f32
        %add3A_1091 = vector.broadcast %add3A_1090 : f32 to vector<16xf32>
        %add3A_1092 = arith.addf %add3A_1091, %exp3A_1089 : vector<16xf32>
        %div3A_1093 = arith.divf %add3A_1085, %add3A_1092 : vector<16xf32>
        %add3A_1094 = arith.addf %add3A_944, %div3A_1093 : vector<16xf32>
        %get3A_1095 = arith.constant 0 : i32
        %get3A_1096 = arith.constant 0 : i32
        %get3A_1097 = tpu.memref_slice %arg8[%scan3A_714, %get3A_1095, %get3A_1096] : memref<2x64x128xf32, #tpu.memory_space<vmem>> -> memref<1x64x128xf32, #tpu.memory_space<vmem>>
        %get3A_1098 = tpu.memref_squeeze %get3A_1097 : memref<1x64x128xf32, #tpu.memory_space<vmem>> -> memref<64x128xf32, #tpu.memory_space<vmem>>
        %get3A_1099 = arith.index_cast %add3A_986 : i32 to index
        %get3A_1100 = arith.constant 96 : index
        %get3A_1101 = tpu.vector_load %get3A_1098[%get3A_1099, %get3A_1100] {strides = array<i32>} : memref<64x128xf32, #tpu.memory_space<vmem>>, vector<1x16xf32>,
        %get3A_1102 = vector.shape_cast %get3A_1101 : vector<1x16xf32> to vector<16xf32>
        %add3A_1103 = arith.addf %get3A_693, %get3A_1102 : vector<16xf32>
        %neg3A_1104 = arith.constant 0.000000e+00 : f32
        %neg3A_1105 = vector.broadcast %neg3A_1104 : f32 to vector<16xf32>
        %neg3A_1106 = arith.subf %neg3A_1105, %add3A_1103 : vector<16xf32>
        %exp3A_1107 = math.exp %neg3A_1106 : vector<16xf32>
        %add3A_1108 = arith.constant 1.000000e+00 : f32
        %add3A_1109 = vector.broadcast %add3A_1108 : f32 to vector<16xf32>
        %add3A_1110 = arith.addf %add3A_1109, %exp3A_1107 : vector<16xf32>
        %div3A_1111 = arith.divf %add3A_1103, %add3A_1110 : vector<16xf32>
        %add3A_1112 = arith.addf %add3A_962, %div3A_1111 : vector<16xf32>
        %get3A_1113 = arith.constant 0 : i32
        %get3A_1114 = arith.constant 0 : i32
        %get3A_1115 = tpu.memref_slice %arg8[%scan3A_714, %get3A_1113, %get3A_1114] : memref<2x64x128xf32, #tpu.memory_space<vmem>> -> memref<1x64x128xf32, #tpu.memory_space<vmem>>
        %get3A_1116 = tpu.memref_squeeze %get3A_1115 : memref<1x64x128xf32, #tpu.memory_space<vmem>> -> memref<64x128xf32, #tpu.memory_space<vmem>>
        %get3A_1117 = arith.index_cast %add3A_986 : i32 to index
        %get3A_1118 = arith.constant 112 : index
        %get3A_1119 = tpu.vector_load %get3A_1116[%get3A_1117, %get3A_1118] {strides = array<i32>} : memref<64x128xf32, #tpu.memory_space<vmem>>, vector<1x16xf32>,
        %get3A_1120 = vector.shape_cast %get3A_1119 : vector<1x16xf32> to vector<16xf32>
        %add3A_1121 = arith.addf %get3A_697, %get3A_1120 : vector<16xf32>
        %neg3A_1122 = arith.constant 0.000000e+00 : f32
        %neg3A_1123 = vector.broadcast %neg3A_1122 : f32 to vector<16xf32>
        %neg3A_1124 = arith.subf %neg3A_1123, %add3A_1121 : vector<16xf32>
        %exp3A_1125 = math.exp %neg3A_1124 : vector<16xf32>
        %add3A_1126 = arith.constant 1.000000e+00 : f32
        %add3A_1127 = vector.broadcast %add3A_1126 : f32 to vector<16xf32>
        %add3A_1128 = arith.addf %add3A_1127, %exp3A_1125 : vector<16xf32>
        %div3A_1129 = arith.divf %add3A_1121, %add3A_1128 : vector<16xf32>
        %add3A_1130 = arith.addf %add3A_980, %div3A_1129 : vector<16xf32>
        scf.yield %add3A_1004, %add3A_1022, %add3A_1040, %add3A_1058, %add3A_1076, %add3A_1094, %add3A_1112, %add3A_1130 : vector<16xf32>, vector<16xf32>, vector<16xf32>, vector<16xf32>, vector<16xf32>, vector<16xf32>, vector<16xf32>, vector<16xf32>
      }
      %scan3A_720 = arith.constant 16 : i32
      %swap3A_721 = arith.constant 1 : i32
      %swap3A_722 = arith.constant 1 : i32
      %swap3A_723 = arith.constant 0 : i32
      %swap3A_724 = arith.constant 0 : i32
      %swap3A_725 = tpu.memref_slice %arg9[%swap3A_721, %swap3A_723, %swap3A_724] : memref<2x2x128xf32, #tpu.memory_space<vmem>> -> memref<1x2x128xf32, #tpu.memory_space<vmem>>
      %swap3A_726 = tpu.memref_squeeze %swap3A_725 : memref<1x2x128xf32, #tpu.memory_space<vmem>> -> memref<2x128xf32, #tpu.memory_space<vmem>>
      %swap3A_727 = arith.index_cast %swap3A_722 : i32 to index
      %swap3A_728 = arith.constant 0 : index
      %swap3A_729 = tpu.vector_load %swap3A_726[%swap3A_727, %swap3A_728] {strides = array<i32>} : memref<2x128xf32, #tpu.memory_space<vmem>>, vector<1x16xf32>,
      %swap3A_730 = vector.shape_cast %swap3A_729 : vector<1x16xf32> to vector<16xf32>
      %swap3A_731 = vector.shape_cast %scan3A_719#0 : vector<16xf32> to vector<1x16xf32>
      tpu.vector_store %swap3A_726[%swap3A_727, %swap3A_728], %swap3A_731 {strides = array<i32>} : memref<2x128xf32, #tpu.memory_space<vmem>>, vector<1x16xf32>,
      %swap3A_732 = arith.constant 1 : i32
      %swap3A_733 = arith.constant 1 : i32
      %swap3A_734 = arith.constant 0 : i32
      %swap3A_735 = arith.constant 0 : i32
      %swap3A_736 = tpu.memref_slice %arg9[%swap3A_732, %swap3A_734, %swap3A_735] : memref<2x2x128xf32, #tpu.memory_space<vmem>> -> memref<1x2x128xf32, #tpu.memory_space<vmem>>
      %swap3A_737 = tpu.memref_squeeze %swap3A_736 : memref<1x2x128xf32, #tpu.memory_space<vmem>> -> memref<2x128xf32, #tpu.memory_space<vmem>>
      %swap3A_738 = arith.index_cast %swap3A_733 : i32 to index
      %swap3A_739 = arith.constant 16 : index
      %swap3A_740 = tpu.vector_load %swap3A_737[%swap3A_738, %swap3A_739] {strides = array<i32>} : memref<2x128xf32, #tpu.memory_space<vmem>>, vector<1x16xf32>,
      %swap3A_741 = vector.shape_cast %swap3A_740 : vector<1x16xf32> to vector<16xf32>
      %swap3A_742 = vector.shape_cast %scan3A_719#1 : vector<16xf32> to vector<1x16xf32>
      tpu.vector_store %swap3A_737[%swap3A_738, %swap3A_739], %swap3A_742 {strides = array<i32>} : memref<2x128xf32, #tpu.memory_space<vmem>>, vector<1x16xf32>,
      %swap3A_743 = arith.constant 1 : i32
      %swap3A_744 = arith.constant 1 : i32
      %swap3A_745 = arith.constant 0 : i32
      %swap3A_746 = arith.constant 0 : i32
      %swap3A_747 = tpu.memref_slice %arg9[%swap3A_743, %swap3A_745, %swap3A_746] : memref<2x2x128xf32, #tpu.memory_space<vmem>> -> memref<1x2x128xf32, #tpu.memory_space<vmem>>
      %swap3A_748 = tpu.memref_squeeze %swap3A_747 : memref<1x2x128xf32, #tpu.memory_space<vmem>> -> memref<2x128xf32, #tpu.memory_space<vmem>>
      %swap3A_749 = arith.index_cast %swap3A_744 : i32 to index
      %swap3A_750 = arith.constant 32 : index
      %swap3A_751 = tpu.vector_load %swap3A_748[%swap3A_749, %swap3A_750] {strides = array<i32>} : memref<2x128xf32, #tpu.memory_space<vmem>>, vector<1x16xf32>,
      %swap3A_752 = vector.shape_cast %swap3A_751 : vector<1x16xf32> to vector<16xf32>
      %swap3A_753 = vector.shape_cast %scan3A_719#2 : vector<16xf32> to vector<1x16xf32>
      tpu.vector_store %swap3A_748[%swap3A_749, %swap3A_750], %swap3A_753 {strides = array<i32>} : memref<2x128xf32, #tpu.memory_space<vmem>>, vector<1x16xf32>,
      %swap3A_754 = arith.constant 1 : i32
      %swap3A_755 = arith.constant 1 : i32
      %swap3A_756 = arith.constant 0 : i32
      %swap3A_757 = arith.constant 0 : i32
      %swap3A_758 = tpu.memref_slice %arg9[%swap3A_754, %swap3A_756, %swap3A_757] : memref<2x2x128xf32, #tpu.memory_space<vmem>> -> memref<1x2x128xf32, #tpu.memory_space<vmem>>
      %swap3A_759 = tpu.memref_squeeze %swap3A_758 : memref<1x2x128xf32, #tpu.memory_space<vmem>> -> memref<2x128xf32, #tpu.memory_space<vmem>>
      %swap3A_760 = arith.index_cast %swap3A_755 : i32 to index
      %swap3A_761 = arith.constant 48 : index
      %swap3A_762 = tpu.vector_load %swap3A_759[%swap3A_760, %swap3A_761] {strides = array<i32>} : memref<2x128xf32, #tpu.memory_space<vmem>>, vector<1x16xf32>,
      %swap3A_763 = vector.shape_cast %swap3A_762 : vector<1x16xf32> to vector<16xf32>
      %swap3A_764 = vector.shape_cast %scan3A_719#3 : vector<16xf32> to vector<1x16xf32>
      tpu.vector_store %swap3A_759[%swap3A_760, %swap3A_761], %swap3A_764 {strides = array<i32>} : memref<2x128xf32, #tpu.memory_space<vmem>>, vector<1x16xf32>,
      %swap3A_765 = arith.constant 1 : i32
      %swap3A_766 = arith.constant 1 : i32
      %swap3A_767 = arith.constant 0 : i32
      %swap3A_768 = arith.constant 0 : i32
      %swap3A_769 = tpu.memref_slice %arg9[%swap3A_765, %swap3A_767, %swap3A_768] : memref<2x2x128xf32, #tpu.memory_space<vmem>> -> memref<1x2x128xf32, #tpu.memory_space<vmem>>
      %swap3A_770 = tpu.memref_squeeze %swap3A_769 : memref<1x2x128xf32, #tpu.memory_space<vmem>> -> memref<2x128xf32, #tpu.memory_space<vmem>>
      %swap3A_771 = arith.index_cast %swap3A_766 : i32 to index
      %swap3A_772 = arith.constant 64 : index
      %swap3A_773 = tpu.vector_load %swap3A_770[%swap3A_771, %swap3A_772] {strides = array<i32>} : memref<2x128xf32, #tpu.memory_space<vmem>>, vector<1x16xf32>,
      %swap3A_774 = vector.shape_cast %swap3A_773 : vector<1x16xf32> to vector<16xf32>
      %swap3A_775 = vector.shape_cast %scan3A_719#4 : vector<16xf32> to vector<1x16xf32>
      tpu.vector_store %swap3A_770[%swap3A_771, %swap3A_772], %swap3A_775 {strides = array<i32>} : memref<2x128xf32, #tpu.memory_space<vmem>>, vector<1x16xf32>,
      %swap3A_776 = arith.constant 1 : i32
      %swap3A_777 = arith.constant 1 : i32
      %swap3A_778 = arith.constant 0 : i32
      %swap3A_779 = arith.constant 0 : i32
      %swap3A_780 = tpu.memref_slice %arg9[%swap3A_776, %swap3A_778, %swap3A_779] : memref<2x2x128xf32, #tpu.memory_space<vmem>> -> memref<1x2x128xf32, #tpu.memory_space<vmem>>
      %swap3A_781 = tpu.memref_squeeze %swap3A_780 : memref<1x2x128xf32, #tpu.memory_space<vmem>> -> memref<2x128xf32, #tpu.memory_space<vmem>>
      %swap3A_782 = arith.index_cast %swap3A_777 : i32 to index
      %swap3A_783 = arith.constant 80 : index
      %swap3A_784 = tpu.vector_load %swap3A_781[%swap3A_782, %swap3A_783] {strides = array<i32>} : memref<2x128xf32, #tpu.memory_space<vmem>>, vector<1x16xf32>,
      %swap3A_785 = vector.shape_cast %swap3A_784 : vector<1x16xf32> to vector<16xf32>
      %swap3A_786 = vector.shape_cast %scan3A_719#5 : vector<16xf32> to vector<1x16xf32>
      tpu.vector_store %swap3A_781[%swap3A_782, %swap3A_783], %swap3A_786 {strides = array<i32>} : memref<2x128xf32, #tpu.memory_space<vmem>>, vector<1x16xf32>,
      %swap3A_787 = arith.constant 1 : i32
      %swap3A_788 = arith.constant 1 : i32
      %swap3A_789 = arith.constant 0 : i32
      %swap3A_790 = arith.constant 0 : i32
      %swap3A_791 = tpu.memref_slice %arg9[%swap3A_787, %swap3A_789, %swap3A_790] : memref<2x2x128xf32, #tpu.memory_space<vmem>> -> memref<1x2x128xf32, #tpu.memory_space<vmem>>
      %swap3A_792 = tpu.memref_squeeze %swap3A_791 : memref<1x2x128xf32, #tpu.memory_space<vmem>> -> memref<2x128xf32, #tpu.memory_space<vmem>>
      %swap3A_793 = arith.index_cast %swap3A_788 : i32 to index
      %swap3A_794 = arith.constant 96 : index
      %swap3A_795 = tpu.vector_load %swap3A_792[%swap3A_793, %swap3A_794] {strides = array<i32>} : memref<2x128xf32, #tpu.memory_space<vmem>>, vector<1x16xf32>,
      %swap3A_796 = vector.shape_cast %swap3A_795 : vector<1x16xf32> to vector<16xf32>
      %swap3A_797 = vector.shape_cast %scan3A_719#6 : vector<16xf32> to vector<1x16xf32>
      tpu.vector_store %swap3A_792[%swap3A_793, %swap3A_794], %swap3A_797 {strides = array<i32>} : memref<2x128xf32, #tpu.memory_space<vmem>>, vector<1x16xf32>,
      %swap3A_798 = arith.constant 1 : i32
      %swap3A_799 = arith.constant 1 : i32
      %swap3A_800 = arith.constant 0 : i32
      %swap3A_801 = arith.constant 0 : i32
      %swap3A_802 = tpu.memref_slice %arg9[%swap3A_798, %swap3A_800, %swap3A_801] : memref<2x2x128xf32, #tpu.memory_space<vmem>> -> memref<1x2x128xf32, #tpu.memory_space<vmem>>
      %swap3A_803 = tpu.memref_squeeze %swap3A_802 : memref<1x2x128xf32, #tpu.memory_space<vmem>> -> memref<2x128xf32, #tpu.memory_space<vmem>>
      %swap3A_804 = arith.index_cast %swap3A_799 : i32 to index
      %swap3A_805 = arith.constant 112 : index
      %swap3A_806 = tpu.vector_load %swap3A_803[%swap3A_804, %swap3A_805] {strides = array<i32>} : memref<2x128xf32, #tpu.memory_space<vmem>>, vector<1x16xf32>,
      %swap3A_807 = vector.shape_cast %swap3A_806 : vector<1x16xf32> to vector<16xf32>
      %swap3A_808 = vector.shape_cast %scan3A_719#7 : vector<16xf32> to vector<1x16xf32>
      tpu.vector_store %swap3A_803[%swap3A_804, %swap3A_805], %swap3A_808 {strides = array<i32>} : memref<2x128xf32, #tpu.memory_space<vmem>>, vector<1x16xf32>,
      %mul3A_809 = arith.constant 2 : i32
      %mul3A_810 = arith.muli %add3A_435, %mul3A_809 : i32
      %add3A_811 = arith.addi %mul3A_2, %mul3A_810 : i32
      %dma_start3A_812 = arith.constant 1 : i32
      %dma_start3A_813 = arith.constant 0 : i32
      %dma_start3A_814 = arith.constant 0 : i32
      %dma_start3A_815 = tpu.memref_slice %arg9[%dma_start3A_812, %dma_start3A_813, %dma_start3A_814] : memref<2x2x128xf32, #tpu.memory_space<vmem>> -> memref<1x2x128xf32, #tpu.memory_space<vmem>>
      %dma_start3A_816 = tpu.memref_squeeze %dma_start3A_815 : memref<1x2x128xf32, #tpu.memory_space<vmem>> -> memref<2x128xf32, #tpu.memory_space<vmem>>
      %dma_start3A_817 = arith.constant 0 : i32
      %dma_start3A_818 = tpu.memref_slice %arg5[%add3A_811, %dma_start3A_817] : memref<10240x128xf32, #tpu.memory_space<hbm>> -> memref<2x128xf32, #tpu.memory_space<hbm>>
      %dma_start3A_819 = arith.constant 0 : i32
      %dma_start3A_820 = tpu.memref_slice %arg5[%add3A_811, %dma_start3A_819] : memref<10240x128xf32, #tpu.memory_space<hbm>> -> memref<2x128xf32, #tpu.memory_space<hbm>>
      %dma_start3A_821 = arith.constant 0 : i32
      %dma_start3A_822 = arith.constant 0 : i32
      %dma_start3A_823 = tpu.memref_slice %arg9[%dma_start3A_812, %dma_start3A_821, %dma_start3A_822] : memref<2x2x128xf32, #tpu.memory_space<vmem>> -> memref<1x2x128xf32, #tpu.memory_space<vmem>>
      %dma_start3A_824 = tpu.memref_squeeze %dma_start3A_823 : memref<1x2x128xf32, #tpu.memory_space<vmem>> -> memref<2x128xf32, #tpu.memory_space<vmem>>
      tpu.enqueue_dma source(%dma_start3A_824 : memref<2x128xf32, #tpu.memory_space<vmem>>) target(%dma_start3A_820 : memref<2x128xf32, #tpu.memory_space<hbm>>) target_semaphore(%arg14 : memref<!tpu.dma_semaphore, #tpu.memory_space<semaphore_mem>>)
    }
    %scan3A_22 = arith.constant 80 : i32
    %dma_wait3A = arith.constant 0 : i32
    %dma_wait3A_23 = arith.constant 0 : i32
    %dma_wait3A_24 = arith.constant 0 : i32
    %dma_wait3A_25 = tpu.memref_slice %arg9[%dma_wait3A, %dma_wait3A_23, %dma_wait3A_24] : memref<2x2x128xf32, #tpu.memory_space<vmem>> -> memref<1x2x128xf32, #tpu.memory_space<vmem>>
    %dma_wait3A_26 = tpu.memref_squeeze %dma_wait3A_25 : memref<1x2x128xf32, #tpu.memory_space<vmem>> -> memref<2x128xf32, #tpu.memory_space<vmem>>
    %dma_wait3A_27 = arith.constant 0 : i32
    %dma_wait3A_28 = arith.constant 0 : i32
    %dma_wait3A_29 = tpu.memref_slice %arg5[%dma_wait3A_27, %dma_wait3A_28] : memref<10240x128xf32, #tpu.memory_space<hbm>> -> memref<2x128xf32, #tpu.memory_space<hbm>>
    %dma_wait3A_30 = arith.constant 0 : i32
    %dma_wait3A_31 = arith.constant 0 : i32
    %dma_wait3A_32 = tpu.memref_slice %arg5[%dma_wait3A_30, %dma_wait3A_31] : memref<10240x128xf32, #tpu.memory_space<hbm>> -> memref<2x128xf32, #tpu.memory_space<hbm>>
    %dma_wait3A_33 = arith.constant 0 : i32
    %dma_wait3A_34 = arith.constant 0 : i32
    %dma_wait3A_35 = tpu.memref_slice %arg9[%dma_wait3A, %dma_wait3A_33, %dma_wait3A_34] : memref<2x2x128xf32, #tpu.memory_space<vmem>> -> memref<1x2x128xf32, #tpu.memory_space<vmem>>
    %dma_wait3A_36 = tpu.memref_squeeze %dma_wait3A_35 : memref<1x2x128xf32, #tpu.memory_space<vmem>> -> memref<2x128xf32, #tpu.memory_space<vmem>>
    tpu.wait_dma2 semaphore(%arg13 : memref<!tpu.dma_semaphore, #tpu.memory_space<semaphore_mem>>) src(%dma_wait3A_36 : memref<2x128xf32, #tpu.memory_space<vmem>>) dst(%dma_wait3A_32 : memref<2x128xf32, #tpu.memory_space<hbm>>)
    %dma_wait3A_37 = arith.constant 1 : i32
    %dma_wait3A_38 = arith.constant 0 : i32
    %dma_wait3A_39 = arith.constant 0 : i32
    %dma_wait3A_40 = tpu.memref_slice %arg9[%dma_wait3A_37, %dma_wait3A_38, %dma_wait3A_39] : memref<2x2x128xf32, #tpu.memory_space<vmem>> -> memref<1x2x128xf32, #tpu.memory_space<vmem>>
    %dma_wait3A_41 = tpu.memref_squeeze %dma_wait3A_40 : memref<1x2x128xf32, #tpu.memory_space<vmem>> -> memref<2x128xf32, #tpu.memory_space<vmem>>
    %dma_wait3A_42 = arith.constant 0 : i32
    %dma_wait3A_43 = arith.constant 0 : i32
    %dma_wait3A_44 = tpu.memref_slice %arg5[%dma_wait3A_42, %dma_wait3A_43] : memref<10240x128xf32, #tpu.memory_space<hbm>> -> memref<2x128xf32, #tpu.memory_space<hbm>>
    %dma_wait3A_45 = arith.constant 0 : i32
    %dma_wait3A_46 = arith.constant 0 : i32
    %dma_wait3A_47 = tpu.memref_slice %arg5[%dma_wait3A_45, %dma_wait3A_46] : memref<10240x128xf32, #tpu.memory_space<hbm>> -> memref<2x128xf32, #tpu.memory_space<hbm>>
    %dma_wait3A_48 = arith.constant 0 : i32
    %dma_wait3A_49 = arith.constant 0 : i32
    %dma_wait3A_50 = tpu.memref_slice %arg9[%dma_wait3A_37, %dma_wait3A_48, %dma_wait3A_49] : memref<2x2x128xf32, #tpu.memory_space<vmem>> -> memref<1x2x128xf32, #tpu.memory_space<vmem>>
    %dma_wait3A_51 = tpu.memref_squeeze %dma_wait3A_50 : memref<1x2x128xf32, #tpu.memory_space<vmem>> -> memref<2x128xf32, #tpu.memory_space<vmem>>
    tpu.wait_dma2 semaphore(%arg14 : memref<!tpu.dma_semaphore, #tpu.memory_space<semaphore_mem>>) src(%dma_wait3A_51 : memref<2x128xf32, #tpu.memory_space<vmem>>) dst(%dma_wait3A_47 : memref<2x128xf32, #tpu.memory_space<hbm>>)
    return
  }
}

module attributes {stable_mosaic.version = 14 : i64} {
  func.func @_tc1_body(%arg0: i32, %arg1: memref<1000x128xf32, #tpu.memory_space<vmem>>, %arg2: memref<128x128xf32, #tpu.memory_space<vmem>>, %arg3: memref<128x128xf32, #tpu.memory_space<vmem>>, %arg4: memref<128x128xf32, #tpu.memory_space<vmem>>, %arg5: memref<128x128xf32, #tpu.memory_space<vmem>>, %arg6: memref<1x128xf32, #tpu.memory_space<vmem>>, %arg7: memref<1x128xf32, #tpu.memory_space<vmem>>, %arg8: memref<1x128xf32, #tpu.memory_space<vmem>>, %arg9: memref<1000x128xf32, #tpu.memory_space<vmem>>, %arg10: memref<1000x128xf32, #tpu.memory_space<vmem>>, %arg11: memref<1000x128xf32, #tpu.memory_space<vmem>>) attributes {dimension_semantics = [#tpu.dimension_semantics<arbitrary>], iteration_bounds = array<i64: 10>, scalar_prefetch = 0 : i64, scratch_operands = 0 : i64, tpu.core_type = #tpu.core_type<tc>, window_params = [{transform_indices = @transform_0, window_bounds = array<i64: 1000, 128>}, {transform_indices = @transform_1, window_bounds = array<i64: 128, 128>}, {transform_indices = @transform_2, window_bounds = array<i64: 128, 128>}, {transform_indices = @transform_3, window_bounds = array<i64: 128, 128>}, {transform_indices = @transform_4, window_bounds = array<i64: 128, 128>}, {pipeline_mode = #tpu.pipeline_mode<synchronous>, transform_indices = @transform_5, window_bounds = array<i64: 1, 128>}, {pipeline_mode = #tpu.pipeline_mode<synchronous>, transform_indices = @transform_6, window_bounds = array<i64: 1, 128>}, {pipeline_mode = #tpu.pipeline_mode<synchronous>, transform_indices = @transform_7, window_bounds = array<i64: 1, 128>}, {transform_indices = @transform_8, window_bounds = array<i64: 1000, 128>}, {transform_indices = @transform_9, window_bounds = array<i64: 1000, 128>}, {transform_indices = @transform_10, window_bounds = array<i64: 1000, 128>}]} {
    %get3A = arith.constant 0 : index
    %get3A_0 = arith.constant 0 : index
    %get3A_1 = vector.load %arg1[%get3A, %get3A_0] : memref<1000x128xf32, #tpu.memory_space<vmem>>, vector<1000x128xf32>
    %get3A_2 = arith.constant 0 : index
    %get3A_3 = arith.constant 0 : index
    %get3A_4 = vector.load %arg7[%get3A_2, %get3A_3] : memref<1x128xf32, #tpu.memory_space<vmem>>, vector<1x128xf32>
    %get3A_5 = arith.constant 0 : index
    %get3A_6 = arith.constant 0 : index
    %get3A_7 = vector.load %arg5[%get3A_5, %get3A_6] : memref<128x128xf32, #tpu.memory_space<vmem>>, vector<128x128xf32>
    %dot_general3A = arith.constant dense<0.000000e+00> : vector<1x128xf32>
    %dot_general3A_8 = tpu.matmul %get3A_4, %get3A_7, %dot_general3A {dimension_numbers = #tpu.dot_dimension_numbers<[1], [0], [0], [1], [0, 0, 1, 1], [], []>, transpose_lhs_hint = false} : vector<1x128xf32>, vector<128x128xf32>, vector<1x128xf32> -> vector<1x128xf32>
    %get3A_9 = arith.constant 0 : index
    %get3A_10 = arith.constant 0 : index
    %get3A_11 = vector.load %arg8[%get3A_9, %get3A_10] : memref<1x128xf32, #tpu.memory_space<vmem>>, vector<1x128xf32>
    %add3A = arith.addf %dot_general3A_8, %get3A_11 : vector<1x128xf32>
    %get3A_12 = arith.constant 0 : index
    %get3A_13 = arith.constant 0 : index
    %get3A_14 = vector.load %arg2[%get3A_12, %get3A_13] : memref<128x128xf32, #tpu.memory_space<vmem>>, vector<128x128xf32>
    %dot_general3A_15 = arith.constant dense<0.000000e+00> : vector<1000x128xf32>
    %dot_general3A_16 = tpu.matmul %get3A_1, %get3A_14, %dot_general3A_15 {dimension_numbers = #tpu.dot_dimension_numbers<[1], [0], [0], [1], [0, 0, 1, 1], [], []>, transpose_lhs_hint = false} : vector<1000x128xf32>, vector<128x128xf32>, vector<1000x128xf32> -> vector<1000x128xf32>
    %get3A_17 = arith.constant 0 : index
    %get3A_18 = arith.constant 0 : index
    %get3A_19 = vector.load %arg6[%get3A_17, %get3A_18] : memref<1x128xf32, #tpu.memory_space<vmem>>, vector<1x128xf32>
    %add3A_20 = vector.broadcast %get3A_19 : vector<1x128xf32> to vector<1000x128xf32>
    %add3A_21 = arith.addf %dot_general3A_16, %add3A_20 : vector<1000x128xf32>
    %swap3A = arith.constant 0 : index
    %swap3A_22 = arith.constant 0 : index
    %swap3A_23 = vector.load %arg9[%swap3A, %swap3A_22] : memref<1000x128xf32, #tpu.memory_space<vmem>>, vector<1000x128xf32>
    tpu.vector_store %arg9[%swap3A, %swap3A_22], %add3A_21 {strides = array<i32>} : memref<1000x128xf32, #tpu.memory_space<vmem>>, vector<1000x128xf32>,
    %get3A_24 = arith.constant 0 : index
    %get3A_25 = arith.constant 0 : index
    %get3A_26 = vector.load %arg3[%get3A_24, %get3A_25] : memref<128x128xf32, #tpu.memory_space<vmem>>, vector<128x128xf32>
    %dot_general3A_27 = arith.constant dense<0.000000e+00> : vector<1000x128xf32>
    %dot_general3A_28 = tpu.matmul %get3A_1, %get3A_26, %dot_general3A_27 {dimension_numbers = #tpu.dot_dimension_numbers<[1], [0], [0], [1], [0, 0, 1, 1], [], []>, transpose_lhs_hint = false} : vector<1000x128xf32>, vector<128x128xf32>, vector<1000x128xf32> -> vector<1000x128xf32>
    %swap3A_29 = arith.constant 0 : index
    %swap3A_30 = arith.constant 0 : index
    %swap3A_31 = vector.load %arg10[%swap3A_29, %swap3A_30] : memref<1000x128xf32, #tpu.memory_space<vmem>>, vector<1000x128xf32>
    tpu.vector_store %arg10[%swap3A_29, %swap3A_30], %dot_general3A_28 {strides = array<i32>} : memref<1000x128xf32, #tpu.memory_space<vmem>>, vector<1000x128xf32>,
    %get3A_32 = arith.constant 0 : index
    %get3A_33 = arith.constant 0 : index
    %get3A_34 = vector.load %arg4[%get3A_32, %get3A_33] : memref<128x128xf32, #tpu.memory_space<vmem>>, vector<128x128xf32>
    %dot_general3A_35 = arith.constant dense<0.000000e+00> : vector<1000x128xf32>
    %dot_general3A_36 = tpu.matmul %get3A_1, %get3A_34, %dot_general3A_35 {dimension_numbers = #tpu.dot_dimension_numbers<[1], [0], [0], [1], [0, 0, 1, 1], [], []>, transpose_lhs_hint = false} : vector<1000x128xf32>, vector<128x128xf32>, vector<1000x128xf32> -> vector<1000x128xf32>
    %add3A_37 = vector.broadcast %add3A : vector<1x128xf32> to vector<1000x128xf32>
    %add3A_38 = arith.addf %dot_general3A_36, %add3A_37 : vector<1000x128xf32>
    %swap3A_39 = arith.constant 0 : index
    %swap3A_40 = arith.constant 0 : index
    %swap3A_41 = vector.load %arg11[%swap3A_39, %swap3A_40] : memref<1000x128xf32, #tpu.memory_space<vmem>>, vector<1000x128xf32>
    tpu.vector_store %arg11[%swap3A_39, %swap3A_40], %add3A_38 {strides = array<i32>} : memref<1000x128xf32, #tpu.memory_space<vmem>>, vector<1000x128xf32>,
    return
  }
  func.func @transform_0(%arg0: i32) -> (i32, i32) {
    %c0_i32 = arith.constant 0 : i32
    %c0_i32_0 = arith.constant 0 : i32
    return %arg0, %c0_i32 : i32, i32
  }
  func.func @transform_1(%arg0: i32) -> (i32, i32) {
    %c0_i32 = arith.constant 0 : i32
    %c0_i32_0 = arith.constant 0 : i32
    %c0_i32_1 = arith.constant 0 : i32
    return %c0_i32, %c0_i32_0 : i32, i32
  }
  func.func @transform_2(%arg0: i32) -> (i32, i32) {
    %c1_i32 = arith.constant 1 : i32
    %c0_i32 = arith.constant 0 : i32
    %c0_i32_0 = arith.constant 0 : i32
    return %c1_i32, %c0_i32 : i32, i32
  }
  func.func @transform_3(%arg0: i32) -> (i32, i32) {
    %c0_i32 = arith.constant 0 : i32
    %c0_i32_0 = arith.constant 0 : i32
    %c0_i32_1 = arith.constant 0 : i32
    return %c0_i32, %c0_i32_0 : i32, i32
  }
  func.func @transform_4(%arg0: i32) -> (i32, i32) {
    %c1_i32 = arith.constant 1 : i32
    %c0_i32 = arith.constant 0 : i32
    %c0_i32_0 = arith.constant 0 : i32
    return %c1_i32, %c0_i32 : i32, i32
  }
  func.func @transform_5(%arg0: i32) -> (i32, i32) {
    %c0_i32 = arith.constant 0 : i32
    %c0_i32_0 = arith.constant 0 : i32
    %c0_i32_1 = arith.constant 0 : i32
    return %c0_i32, %c0_i32_0 : i32, i32
  }
  func.func @transform_6(%arg0: i32) -> (i32, i32) {
    %c0_i32 = arith.constant 0 : i32
    %c0_i32_0 = arith.constant 0 : i32
    %c0_i32_1 = arith.constant 0 : i32
    return %c0_i32, %c0_i32_0 : i32, i32
  }
  func.func @transform_7(%arg0: i32) -> (i32, i32) {
    %c0_i32 = arith.constant 0 : i32
    %c0_i32_0 = arith.constant 0 : i32
    %c0_i32_1 = arith.constant 0 : i32
    return %c0_i32, %c0_i32_0 : i32, i32
  }
  func.func @transform_8(%arg0: i32) -> (i32, i32) {
    %c0_i32 = arith.constant 0 : i32
    %c0_i32_0 = arith.constant 0 : i32
    return %arg0, %c0_i32 : i32, i32
  }
  func.func @transform_9(%arg0: i32) -> (i32, i32) {
    %c0_i32 = arith.constant 0 : i32
    %c0_i32_0 = arith.constant 0 : i32
    return %arg0, %c0_i32 : i32, i32
  }
  func.func @transform_10(%arg0: i32) -> (i32, i32) {
    %c0_i32 = arith.constant 0 : i32
    %c0_i32_0 = arith.constant 0 : i32
    return %arg0, %c0_i32 : i32, i32
  }
}

module attributes {stable_mosaic.version = 14 : i64} {
  func.func @_tc2_body(%arg0: i32, %arg1: memref<1000x128xf32, #tpu.memory_space<vmem>>, %arg2: memref<1000x128xf32, #tpu.memory_space<vmem>>, %arg3: memref<1000x128xf32, #tpu.memory_space<vmem>>, %arg4: memref<1000x128xf32, #tpu.memory_space<vmem>>, %arg5: memref<128x128xf32, #tpu.memory_space<vmem>>, %arg6: memref<128x128xf32, #tpu.memory_space<vmem>>, %arg7: memref<128x128xf32, #tpu.memory_space<vmem>>, %arg8: memref<1x128xf32, #tpu.memory_space<vmem>>, %arg9: memref<1x128xf32, #tpu.memory_space<vmem>>, %arg10: memref<1x128xf32, #tpu.memory_space<vmem>>, %arg11: memref<1000x128xf32, #tpu.memory_space<vmem>>) attributes {dimension_semantics = [#tpu.dimension_semantics<arbitrary>], iteration_bounds = array<i64: 10>, scalar_prefetch = 0 : i64, scratch_operands = 0 : i64, tpu.core_type = #tpu.core_type<tc>, window_params = [{transform_indices = @transform_0, window_bounds = array<i64: 1000, 128>}, {transform_indices = @transform_1, window_bounds = array<i64: 1000, 128>}, {transform_indices = @transform_2, window_bounds = array<i64: 1000, 128>}, {transform_indices = @transform_3, window_bounds = array<i64: 1000, 128>}, {pipeline_mode = #tpu.pipeline_mode<synchronous>, transform_indices = @transform_4, window_bounds = array<i64: 128, 128>}, {transform_indices = @transform_5, window_bounds = array<i64: 128, 128>}, {pipeline_mode = #tpu.pipeline_mode<synchronous>, transform_indices = @transform_6, window_bounds = array<i64: 128, 128>}, {pipeline_mode = #tpu.pipeline_mode<synchronous>, transform_indices = @transform_7, window_bounds = array<i64: 1, 128>}, {pipeline_mode = #tpu.pipeline_mode<synchronous>, transform_indices = @transform_8, window_bounds = array<i64: 1, 128>}, {pipeline_mode = #tpu.pipeline_mode<synchronous>, transform_indices = @transform_9, window_bounds = array<i64: 1, 128>}, {transform_indices = @transform_10, window_bounds = array<i64: 1000, 128>}]} {
    %get3A = arith.constant 0 : index
    %get3A_0 = arith.constant 0 : index
    %get3A_1 = vector.load %arg5[%get3A, %get3A_0] : memref<128x128xf32, #tpu.memory_space<vmem>>, vector<128x128xf32>
    %get3A_2 = arith.constant 0 : index
    %get3A_3 = arith.constant 0 : index
    %get3A_4 = vector.load %arg6[%get3A_2, %get3A_3] : memref<128x128xf32, #tpu.memory_space<vmem>>, vector<128x128xf32>
    %dot_general3A = arith.constant dense<0.000000e+00> : vector<128x128xf32>
    %dot_general3A_5 = tpu.matmul %get3A_1, %get3A_4, %dot_general3A {dimension_numbers = #tpu.dot_dimension_numbers<[1], [0], [0], [1], [0, 0, 1, 1], [], []>, transpose_lhs_hint = false} : vector<128x128xf32>, vector<128x128xf32>, vector<128x128xf32> -> vector<128x128xf32>
    %mul3A = arith.constant 3.125000e-02 : f32
    %mul3A_6 = vector.broadcast %mul3A : f32 to vector<128x128xf32>
    %mul3A_7 = arith.mulf %dot_general3A_5, %mul3A_6 : vector<128x128xf32>
    %get3A_8 = arith.constant 0 : index
    %get3A_9 = arith.constant 0 : index
    %get3A_10 = vector.load %arg1[%get3A_8, %get3A_9] : memref<1000x128xf32, #tpu.memory_space<vmem>>, vector<1000x128xf32>
    %get3A_11 = arith.constant 0 : index
    %get3A_12 = arith.constant 0 : index
    %get3A_13 = vector.load %arg2[%get3A_11, %get3A_12] : memref<1000x128xf32, #tpu.memory_space<vmem>>, vector<1000x128xf32>
    %dot_general3A_14 = arith.constant dense<0.000000e+00> : vector<1000x128xf32>
    %dot_general3A_15 = tpu.matmul %get3A_13, %mul3A_7, %dot_general3A_14 {dimension_numbers = #tpu.dot_dimension_numbers<[1], [0], [0], [1], [0, 0, 1, 1], [], []>, transpose_lhs_hint = false} : vector<1000x128xf32>, vector<128x128xf32>, vector<1000x128xf32> -> vector<1000x128xf32>
    %add3A = arith.addf %get3A_10, %dot_general3A_15 : vector<1000x128xf32>
    %neg3A = arith.constant 0.000000e+00 : f32
    %neg3A_16 = vector.broadcast %neg3A : f32 to vector<1000x128xf32>
    %neg3A_17 = arith.subf %neg3A_16, %add3A : vector<1000x128xf32>
    %exp3A = math.exp %neg3A_17 : vector<1000x128xf32>
    %add3A_18 = arith.constant 1.000000e+00 : f32
    %add3A_19 = vector.broadcast %add3A_18 : f32 to vector<1000x128xf32>
    %add3A_20 = arith.addf %add3A_19, %exp3A : vector<1000x128xf32>
    %div3A = arith.divf %add3A, %add3A_20 : vector<1000x128xf32>
    %get3A_21 = arith.constant 0 : index
    %get3A_22 = arith.constant 0 : index
    %get3A_23 = vector.load %arg7[%get3A_21, %get3A_22] : memref<128x128xf32, #tpu.memory_space<vmem>>, vector<128x128xf32>
    %dot_general3A_24 = arith.constant dense<0.000000e+00> : vector<1000x128xf32>
    %dot_general3A_25 = tpu.matmul %div3A, %get3A_23, %dot_general3A_24 {dimension_numbers = #tpu.dot_dimension_numbers<[1], [0], [0], [1], [0, 0, 1, 1], [], []>, transpose_lhs_hint = false} : vector<1000x128xf32>, vector<128x128xf32>, vector<1000x128xf32> -> vector<1000x128xf32>
    %get3A_26 = arith.constant 0 : index
    %get3A_27 = arith.constant 0 : index
    %get3A_28 = vector.load %arg8[%get3A_26, %get3A_27] : memref<1x128xf32, #tpu.memory_space<vmem>>, vector<1x128xf32>
    %add3A_29 = vector.broadcast %get3A_28 : vector<1x128xf32> to vector<1000x128xf32>
    %add3A_30 = arith.addf %dot_general3A_25, %add3A_29 : vector<1000x128xf32>
    %get3A_31 = arith.constant 0 : index
    %get3A_32 = arith.constant 0 : index
    %get3A_33 = vector.load %arg3[%get3A_31, %get3A_32] : memref<1000x128xf32, #tpu.memory_space<vmem>>, vector<1000x128xf32>
    %add3A_34 = arith.addf %get3A_33, %add3A_30 : vector<1000x128xf32>
    %get3A_35 = arith.constant 0 : index
    %get3A_36 = arith.constant 0 : index
    %get3A_37 = vector.load %arg4[%get3A_35, %get3A_36] : memref<1000x128xf32, #tpu.memory_space<vmem>>, vector<1000x128xf32>
    %add3A_38 = arith.addf %add3A_34, %get3A_37 : vector<1000x128xf32>
    %reduce_sum3A = arith.constant dense<0.000000e+00> : vector<1000xf32>
    %reduce_sum3A_39 = vector.multi_reduction <add>, %add3A_38, %reduce_sum3A [1] : vector<1000x128xf32> to vector<1000xf32>
    %broadcast_in_dim3A = vector.shape_cast %reduce_sum3A_39 : vector<1000xf32> to vector<1000x1xf32>
    %div3A_40 = arith.constant 1.280000e+02 : f32
    %div3A_41 = vector.broadcast %div3A_40 : f32 to vector<1000x1xf32>
    %div3A_42 = arith.divf %broadcast_in_dim3A, %div3A_41 : vector<1000x1xf32>
    %sub3A = vector.broadcast %div3A_42 : vector<1000x1xf32> to vector<1000x128xf32>
    %sub3A_43 = arith.subf %add3A_38, %sub3A : vector<1000x128xf32>
    %mul3A_44 = arith.mulf %sub3A_43, %sub3A_43 : vector<1000x128xf32>
    %reduce_sum3A_45 = arith.constant dense<0.000000e+00> : vector<1000xf32>
    %reduce_sum3A_46 = vector.multi_reduction <add>, %mul3A_44, %reduce_sum3A_45 [1] : vector<1000x128xf32> to vector<1000xf32>
    %broadcast_in_dim3A_47 = vector.shape_cast %reduce_sum3A_46 : vector<1000xf32> to vector<1000x1xf32>
    %div3A_48 = arith.constant 1.280000e+02 : f32
    %div3A_49 = vector.broadcast %div3A_48 : f32 to vector<1000x1xf32>
    %div3A_50 = arith.divf %broadcast_in_dim3A_47, %div3A_49 : vector<1000x1xf32>
    %add3A_51 = arith.constant 9.99999974E-6 : f32
    %add3A_52 = vector.broadcast %add3A_51 : f32 to vector<1000x1xf32>
    %add3A_53 = arith.addf %div3A_50, %add3A_52 : vector<1000x1xf32>
    %rsqrt3A = math.rsqrt %add3A_53 : vector<1000x1xf32>
    %mul3A_54 = vector.broadcast %rsqrt3A : vector<1000x1xf32> to vector<1000x128xf32>
    %mul3A_55 = arith.mulf %sub3A_43, %mul3A_54 : vector<1000x128xf32>
    %get3A_56 = arith.constant 0 : index
    %get3A_57 = arith.constant 0 : index
    %get3A_58 = vector.load %arg9[%get3A_56, %get3A_57] : memref<1x128xf32, #tpu.memory_space<vmem>>, vector<1x128xf32>
    %mul3A_59 = vector.broadcast %get3A_58 : vector<1x128xf32> to vector<1000x128xf32>
    %mul3A_60 = arith.mulf %mul3A_55, %mul3A_59 : vector<1000x128xf32>
    %get3A_61 = arith.constant 0 : index
    %get3A_62 = arith.constant 0 : index
    %get3A_63 = vector.load %arg10[%get3A_61, %get3A_62] : memref<1x128xf32, #tpu.memory_space<vmem>>, vector<1x128xf32>
    %add3A_64 = vector.broadcast %get3A_63 : vector<1x128xf32> to vector<1000x128xf32>
    %add3A_65 = arith.addf %mul3A_60, %add3A_64 : vector<1000x128xf32>
    %swap3A = arith.constant 0 : index
    %swap3A_66 = arith.constant 0 : index
    %swap3A_67 = vector.load %arg11[%swap3A, %swap3A_66] : memref<1000x128xf32, #tpu.memory_space<vmem>>, vector<1000x128xf32>
    tpu.vector_store %arg11[%swap3A, %swap3A_66], %add3A_65 {strides = array<i32>} : memref<1000x128xf32, #tpu.memory_space<vmem>>, vector<1000x128xf32>,
    return
  }
  func.func @transform_0(%arg0: i32) -> (i32, i32) {
    %c0_i32 = arith.constant 0 : i32
    %c0_i32_0 = arith.constant 0 : i32
    return %arg0, %c0_i32 : i32, i32
  }
  func.func @transform_1(%arg0: i32) -> (i32, i32) {
    %c0_i32 = arith.constant 0 : i32
    %c0_i32_0 = arith.constant 0 : i32
    return %arg0, %c0_i32 : i32, i32
  }
  func.func @transform_2(%arg0: i32) -> (i32, i32) {
    %c0_i32 = arith.constant 0 : i32
    %c0_i32_0 = arith.constant 0 : i32
    return %arg0, %c0_i32 : i32, i32
  }
  func.func @transform_3(%arg0: i32) -> (i32, i32) {
    %c0_i32 = arith.constant 0 : i32
    %c0_i32_0 = arith.constant 0 : i32
    return %arg0, %c0_i32 : i32, i32
  }
  func.func @transform_4(%arg0: i32) -> (i32, i32) {
    %c0_i32 = arith.constant 0 : i32
    %c0_i32_0 = arith.constant 0 : i32
    %c0_i32_1 = arith.constant 0 : i32
    return %c0_i32, %c0_i32_0 : i32, i32
  }
  func.func @transform_5(%arg0: i32) -> (i32, i32) {
    %c1_i32 = arith.constant 1 : i32
    %c0_i32 = arith.constant 0 : i32
    %c0_i32_0 = arith.constant 0 : i32
    return %c1_i32, %c0_i32 : i32, i32
  }
  func.func @transform_6(%arg0: i32) -> (i32, i32) {
    %c0_i32 = arith.constant 0 : i32
    %c0_i32_0 = arith.constant 0 : i32
    %c0_i32_1 = arith.constant 0 : i32
    return %c0_i32, %c0_i32_0 : i32, i32
  }
  func.func @transform_7(%arg0: i32) -> (i32, i32) {
    %c0_i32 = arith.constant 0 : i32
    %c0_i32_0 = arith.constant 0 : i32
    %c0_i32_1 = arith.constant 0 : i32
    return %c0_i32, %c0_i32_0 : i32, i32
  }
  func.func @transform_8(%arg0: i32) -> (i32, i32) {
    %c0_i32 = arith.constant 0 : i32
    %c0_i32_0 = arith.constant 0 : i32
    %c0_i32_1 = arith.constant 0 : i32
    return %c0_i32, %c0_i32_0 : i32, i32
  }
  func.func @transform_9(%arg0: i32) -> (i32, i32) {
    %c0_i32 = arith.constant 0 : i32
    %c0_i32_0 = arith.constant 0 : i32
    %c0_i32_1 = arith.constant 0 : i32
    return %c0_i32, %c0_i32_0 : i32, i32
  }
  func.func @transform_10(%arg0: i32) -> (i32, i32) {
    %c0_i32 = arith.constant 0 : i32
    %c0_i32_0 = arith.constant 0 : i32
    return %arg0, %c0_i32 : i32, i32
  }
}

</mosaic_0001>

<sc_bundles>
// kernel: kernel.5.cloned.1.call-start
scs
__scs_entry_jumppad:
0x0: {  	(pc) =	sbr.rel $0x88, $3  }
0x1: {  	(tag) =	ssettag $0x0;
	lr =	simm.s32 $0x1  }
0x2: {  	[smem:$0x3F94] =	sst lr;
	_ =	strace $0xD0000000  }
0x3: {  	_ = 	snop  }
0x4: {  	_ = 	snop  }
0x5: {  	_ = 	snop  }
0x6: {  	_ = 	snop  }
0x7: {  	_ = 	snop  }
__scs_overlays_trampoline_lowered:
0x8: {  	[smem:$0x3FA3] =	sst s0  }
0x9: {  	[smem:$0x3FA4] =	sst s1  }
0xa: {  	[smem:$0x3FA5] =	sst s2  }
0xb: {  	[smem:$0x3FA6] =	sst s3  }
0xc: {  	[smem:$0x3FA7] =	sst s4  }
0xd: {  	[smem:$0x3FA8] =	sst s5  }
0xe: {  	[smem:$0x3FA9] =	sst s6  }
0xf: {  	[smem:$0x3FAA] =	sst s7  }
0x10: {  	[smem:$0x3FAB] =	sst s8  }
0x11: {  	[smem:$0x3FAC] =	sst s9;
	s0 =	simm.s32 @!p0 $0x0  }
0x12: {  	s1 =	sld [smem:$0x3F92];
	s0 =	simm.s32 @p0 $0x1  }
0x13: {  	[smem:$0x3FAD] =	sst s0;
	s0 =	simm.s32 @!p1 $0x0  }
0x14: {  	s2 =	sld [smem:$0x3F91];
	s0 =	simm.s32 @p1 $0x1  }
0x15: {  	[smem:$0x3FAE] =	sst s0;
	s0 =	simm.s32 @!p2 $0x0  }
0x16: {  	s3 =	sld [smem:$0x3FDB];
	s0 =	simm.s32 @p2 $0x1  }
0x17: {  	s4 =	simm.s32 $0x1BF5;
	[smem:$0x3FB0] =	sst s0  }
0x18: {  	s0 =	sld [smem:$0x3F93];
	_ =	swait.ge [sflag:s4], $0x0  }
0x19: {  	s7 =	sld [smem:$0x3F94]  }
0x1a: {  	s8 =	sadd.s32 $0xFFFFE003, lr  }
0x1b: {  	s9 =	sadd.s32 $0xFFFFFEF7, lr;
	s5 =	simm.s32 $0xFFFFFFFF;
	p2 =	slt.u32 s8, $0xFFFFF086  }
0x1c: {  	p1 =	slt.u32 s9, $0xF7A;
	s5 =	simm.s32 @!p2 $0x0  }
0x1d: {  	s5 =	simm.s32 @p1 $0x1;
	p0 =	seq.s32 s7, s2  }
0x1e: {  	s7 =	smul.u32 @!p0 $0xF7A, s2;
	p2 =	seq.s32 @!p0 s5, $0x0  }
0x1f: {  	s9 =	smul.u32 $0xF7A, s1;
	s8 =	simm.s32 @!p0 $0x1BF5;
	p2 =	por !p2, p0  }
0x20: {  	[sflag:s8] =	ssyncset.s32 @!p0 $0xFFFFF086;
	s6 =	sadd.s32 @!p0 s3, s7;
	s7 =	simm.s32 @!p0 $0x108  }
0x21: {  	s3 =	sadd.s32 s3, s9;
	s6 =	sadd.s32 @!p0 $0x88, s6;
	s7 =	simm.s32 @p2 $0x1082  }
0x22: {  	[simem:s7], [sflag:s8] =	dma.local @!p0 [hbm:s6], $0xF7A  }
0x23: {  	s9 =	sor.u32 $0xD0000000, s2;
	s6 =	simm.s32 $0x108;
	_ =	swait.ge @!p0 [sflag:s8], $0x0  }
0x24: {  	s3 =	sadd.s32 $0x88, s3;
	s6 =	simm.s32 @!p1 $0x1082;
	[sflag:s4] =	ssyncset.s32 $0xFFFFF086  }
0x25: {  	[simem:s6], [sflag:s4] =	dma.local [hbm:s3], $0xF7A  }
0x26: {  	[smem:$0x3F94] =	sst s1;
	(tag) =	ssettag s2;
	_ =	strace s9  }
0x27: {  	s1 =	sld [smem:$0x3FA4]  }
0x28: {  	s2 =	sld [smem:$0x3FA5]  }
0x29: {  	s4 =	sld [smem:$0x3FA7]  }
0x2a: {  	p0 =	seq.s32 s5, $0x0;
	s5 =	sld [smem:$0x3FA8]  }
0x2b: {  	s6 =	sld [smem:$0x3FA9]  }
0x2c: {  	s7 =	sld [smem:$0x3FAA]  }
0x2d: {  	s3 =	simm.s32 $0x108;
	s8 =	sld [smem:$0x3FAB]  }
0x2e: {  	s3 =	simm.s32 @!p0 $0x1082;
	s9 =	sld [smem:$0x3FAC]  }
0x2f: {  	lr =	sadd.s32 s0, s3;
	s0 =	sld [smem:$0x3FA3]  }
0x30: {  	s3 =	sld [smem:$0x3FA6]  }
0x31: {  	[smem:$0x3FAF] =	sst s10  }
0x32: {  	s10 =	sld [smem:$0x3FAD];
	_ =	sdelay $0x3  }
0x33: {  	p0 =	seq.s32 s10, $0x1;
	s10 =	sld [smem:$0x3FAF];
	_ =	sdelay $0x3  }
0x34: {  	[smem:$0x3FAF] =	sst s10  }
0x35: {  	s10 =	sld [smem:$0x3FAE];
	_ =	sdelay $0x3  }
0x36: {  	p1 =	seq.s32 s10, $0x1;
	s10 =	sld [smem:$0x3FAF];
	_ =	sdelay $0x3  }
0x37: {  	[smem:$0x3FAF] =	sst s10  }
0x38: {  	s10 =	sld [smem:$0x3FB0]  }
0x39: {  	_ = 	snop;
	(pc) =	sbr.ind lr, $3  }
0x3a: {  	_ = 	snop  }
0x3b: {  	_ = 	snop  }
0x3c: {  	p2 =	seq.s32 s10, $0x1;
	s10 =	sld [smem:$0x3FAF]  }
0x3d: {  	_ =	shalt  }
0x3e: {  	_ =	shalt  }
0x3f: {  	_ =	shalt  }
0x40: {  	_ =	shalt  }
0x41: {  	_ =	shalt  }
0x42: {  	_ =	shalt  }
0x43: {  	_ =	shalt  }
0x44: {  	_ =	shalt  }
0x45: {  	_ =	shalt  }
0x46: {  	_ =	shalt  }
0x47: {  	_ =	shalt  }
0x48: {  	_ =	shalt  }
0x49: {  	_ =	shalt  }
0x4a: {  	_ =	shalt  }
0x4b: {  	_ =	shalt  }
0x4c: {  	_ =	shalt  }
0x4d: {  	_ =	shalt  }
0x4e: {  	_ =	shalt  }
0x4f: {  	_ =	shalt  }
0x50: {  	_ =	shalt  }
0x51: {  	_ =	shalt  }
0x52: {  	_ =	shalt  }
0x53: {  	_ =	shalt  }
0x54: {  	_ =	shalt  }
0x55: {  	_ =	shalt  }
0x56: {  	_ =	shalt  }
0x57: {  	_ =	shalt  }
0x58: {  	_ =	shalt  }
0x59: {  	_ =	shalt  }
0x5a: {  	_ =	shalt  }
0x5b: {  	_ =	shalt  }
0x5c: {  	_ =	shalt  }
0x5d: {  	_ =	shalt  }
0x5e: {  	_ =	shalt  }
0x5f: {  	_ =	shalt  }
0x60: {  	_ =	shalt  }
0x61: {  	_ =	shalt  }
0x62: {  	_ =	shalt  }
0x63: {  	_ =	shalt  }
0x64: {  	_ =	shalt  }
0x65: {  	_ =	shalt  }
0x66: {  	_ =	shalt  }
0x67: {  	_ =	shalt  }
0x68: {  	_ =	shalt  }
0x69: {  	_ =	shalt  }
0x6a: {  	_ =	shalt  }
0x6b: {  	_ =	shalt  }
0x6c: {  	_ =	shalt  }
0x6d: {  	_ =	shalt  }
0x6e: {  	_ =	shalt  }
0x6f: {  	_ =	shalt  }
0x70: {  	_ =	shalt  }
0x71: {  	_ =	shalt  }
0x72: {  	_ =	shalt  }
0x73: {  	_ =	shalt  }
0x74: {  	_ =	shalt  }
0x75: {  	_ =	shalt  }
0x76: {  	_ =	shalt  }
0x77: {  	_ =	shalt  }
0x78: {  	_ =	shalt  }
0x79: {  	_ =	shalt  }
0x7a: {  	_ =	shalt  }
0x7b: {  	_ =	shalt  }
0x7c: {  	_ =	shalt  }
0x7d: {  	_ =	shalt  }
0x7e: {  	_ =	shalt  }
0x7f: {  	_ =	shalt  }
0x80: {  	_ =	shalt  }
0x81: {  	_ =	shalt  }
0x82: {  	_ =	shalt  }
0x83: {  	_ =	shalt  }
0x84: {  	_ =	shalt  }
0x85: {  	_ =	shalt  }
0x86: {  	_ =	shalt  }
0x87: {  	_ =	shalt  }
.Lfunc_end0:
.L_simem_size_0:
called_computation_lowered:
.L_overlay_start_0:
0x88: {  	s2 =	sld [smem:$0x3FD9]  }
0x89: {  	s3 =	sld [smem:$0x3FFE];
	_ =	sdelay $0x1  }
0x8a: {  	s1 =	srdreg.scid  }
0x8b: {  	s0 =	sand.u32 $0x1, s1  }
0x8c: {  	s17 =	sshll.u32 s0, $0xA;
	s2 =	sadd.s32 s3, s2  }
0x8d: {  	s2 =	sadd.s32 s2, s17  }
0x8e: {  	[smem:$0x3FBB] =	sst s2  }
0x8f: {  	_ = 	snop  }
0x90: {  	s2 =	sld [smem:$0x3FD0];
	(tm) =	ssettm $0x1  }
0x91: {  	s18 =	sld [smem:$0x3FFB];
	_ =	sdelay $0x3  }
0x92: {  	_ =	strace s18  }
0x93: {  	s3 =	sld [smem:$0x3FFC];
	_ =	sdelay $0x3  }
0x94: {  	_ =	strace s3  }
0x95: {  	s3 =	sld [smem:$0x3FFD];
	_ =	sdelay $0x3  }
0x96: {  	_ =	strace s3  }
0x97: {  	_ =	strace $0x8FFFFFFF  }
0x98: {  	s19 =	sld [smem:$0x3FDB];
	_ =	sdelay $0x1  }
0x99: {  	s4 =	simm.s32 $_scs_section_size  }
0x9a: {  	s5 =	simm.s32 $_size__tile_overlayer_lowered;
	s6 =	simm.s32 $_tile_overlayer_lowered  }
0x9b: {  	s22 =	simm.s32 $0x1BFF;
	s21 =	sshll.u32 s6, $0x1;
	s3 =	sadd.s32 s4, s19  }
0x9c: {  	s7 =	simm.s32 $0x0;
	s20 =	sshll.u32 s5, $0x1;
	s5 =	sadd.s32 s21, s3  }
0x9d: {  	[timem:s7], [sflag:s22] =	dma.local [hbm:s5], s20  }
0x9e: {  	_ =	swait.ge [sflag:s22], s20  }
0x9f: {  	s4 =	ssub.s32 $0x0, s20;
	[sflag:s22] =	ssyncset.done $0x0  }
0xa0: {  	[sflag:s22] =	ssyncadd.s32 s4;
	_ =	sdelay $0x1  }
0xa1: {  	s23 =	simm.s32 $0x1B8B  }
0xa2: {  	_ =	swait.ge [sflag:s23], $0x1  }
0xa3: {  	[sflag:s23] =	ssyncset.done $0x0  }
0xa4: {  	s25 =	simm.s32 $0x1B8E;
	s24 =	sld [smem:$0x3FFE];
	[sflag:s23] =	ssyncadd.s32 $0xFFFFFFFF  }
0xa5: {  	s26 =	simm.s32 $execute0_lowered;
	[smem:$0x3FD2] =	sst s25  }
0xa6: {  	s5 =	sshll.u32 s26, $0x1;
	_ =	strace $0x80000046;
	[dreg:$0x1] =	wrdreg $0xFFFFFFFF  }
0xa7: {  	s28 =	simm.s32 $_size_execute0_lowered;
	s3 =	sadd.s32 s3, s5;
	[dreg:$0x0] =	wrdreg $0x0  }
0xa8: {  	s5 =	sshll.u32 s28, $0x1;
	[dreg:$0x2] =	wrdreg s3  }
0xa9: {  	[dreg:$0x3] =	wrdreg s5  }
0xaa: {  	[dreg:$0x4] =	wrdreg $0xC0  }
0xab: {  	_ =	task [dreg:s7], $0x5FFFF  }
0xac: {  	[dreg:$0x1] =	wrdreg $0xFFFFFFFF  }
0xad: {  	[dreg:$0x0] =	wrdreg $0x60  }
0xae: {  	[dreg:$0x2] =	wrdreg s24  }
0xaf: {  	[dreg:$0x3] =	wrdreg s2  }
0xb0: {  	[dreg:$0x4] =	wrdreg $0xB2000  }
0xb1: {  	[dreg:$0x5] =	wrdreg $0x9  }
0xb2: {  	_ =	task.clear_ibuf [dreg:s7], $0x6FFFF;
	_ =	strace $0x90000046  }
0xb3: {  	s29 =	simm.s32 $0x9;
	_ =	strace $0x80000048  }
0xb4: {  	_ =	swait.ge [sflag:s29], $0x1  }
0xb5: {  	[sflag:s29] =	ssyncadd.s32 $0xFFFFFFFF  }
0xb6: {  	_ =	strace $0x90000048  }
0xb7: {  	_ =	sfence  }
0xb8: {  	s30 =	sld [smem:$0x0];
	_ =	sdelay $0x2  }
0xb9: {  	s31 =	sshll.u32 s1, $0xD;
	s1 =	sshrl.u32 s1, $0x2  }
0xba: {  	s3 =	sand.u32 $0x4000, s31;
	s1 =	sadd.s32 s1, s30  }
0xbb: {  	s0 =	sor.u32 s3, s0;
	s1 =	sshll.u32 s1, $0x11  }
0xbc: {  	s0 =	sor.u32 s1, s0  }
0xbd: {  	s0 =	sadd.s32 $0x8F2B, s0  }
0xbe: {  	[sflag:s0] =	ssyncadd.remote.s32 $0x1  }
0xbf: {  	_ =	sfence.sel $0xFFFF  }
0xc0: {  	[dreg:$0x0] =	wrdreg $0xFFFFFFFF;
	(pc) =	sbr.abs _section_cstart, $3  }
0xc1: {  	[dreg:$0x1] =	wrdreg $0xFFFFFFFF  }
0xc2: {  	_ =	task.clear_ibuf [dreg:s7], $0x2FFFF;
	_ =	strace $0x9FFFFFFF  }
0xc3: {  	(tm) =	ssettm $0x7FFFFFFF  }
tec
execute0_lowered:
.L_overlay_start_1:
0x0: {  	(tag) =	ssettag $0x1  }
0x1: {  	s5 =	rddreg [dreg:$0x0]  }
0x2: {  	s8 =	rddreg [dreg:$0x1]  }
0x3: {  	s2 =	rddreg [dreg:$0x2]  }
0x4: {  	s0 =	rddreg [dreg:$0x3];
	s3 =	simm.s32 $0x0  }
0x5: {  	s1 =	stileid.u32;
	s7 =	srdreg.scid;
	s15 =	simm.s32 $0x40  }
0x6: {  	s16 =	simm.s32 $0x7000;
	s17 =	simm.s32 $0x9000;
	s18 =	simm.s32 $0x1  }
0x7: {  	s19 =	simm.s32 $0xB000;
	s20 =	simm.s32 $0x2;
	s21 =	simm.s32 $0x4  }
0x8: {  	s22 =	simm.s32 $0xB100;
	s23 =	simm.s32 $0x3;
	s24 =	simm.s32 $0x0  }
0x9: {  	[smem:$0x7FF] =	sst s3;
	s6 =	smul.u32 $0x2800, s1;
	s4 =	sadd.s32 $0x3000, s5  }
0xa: {  	s7 =	sand.u32 $0x1, s7;
	s9 =	sshll.u32 s1, $0x1;
	s28 =	smul.u32 $0x50000, s1  }
0xb: {  	s31 =	sshll.u32 s1, $0x6;
	_ =	strace $0x80000047;
	s10 =	ssub.s32 $0x2, s7  }
0xc: {  	s11 =	sor.u32 s7, s9;
	s6 =	sadd.s32 s6, s5;
	s5 =	sadd.s32 $0x53000, s5  }
0xd: {  	s29 =	sshrl.u32 s10, $0x1;
	s12 =	smul.u32 $0xA00, s11;
	s7 =	sshrl.u32 s28, $0x2  }
0xe: {  	s30 =	smul.u32 $0x1400, s11;
	s13 =	ssub.s32 s10, s29;
	s14 =	sadd.s32 s7, s2  }
0xf: {  	s6 =	sadd.s32 $0x2B000, s6;
	s7 =	sor.u32 $0x1C05, s31;
	s10 =	smul.u32 $0xA000, s11  }
0x10: {  	s8 =	sadd.s32 s8, s12;
	s9 =	sadd.s32 s4, s30;
	s11 =	smax.u32 s13, $0x1  }
0x11: {  	s12 =	sshrl.u32 s14, $0x3;
	s13 =	simm.s32 $0x5;
	s14 =	simm.s32 $0x5000  }
.LBB2_1:
0x12: {  	[spmem:s12], [sflag:s7] =	dma.local [hbm:s6], $0x2800  }
0x13: {  	_ =	swait.ge [sflag:s13], $0x2800  }
0x14: {  	[sflag:s13] =	ssyncset.done $0x0  }
0x15: {  	[sflag:s13] =	ssyncadd.s32 $0xFFFFD800  }
0x16: {  	[tilespmem:s3], [sflag:$0x5] =	stream.linear.gather [hbm4b:s8+s3], $0x5000, $0x38;
	[tilespmem:$0x1F200] =	vst v63  }
0x17: {  	_ =	swait.ge [sflag:s13], $0x5000  }
0x18: {  	[sflag:s13] =	ssyncset.done $0x0  }
0x19: {  	[sflag:s13] =	ssyncadd.s32 $0xFFFFB000  }
0x1a: {  	[tilespmem:s14], [sflag:$0x5] =	stream.linear.gather [hbm4b:s9+s3], $0x2000, $0x38;
	[tilespmem:$0x1F200] =	vst v63  }
0x1b: {  	_ =	swait.ge [sflag:s13], $0x2000  }
0x1c: {  	[sflag:s13] =	ssyncset.done $0x0  }
0x1d: {  	[sflag:s13] =	ssyncadd.s32 $0xFFFFE000  }
0x1e: {  	s25 =	simm.s32 $0x0;
	[bflag:$0x0] =	sbarrier.arrive $0xFFFF  }
0x1f: {  	[tilespmem:s16], [sflag:$0x1] =	stream.indirect.gather [spmem:s2], $0x80, s3, s15, $0xb8;
	[tilespmem:$0x1F200] =	vst v63  }
.LBB2_2:
0x20: {  	s26 =	sshll.u32 s25, $0x1  }
0x21: {  	p0 =	seq.s32 s25, $0x0;
	s28 =	sand.u32 $0x1E, s26  }
0x22: {  	p1 =	sne.s32 @!p0 s28, $0x0  }
0x23: {  	p1 =	por p1, p0  }
0x24: {  	s29 =	sshll.u32 @!p1 s25, $0x9  }
0x25: {  	s30 =	sadd.s32 @!p1 s10, s29  }
0x26: {  	s29 =	sand.u32 @!p1 $0x200, s29;
	s30 =	sand.u32 @!p1 $0x3FFC00, s30  }
0x27: {  	s29 =	sor.u32 @!p1 s29, s30  }
0x28: {  	s29 =	sshrl.u32 @!p1 s29, $0x3  }
0x29: {  	s31 =	simm.s32 @!p1 $0x5000;
	s30 =	simm.s32 @!p1 $0x0;
	s29 =	sadd.s32 @!p1 s4, s29  }
0x2a: {  	[tilespmem:s31], [sflag:$0x5] =	stream.linear.gather @!p1 [hbm4b:s29+s30], $0x2000, $0x38;
	[tilespmem:$0x1F200] =	vst v63  }
0x2b: {  	s29 =	simm.s32 @!p1 $0x5  }
0x2c: {  	s26 =	sor.u32 $0x1, s26;
	_ =	swait.ge @!p1 [sflag:s29], $0x2000  }
0x2d: {  	s31 =	sshll.u32 s26, $0x7;
	[sflag:s29] =	ssyncset.done @!p1 $0x0  }
0x2e: {  	[sflag:s29] =	ssyncadd.s32 @!p1 $0xFFFFE000;
	s29 =	sand.u32 $0x3FFFFF80, s31  }
0x2f: {  	[tilespmem:s17], [sflag:$0x2] =	stream.indirect.gather [spmem:s2], $0x80, s29, s15, $0xb8;
	[tilespmem:$0x1F200] =	vst v63  }
0x30: {  	_ =	swait.ge [sflag:s18], $0x2000  }
0x31: {  	[sflag:s18] =	ssyncset.done $0x0  }
0x32: {  	s29 =	simm.s32 @!p0 $0x3;
	[sflag:s18] =	ssyncadd.s32 $0xFFFFE000  }
0x33: {  	_ =	swait.ge @!p0 [sflag:s29], $0x100  }
0x34: {  	[sflag:s29] =	ssyncset.done @!p0 $0x0  }
0x35: {  	s28 =	sshll.u32 s28, $0x8;
	[sflag:s29] =	ssyncadd.s32 @!p0 $0xFFFFFF00  }
0x36: {  	v16 =	vld [tilespmem:s28+$0x5000]  }
0x37: {  	v17 =	vld [tilespmem:s28+$0x5010]  }
0x38: {  	v18 =	vld [tilespmem:s28+$0x5020]  }
0x39: {  	v19 =	vld [tilespmem:s28+$0x5030]  }
0x3a: {  	v20 =	vld [tilespmem:s28+$0x5040]  }
0x3b: {  	v22 =	vld [tilespmem:s28+$0x5050]  }
0x3c: {  	v24 =	vld [tilespmem:s28+$0x5060]  }
0x3d: {  	s29 =	simm.s32 $0x0;
	v26 =	vld [tilespmem:s28+$0x5070]  }
0x3e: {  	v0 =	vld [tilespmem:s29+$0x7080]  }
0x3f: {  	v1 =	vld [tilespmem:s29+$0x7090]  }
0x40: {  	v2 =	vld [tilespmem:s29+$0x70A0]  }
0x41: {  	v3 =	vld [tilespmem:s29+$0x70B0]  }
0x42: {  	v4 =	vld [tilespmem:s29+$0x70C0]  }
0x43: {  	v5 =	vld [tilespmem:s29+$0x70D0]  }
0x44: {  	v6 =	vld [tilespmem:s29+$0x70E0]  }
0x45: {  	v7 =	vld [tilespmem:s29+$0x70F0]  }
0x46: {  	v8 =	vld [tilespmem:s29+$0x7000]  }
0x47: {  	v9 =	vld [tilespmem:s29+$0x7010]  }
0x48: {  	v11 =	vadd.f32 v0, v16;
	v14 =	vadd.f32 v1, v17  }
0x49: {  	v15 =	vadd.f32 v2, v18;
	v12 =	vadd.f32 v3, v19;
	v3 =	vld [tilespmem:s29+$0x7020]  }
0x4a: {  	v13 =	vadd.f32 v4, v20;
	v10 =	vadd.f32 v5, v22;
	v4 =	vld [tilespmem:s29+$0x7030]  }
0x4b: {  	v1 =	vadd.f32 v6, v24;
	v0 =	vadd.f32 v7, v26;
	v5 =	vld [tilespmem:s29+$0x7040]  }
0x4c: {  	v27 =	vadd.f32 v8, v16;
	v23 =	vadd.f32 v9, v17;
	v6 =	vld [tilespmem:s29+$0x7050]  }
0x4d: {  	v9 =	vld [tilespmem:s29+$0x7060];
	v7 =	vsub.f32 $0.0e+00, v11;
	v8 =	vsub.f32 $0.0e+00, v14  }
0x4e: {  	v2 =	vimm.f32 $0.0e+00;
	v21 =	vsub.f32 $0.0e+00, v12;
	v34 =	vsub.f32 $0.0e+00, v23  }
0x4f: {  	v7 =	vmul.f32 $1.442695020e+00, v7;
	v29 =	vadd.f32 v3, v18;
	v3 =	vsub.f32 $0.0e+00, v15  }
0x50: {  	v8 =	vmul.f32 $1.442695020e+00, v8;
	v31 =	vadd.f32 v4, v19;
	v30 =	vadd.f32 v5, v20  }
0x51: {  	v5 =	vmul.f32 $1.442695020e+00, v21;
	v21 =	vadd.f32 v6, v22;
	v6 =	vsub.f32 $0.0e+00, v13  }
0x52: {  	v4 =	vld [tilespmem:s29+$0x7070];
	v25 =	vadd.f32 v9, v24;
	(erf) = vpow2.f32 v7;
	v7 =	vsub.f32 $0.0e+00, v1  }
0x53: {  	v9 =	vsub.f32 $0.0e+00, v10;
	v3 =	vmul.f32 $1.442695020e+00, v3;
	(erf) = vpow2.f32 v8  }
0x54: {  	v6 =	vmul.f32 $1.442695020e+00, v6;
	v8 =	vsub.f32 $0.0e+00, v0;
	v7 =	vmul.f32 $1.442695020e+00, v7  }
0x55: {  	v35 =	vsub.f32 $0.0e+00, v29;
	(erf) = vpow2.f32 v3;
	v3 =	vmul.f32 $1.442695020e+00, v9  }
0x56: {  	v32 =	vmul.f32 $1.442695020e+00, v8;
	v9 =	vimm.f32 $0.0e+00;
	v8 =	vimm.f32 $0.0e+00  }
0x57: {  	(erf) = vpow2.f32 v5;
	v5 =	vsub.f32 $0.0e+00, v27;
	v28 =	vadd.f32 v4, v26  }
0x58: {  	v4 =	vimm.f32 $0.0e+00;
	(erf) = vpow2.f32 v6;
	v6 =	vimm.f32 $0.0e+00  }
0x59: {  	(erf) = vpow2.f32 v3;
	v33 =	vmul.f32 $1.442695020e+00, v5;
	v5 =	vimm.f32 $0.0e+00  }
0x5a: {  	s29 =	simm.s32 $0x400;
	v3 =	vimm.f32 $0.0e+00;
	(erf) = vpow2.f32 v7;
	v7 =	vimm.f32 $0.0e+00  }
.LBB2_3:
0x5b: {  	s30 =	sshra.s32 s29, $0x2;
	p1 =	sne.s32 s29, $0x3C00;
	v39 =	vmul.f32 $1.442695020e+00, v34;
	v36 =	vsub.f32 $0.0e+00, v31;
	(erf) = vpow2.f32 v32  }
0x5c: {  	v37 =	vsub.f32 $0.0e+00, v30;
	v32 =	vld [tilespmem:s30+$0x7080];
	v41 =	vmul.f32 $1.442695020e+00, v35;
	(erf) = vpow2.f32 v33  }
0x5d: {  	v38 =	vsub.f32 $0.0e+00, v21;
	v33 =	vld [tilespmem:s30+$0x7090];
	v43 =	vmul.f32 $1.442695020e+00, v36;
	(erf) = vpow2.f32 v39;
	v34 =	vpop (erf)  }
0x5e: {  	v40 =	vsub.f32 $0.0e+00, v25;
	v44 =	vmul.f32 $1.442695020e+00, v37;
	v39 =	vld [tilespmem:s30+$0x70A0];
	(erf) = vpow2.f32 v41;
	v35 =	vpop (erf)  }
0x5f: {  	v42 =	vsub.f32 $0.0e+00, v28;
	v45 =	vmul.f32 $1.442695020e+00, v38;
	v41 =	vld [tilespmem:s30+$0x70B0];
	(erf) = vpow2.f32 v43;
	v36 =	vpop (erf)  }
0x60: {  	v47 =	vmul.f32 $1.442695020e+00, v40;
	v43 =	vld [tilespmem:s30+$0x70C0];
	(erf) = vpow2.f32 v44;
	v37 =	vpop (erf)  }
0x61: {  	v48 =	vmul.f32 $1.442695020e+00, v42;
	v32 =	vadd.f32 v32, v16;
	v44 =	vld [tilespmem:s30+$0x70D0];
	(erf) = vpow2.f32 v45;
	v38 =	vpop (erf)  }
0x62: {  	v49 =	vadd.f32 $1.000000000e+00, v34;
	v33 =	vadd.f32 v33, v17;
	v45 =	vld [tilespmem:s30+$0x70E0];
	(erf) = vpow2.f32 v47;
	v40 =	vpop (erf)  }
0x63: {  	v47 =	vadd.f32 $1.000000000e+00, v35;
	v34 =	vadd.f32 v39, v18;
	v39 =	vld [tilespmem:s30+$0x70F0];
	(erf) = vpow2.f32 v48;
	v42 =	vpop (erf)  }
0x64: {  	v48 =	vld [tilespmem:s30+$0x7000];
	v35 =	vadd.f32 v41, v19;
	v41 =	vadd.f32 $1.000000000e+00, v36;
	(erf) = vrcp.f32 v49;
	v46 =	vpop (erf)  }
0x65: {  	v52 =	vadd.f32 $1.000000000e+00, v37;
	v49 =	vld [tilespmem:s30+$0x7010];
	v36 =	vadd.f32 v43, v20;
	v50 =	vpop (erf);
	(erf) = vrcp.f32 v47  }
0x66: {  	v47 =	vld [tilespmem:s30+$0x7020];
	v37 =	vadd.f32 v44, v22;
	v44 =	vadd.f32 $1.000000000e+00, v38;
	v51 =	vpop (erf);
	(erf) = vrcp.f32 v41  }
0x67: {  	v41 =	vadd.f32 $1.000000000e+00, v40;
	v38 =	vadd.f32 v45, v24;
	v45 =	vpop (erf);
	(erf) = vrcp.f32 v52  }
0x68: {  	v42 =	vadd.f32 $1.000000000e+00, v42;
	v40 =	vadd.f32 v39, v26;
	v43 =	vpop (erf);
	(erf) = vrcp.f32 v44  }
0x69: {  	v52 =	vadd.f32 $1.000000000e+00, v50;
	v39 =	vadd.f32 v48, v16;
	v48 =	vpop (erf);
	(erf) = vrcp.f32 v41  }
0x6a: {  	v51 =	vadd.f32 $1.000000000e+00, v51;
	v41 =	vadd.f32 v49, v17;
	v50 =	vpop (erf);
	(erf) = vrcp.f32 v42  }
0x6b: {  	v53 =	vadd.f32 $1.000000000e+00, v45;
	v42 =	vadd.f32 v47, v18;
	(erf) = vrcp.f32 v52;
	v44 =	vpop (erf)  }
0x6c: {  	v55 =	vadd.f32 $1.000000000e+00, v43;
	v47 =	vsub.f32 $0.0e+00, v32;
	(erf) = vrcp.f32 v51;
	v49 =	vpop (erf)  }
0x6d: {  	v57 =	vadd.f32 $1.000000000e+00, v48;
	v52 =	vsub.f32 $0.0e+00, v33;
	v51 =	vld [tilespmem:s30+$0x7030];
	(erf) = vrcp.f32 v53;
	v45 =	vpop (erf)  }
0x6e: {  	v54 =	vsub.f32 $0.0e+00, v34;
	v58 =	vadd.f32 $1.000000000e+00, v50;
	v53 =	vld [tilespmem:s30+$0x7040];
	(erf) = vrcp.f32 v55;
	v43 =	vpop (erf)  }
0x6f: {  	v56 =	vsub.f32 $0.0e+00, v35;
	v59 =	vadd.f32 $1.000000000e+00, v44;
	v55 =	vld [tilespmem:s30+$0x7050];
	(erf) = vrcp.f32 v57;
	v48 =	vpop (erf)  }
0x70: {  	v47 =	vmul.f32 $1.442695020e+00, v47;
	v60 =	vadd.f32 $1.000000000e+00, v49;
	v57 =	vld [tilespmem:s30+$0x7060];
	(erf) = vrcp.f32 v58;
	v50 =	vpop (erf)  }
0x71: {  	v46 =	vadd.f32 $1.000000000e+00, v46;
	v52 =	vmul.f32 $1.442695020e+00, v52;
	v58 =	vld [tilespmem:s30+$0x7070];
	(erf) = vrcp.f32 v59;
	v44 =	vpop (erf)  }
0x72: {  	v54 =	vmul.f32 $1.442695020e+00, v54;
	v51 =	vadd.f32 v51, v19;
	(erf) = vrcp.f32 v60;
	v49 =	vpop (erf)  }
0x73: {  	v56 =	vmul.f32 $1.442695020e+00, v56;
	v53 =	vadd.f32 v53, v20;
	v59 =	vpop (erf);
	(erf) = vrcp.f32 v46  }
0x74: {  	v11 =	vmul.f32 v45, v11;
	v14 =	vmul.f32 v43, v14;
	v46 =	vadd.f32 v55, v22;
	v43 =	vpop (erf)  }
0x75: {  	v15 =	vmul.f32 v48, v15;
	v12 =	vmul.f32 v50, v12;
	v45 =	vadd.f32 v57, v24;
	v48 =	vpop (erf)  }
0x76: {  	v13 =	vmul.f32 v44, v13;
	v10 =	vmul.f32 v49, v10;
	v50 =	vadd.f32 v58, v26;
	v44 =	vpop (erf)  }
0x77: {  	v49 =	vsub.f32 $0.0e+00, v36;
	v55 =	vmul.f32 v43, v27;
	v23 =	vmul.f32 v48, v23;
	v43 =	vpop (erf)  }
0x78: {  	v48 =	vsub.f32 $0.0e+00, v37;
	v29 =	vmul.f32 v44, v29;
	v31 =	vmul.f32 v43, v31;
	v43 =	vpop (erf)  }
0x79: {  	v2 =	vadd.f32 v55, v2;
	v9 =	vadd.f32 v23, v9;
	v23 =	vmul.f32 v43, v30;
	v27 =	vpop (erf)  }
0x7a: {  	v8 =	vadd.f32 v29, v8;
	v7 =	vadd.f32 v31, v7;
	v21 =	vmul.f32 v27, v21;
	v27 =	vpop (erf)  }
0x7b: {  	v2 =	vadd.f32 v11, v2;
	v9 =	vadd.f32 v14, v9;
	v25 =	vmul.f32 v27, v25;
	v11 =	vpop (erf)  }
0x7c: {  	v8 =	vadd.f32 v15, v8;
	v27 =	vmul.f32 v11, v28;
	v7 =	vadd.f32 v12, v7;
	v12 =	vpop (erf)  }
0x7d: {  	v1 =	vmul.f32 v59, v1;
	v6 =	vadd.f32 v23, v6;
	v5 =	vadd.f32 v21, v5;
	v11 =	vmovc v32  }
0x7e: {  	v14 =	vmovc v33;
	v4 =	vadd.f32 v25, v4;
	v23 =	vmul.f32 v12, v0;
	v3 =	vadd.f32 v27, v3  }
0x7f: {  	v15 =	vmovc v34;
	v6 =	vadd.f32 v13, v6;
	v12 =	vmovc v35;
	v5 =	vadd.f32 v10, v5;
	(erf) = vpow2.f32 v47  }
0x80: {  	v13 =	vmovc v36;
	v10 =	vmovc v37;
	v4 =	vadd.f32 v1, v4;
	(erf) = vpow2.f32 v52;
	v3 =	vadd.f32 v23, v3  }
.Ltmp0:
0x81: {  	v36 =	vmul.f32 $1.442695020e+00, v49;
	v25 =	vsub.f32 $0.0e+00, v38;
	v0 =	vmovc v40;
	v1 =	vmovc v38;
	(erf) = vpow2.f32 v54;
	(pc) =	sbr.rel @p1 .LBB2_3-.Ltmp0, $4  }
0x82: {  	v35 =	vsub.f32 $0.0e+00, v0;
	v38 =	vmul.f32 $1.442695020e+00, v48;
	v27 =	vmovc v39;
	v23 =	vmovc v41;
	(erf) = vpow2.f32 v56  }
0x83: {  	v29 =	vmovc v42;
	v31 =	vmovc v51;
	v37 =	vmul.f32 $1.442695020e+00, v25;
	v33 =	vsub.f32 $0.0e+00, v27;
	(erf) = vpow2.f32 v36  }
0x84: {  	v30 =	vmovc v53;
	v21 =	vmovc v46;
	v32 =	vmul.f32 $1.442695020e+00, v35;
	v34 =	vsub.f32 $0.0e+00, v23;
	(erf) = vpow2.f32 v38  }
0x85: {  	s29 =	sadd.s32 $0x400, s29;
	v28 =	vmovc v50;
	v35 =	vsub.f32 $0.0e+00, v29;
	v25 =	vmovc v45;
	v33 =	vmul.f32 $1.442695020e+00, v33;
	(erf) = vpow2.f32 v37  }
0x86: {  	v16 =	vmul.f32 $1.442695020e+00, v34;
	v17 =	vsub.f32 $0.0e+00, v31  }
0x87: {  	v19 =	vsub.f32 $0.0e+00, v30;
	v18 =	vmul.f32 $1.442695020e+00, v35  }
0x88: {  	(erf) = vpow2.f32 v32;
	v20 =	vsub.f32 $0.0e+00, v21;
	v17 =	vmul.f32 $1.442695020e+00, v17  }
0x89: {  	v22 =	vsub.f32 $0.0e+00, v25;
	(erf) = vpow2.f32 v33;
	v19 =	vmul.f32 $1.442695020e+00, v19  }
0x8a: {  	v24 =	vsub.f32 $0.0e+00, v28;
	(erf) = vpow2.f32 v16;
	v20 =	vmul.f32 $1.442695020e+00, v20;
	v16 =	vpop (erf)  }
0x8b: {  	v22 =	vmul.f32 $1.442695020e+00, v22;
	(erf) = vpow2.f32 v18;
	v18 =	vpop (erf)  }
0x8c: {  	v24 =	vmul.f32 $1.442695020e+00, v24;
	(erf) = vpow2.f32 v17;
	v17 =	vpop (erf)  }
0x8d: {  	v16 =	vadd.f32 $1.000000000e+00, v16;
	(erf) = vpow2.f32 v19;
	v19 =	vpop (erf)  }
0x8e: {  	(erf) = vpow2.f32 v20;
	v20 =	vpop (erf)  }
0x8f: {  	(erf) = vpow2.f32 v22;
	v22 =	vpop (erf)  }
0x90: {  	v18 =	vadd.f32 $1.000000000e+00, v18;
	(erf) = vpow2.f32 v24;
	v24 =	vpop (erf)  }
0x91: {  	v17 =	vadd.f32 $1.000000000e+00, v17;
	(erf) = vrcp.f32 v16;
	v16 =	vpop (erf)  }
0x92: {  	v19 =	vadd.f32 $1.000000000e+00, v19;
	(erf) = vrcp.f32 v18;
	v26 =	vpop (erf)  }
0x93: {  	v18 =	vadd.f32 $1.000000000e+00, v20;
	(erf) = vrcp.f32 v17;
	v20 =	vpop (erf)  }
0x94: {  	v17 =	vadd.f32 $1.000000000e+00, v22;
	v22 =	vpop (erf);
	(erf) = vrcp.f32 v19  }
0x95: {  	v19 =	vadd.f32 $1.000000000e+00, v24;
	v24 =	vpop (erf);
	(erf) = vrcp.f32 v18;
	v18 =	vadd.f32 $1.000000000e+00, v26  }
0x96: {  	v26 =	vpop (erf);
	(erf) = vrcp.f32 v17;
	v17 =	vadd.f32 $1.000000000e+00, v20  }
0x97: {  	v20 =	vpop (erf);
	(erf) = vrcp.f32 v19;
	v19 =	vadd.f32 $1.000000000e+00, v22  }
0x98: {  	v22 =	vadd.f32 $1.000000000e+00, v24  }
0x99: {  	v24 =	vadd.f32 $1.000000000e+00, v26;
	(erf) = vrcp.f32 v18;
	v18 =	vpop (erf)  }
0x9a: {  	v20 =	vadd.f32 $1.000000000e+00, v20;
	(erf) = vrcp.f32 v17;
	v17 =	vpop (erf)  }
0x9b: {  	(erf) = vrcp.f32 v19;
	v18 =	vadd.f32 $1.000000000e+00, v18;
	v19 =	vpop (erf)  }
0x9c: {  	(erf) = vrcp.f32 v22;
	v17 =	vadd.f32 $1.000000000e+00, v17;
	v22 =	vpop (erf)  }
0x9d: {  	(erf) = vrcp.f32 v24;
	v24 =	vpop (erf)  }
0x9e: {  	v16 =	vadd.f32 $1.000000000e+00, v16;
	(erf) = vrcp.f32 v20;
	v20 =	vpop (erf)  }
0x9f: {  	(erf) = vrcp.f32 v18;
	v18 =	vpop (erf)  }
0xa0: {  	(erf) = vrcp.f32 v17;
	v17 =	vpop (erf)  }
0xa1: {  	v26 =	vpop (erf)  }
0xa2: {  	(erf) = vrcp.f32 v16;
	v16 =	vpop (erf)  }
0xa3: {  	v11 =	vmul.f32 v19, v11;
	v19 =	vpop (erf)  }
0xa4: {  	v12 =	vmul.f32 v20, v12;
	v16 =	vmul.f32 v16, v27;
	v20 =	vpop (erf)  }
0xa5: {  	v13 =	vmul.f32 v18, v13;
	v19 =	vmul.f32 v19, v23;
	v18 =	vpop (erf)  }
0xa6: {  	v20 =	vmul.f32 v20, v29;
	v2 =	vadd.f32 v16, v2;
	v16 =	vmul.f32 v18, v31  }
0xa7: {  	v14 =	vmul.f32 v22, v14;
	v9 =	vadd.f32 v19, v9  }
0xa8: {  	v15 =	vmul.f32 v24, v15;
	v10 =	vmul.f32 v17, v10;
	v17 =	vpop (erf);
	v8 =	vadd.f32 v20, v8  }
0xa9: {  	v17 =	vmul.f32 v17, v30;
	v18 =	vpop (erf);
	v2 =	vadd.f32 v11, v2;
	v9 =	vadd.f32 v14, v9  }
0xaa: {  	v7 =	vadd.f32 v16, v7;
	v11 =	vmul.f32 v18, v21;
	v16 =	vpop (erf)  }
0xab: {  	v8 =	vadd.f32 v15, v8;
	v6 =	vadd.f32 v17, v6;
	[tilespmem:$0xB000] =	vst v2;
	v14 =	vmul.f32 v16, v25;
	v16 =	vpop (erf)  }
0xac: {  	v7 =	vadd.f32 v12, v7;
	v5 =	vadd.f32 v11, v5;
	[tilespmem:$0xB010] =	vst v9;
	v2 =	vmul.f32 v16, v28  }
0xad: {  	v1 =	vmul.f32 v26, v1;
	v6 =	vadd.f32 v13, v6;
	[tilespmem:$0xB020] =	vst v8;
	v9 =	vpop (erf);
	v4 =	vadd.f32 v14, v4  }
0xae: {  	[tilespmem:$0xB030] =	vst v7;
	v0 =	vmul.f32 v9, v0;
	v2 =	vadd.f32 v2, v3;
	v3 =	vadd.f32 v10, v5  }
0xaf: {  	[tilespmem:$0xB040] =	vst v6;
	v1 =	vadd.f32 v1, v4  }
0xb0: {  	v0 =	vadd.f32 v0, v2;
	[tilespmem:$0xB050] =	vst v3  }
0xb1: {  	[tilespmem:$0xB060] =	vst v1  }
0xb2: {  	[tilespmem:$0xB070] =	vst v0  }
0xb3: {  	v16 =	vld [tilespmem:s28+$0x5080]  }
0xb4: {  	v17 =	vld [tilespmem:s28+$0x5090]  }
0xb5: {  	v18 =	vld [tilespmem:s28+$0x50A0]  }
0xb6: {  	v19 =	vld [tilespmem:s28+$0x50B0]  }
0xb7: {  	v20 =	vld [tilespmem:s28+$0x50C0]  }
0xb8: {  	v22 =	vld [tilespmem:s28+$0x50D0]  }
0xb9: {  	v24 =	vld [tilespmem:s28+$0x50E0]  }
0xba: {  	v26 =	vld [tilespmem:s28+$0x50F0];
	s28 =	simm.s32 $0x0  }
0xbb: {  	v0 =	vld [tilespmem:s28+$0x8080]  }
0xbc: {  	v1 =	vld [tilespmem:s28+$0x8090]  }
0xbd: {  	v2 =	vld [tilespmem:s28+$0x80A0]  }
0xbe: {  	v3 =	vld [tilespmem:s28+$0x80B0]  }
0xbf: {  	v4 =	vld [tilespmem:s28+$0x80C0]  }
0xc0: {  	v5 =	vld [tilespmem:s28+$0x80D0]  }
0xc1: {  	v6 =	vld [tilespmem:s28+$0x80E0]  }
0xc2: {  	v7 =	vld [tilespmem:s28+$0x80F0]  }
0xc3: {  	v8 =	vld [tilespmem:s28+$0x8000]  }
0xc4: {  	v9 =	vld [tilespmem:s28+$0x8010]  }
0xc5: {  	v11 =	vadd.f32 v0, v16;
	v14 =	vadd.f32 v1, v17  }
0xc6: {  	v15 =	vadd.f32 v2, v18;
	v12 =	vadd.f32 v3, v19;
	v3 =	vld [tilespmem:s28+$0x8020]  }
0xc7: {  	v13 =	vadd.f32 v4, v20;
	v10 =	vadd.f32 v5, v22;
	v4 =	vld [tilespmem:s28+$0x8030]  }
0xc8: {  	v1 =	vadd.f32 v6, v24;
	v0 =	vadd.f32 v7, v26;
	v5 =	vld [tilespmem:s28+$0x8040]  }
0xc9: {  	v27 =	vadd.f32 v8, v16;
	v23 =	vadd.f32 v9, v17;
	v6 =	vld [tilespmem:s28+$0x8050]  }
0xca: {  	v9 =	vld [tilespmem:s28+$0x8060];
	v7 =	vsub.f32 $0.0e+00, v11;
	v8 =	vsub.f32 $0.0e+00, v14  }
0xcb: {  	v2 =	vimm.f32 $0.0e+00;
	v21 =	vsub.f32 $0.0e+00, v12;
	v34 =	vsub.f32 $0.0e+00, v23  }
0xcc: {  	v7 =	vmul.f32 $1.442695020e+00, v7;
	v29 =	vadd.f32 v3, v18;
	v3 =	vsub.f32 $0.0e+00, v15  }
0xcd: {  	v8 =	vmul.f32 $1.442695020e+00, v8;
	v31 =	vadd.f32 v4, v19;
	v30 =	vadd.f32 v5, v20  }
0xce: {  	v5 =	vmul.f32 $1.442695020e+00, v21;
	v21 =	vadd.f32 v6, v22;
	v6 =	vsub.f32 $0.0e+00, v13  }
0xcf: {  	v4 =	vld [tilespmem:s28+$0x8070];
	v25 =	vadd.f32 v9, v24;
	(erf) = vpow2.f32 v7;
	v7 =	vsub.f32 $0.0e+00, v1  }
0xd0: {  	v9 =	vsub.f32 $0.0e+00, v10;
	v3 =	vmul.f32 $1.442695020e+00, v3;
	(erf) = vpow2.f32 v8  }
0xd1: {  	v6 =	vmul.f32 $1.442695020e+00, v6;
	v8 =	vsub.f32 $0.0e+00, v0;
	v7 =	vmul.f32 $1.442695020e+00, v7  }
0xd2: {  	v35 =	vsub.f32 $0.0e+00, v29;
	(erf) = vpow2.f32 v3;
	v3 =	vmul.f32 $1.442695020e+00, v9  }
0xd3: {  	v32 =	vmul.f32 $1.442695020e+00, v8;
	v9 =	vimm.f32 $0.0e+00;
	v8 =	vimm.f32 $0.0e+00  }
0xd4: {  	(erf) = vpow2.f32 v5;
	v5 =	vsub.f32 $0.0e+00, v27;
	v28 =	vadd.f32 v4, v26  }
0xd5: {  	v4 =	vimm.f32 $0.0e+00;
	(erf) = vpow2.f32 v6;
	v6 =	vimm.f32 $0.0e+00  }
0xd6: {  	(erf) = vpow2.f32 v3;
	v33 =	vmul.f32 $1.442695020e+00, v5;
	v5 =	vimm.f32 $0.0e+00  }
0xd7: {  	s28 =	simm.s32 $0x400;
	v3 =	vimm.f32 $0.0e+00;
	(erf) = vpow2.f32 v7;
	v7 =	vimm.f32 $0.0e+00  }
.LBB2_5:
0xd8: {  	s29 =	sshra.s32 s28, $0x2;
	p1 =	sne.s32 s28, $0x3C00;
	v39 =	vmul.f32 $1.442695020e+00, v34;
	v36 =	vsub.f32 $0.0e+00, v31;
	(erf) = vpow2.f32 v32  }
0xd9: {  	v37 =	vsub.f32 $0.0e+00, v30;
	v32 =	vld [tilespmem:s29+$0x8080];
	v41 =	vmul.f32 $1.442695020e+00, v35;
	(erf) = vpow2.f32 v33  }
0xda: {  	v38 =	vsub.f32 $0.0e+00, v21;
	v33 =	vld [tilespmem:s29+$0x8090];
	v43 =	vmul.f32 $1.442695020e+00, v36;
	(erf) = vpow2.f32 v39;
	v34 =	vpop (erf)  }
0xdb: {  	v40 =	vsub.f32 $0.0e+00, v25;
	v44 =	vmul.f32 $1.442695020e+00, v37;
	v39 =	vld [tilespmem:s29+$0x80A0];
	(erf) = vpow2.f32 v41;
	v35 =	vpop (erf)  }
0xdc: {  	v42 =	vsub.f32 $0.0e+00, v28;
	v45 =	vmul.f32 $1.442695020e+00, v38;
	v41 =	vld [tilespmem:s29+$0x80B0];
	(erf) = vpow2.f32 v43;
	v36 =	vpop (erf)  }
0xdd: {  	v47 =	vmul.f32 $1.442695020e+00, v40;
	v43 =	vld [tilespmem:s29+$0x80C0];
	(erf) = vpow2.f32 v44;
	v37 =	vpop (erf)  }
0xde: {  	v48 =	vmul.f32 $1.442695020e+00, v42;
	v32 =	vadd.f32 v32, v16;
	v44 =	vld [tilespmem:s29+$0x80D0];
	(erf) = vpow2.f32 v45;
	v38 =	vpop (erf)  }
0xdf: {  	v49 =	vadd.f32 $1.000000000e+00, v34;
	v33 =	vadd.f32 v33, v17;
	v45 =	vld [tilespmem:s29+$0x80E0];
	(erf) = vpow2.f32 v47;
	v40 =	vpop (erf)  }
0xe0: {  	v47 =	vadd.f32 $1.000000000e+00, v35;
	v34 =	vadd.f32 v39, v18;
	v39 =	vld [tilespmem:s29+$0x80F0];
	(erf) = vpow2.f32 v48;
	v42 =	vpop (erf)  }
0xe1: {  	v48 =	vld [tilespmem:s29+$0x8000];
	v35 =	vadd.f32 v41, v19;
	v41 =	vadd.f32 $1.000000000e+00, v36;
	(erf) = vrcp.f32 v49;
	v46 =	vpop (erf)  }
0xe2: {  	v52 =	vadd.f32 $1.000000000e+00, v37;
	v49 =	vld [tilespmem:s29+$0x8010];
	v36 =	vadd.f32 v43, v20;
	v50 =	vpop (erf);
	(erf) = vrcp.f32 v47  }
0xe3: {  	v47 =	vld [tilespmem:s29+$0x8020];
	v37 =	vadd.f32 v44, v22;
	v44 =	vadd.f32 $1.000000000e+00, v38;
	v51 =	vpop (erf);
	(erf) = vrcp.f32 v41  }
0xe4: {  	v41 =	vadd.f32 $1.000000000e+00, v40;
	v38 =	vadd.f32 v45, v24;
	v45 =	vpop (erf);
	(erf) = vrcp.f32 v52  }
0xe5: {  	v42 =	vadd.f32 $1.000000000e+00, v42;
	v40 =	vadd.f32 v39, v26;
	v43 =	vpop (erf);
	(erf) = vrcp.f32 v44  }
0xe6: {  	v52 =	vadd.f32 $1.000000000e+00, v50;
	v39 =	vadd.f32 v48, v16;
	v48 =	vpop (erf);
	(erf) = vrcp.f32 v41  }
0xe7: {  	v51 =	vadd.f32 $1.000000000e+00, v51;
	v41 =	vadd.f32 v49, v17;
	v50 =	vpop (erf);
	(erf) = vrcp.f32 v42  }
0xe8: {  	v53 =	vadd.f32 $1.000000000e+00, v45;
	v42 =	vadd.f32 v47, v18;
	(erf) = vrcp.f32 v52;
	v44 =	vpop (erf)  }
0xe9: {  	v55 =	vadd.f32 $1.000000000e+00, v43;
	v47 =	vsub.f32 $0.0e+00, v32;
	(erf) = vrcp.f32 v51;
	v49 =	vpop (erf)  }
0xea: {  	v57 =	vadd.f32 $1.000000000e+00, v48;
	v52 =	vsub.f32 $0.0e+00, v33;
	v51 =	vld [tilespmem:s29+$0x8030];
	(erf) = vrcp.f32 v53;
	v45 =	vpop (erf)  }
0xeb: {  	v54 =	vsub.f32 $0.0e+00, v34;
	v58 =	vadd.f32 $1.000000000e+00, v50;
	v53 =	vld [tilespmem:s29+$0x8040];
	(erf) = vrcp.f32 v55;
	v43 =	vpop (erf)  }
0xec: {  	v56 =	vsub.f32 $0.0e+00, v35;
	v59 =	vadd.f32 $1.000000000e+00, v44;
	v55 =	vld [tilespmem:s29+$0x8050];
	(erf) = vrcp.f32 v57;
	v48 =	vpop (erf)  }
0xed: {  	v47 =	vmul.f32 $1.442695020e+00, v47;
	v60 =	vadd.f32 $1.000000000e+00, v49;
	v57 =	vld [tilespmem:s29+$0x8060];
	(erf) = vrcp.f32 v58;
	v50 =	vpop (erf)  }
0xee: {  	v46 =	vadd.f32 $1.000000000e+00, v46;
	v52 =	vmul.f32 $1.442695020e+00, v52;
	v58 =	vld [tilespmem:s29+$0x8070];
	(erf) = vrcp.f32 v59;
	v44 =	vpop (erf)  }
0xef: {  	v54 =	vmul.f32 $1.442695020e+00, v54;
	v51 =	vadd.f32 v51, v19;
	(erf) = vrcp.f32 v60;
	v49 =	vpop (erf)  }
0xf0: {  	v56 =	vmul.f32 $1.442695020e+00, v56;
	v53 =	vadd.f32 v53, v20;
	v59 =	vpop (erf);
	(erf) = vrcp.f32 v46  }
0xf1: {  	v11 =	vmul.f32 v45, v11;
	v14 =	vmul.f32 v43, v14;
	v46 =	vadd.f32 v55, v22;
	v43 =	vpop (erf)  }
0xf2: {  	v15 =	vmul.f32 v48, v15;
	v12 =	vmul.f32 v50, v12;
	v45 =	vadd.f32 v57, v24;
	v48 =	vpop (erf)  }
0xf3: {  	v13 =	vmul.f32 v44, v13;
	v10 =	vmul.f32 v49, v10;
	v50 =	vadd.f32 v58, v26;
	v44 =	vpop (erf)  }
0xf4: {  	v49 =	vsub.f32 $0.0e+00, v36;
	v55 =	vmul.f32 v43, v27;
	v23 =	vmul.f32 v48, v23;
	v43 =	vpop (erf)  }
0xf5: {  	v48 =	vsub.f32 $0.0e+00, v37;
	v29 =	vmul.f32 v44, v29;
	v31 =	vmul.f32 v43, v31;
	v43 =	vpop (erf)  }
0xf6: {  	v2 =	vadd.f32 v55, v2;
	v9 =	vadd.f32 v23, v9;
	v23 =	vmul.f32 v43, v30;
	v27 =	vpop (erf)  }
0xf7: {  	v8 =	vadd.f32 v29, v8;
	v7 =	vadd.f32 v31, v7;
	v21 =	vmul.f32 v27, v21;
	v27 =	vpop (erf)  }
0xf8: {  	v2 =	vadd.f32 v11, v2;
	v9 =	vadd.f32 v14, v9;
	v25 =	vmul.f32 v27, v25;
	v11 =	vpop (erf)  }
0xf9: {  	v8 =	vadd.f32 v15, v8;
	v27 =	vmul.f32 v11, v28;
	v7 =	vadd.f32 v12, v7;
	v12 =	vpop (erf)  }
0xfa: {  	v1 =	vmul.f32 v59, v1;
	v6 =	vadd.f32 v23, v6;
	v5 =	vadd.f32 v21, v5;
	v11 =	vmovc v32  }
0xfb: {  	v14 =	vmovc v33;
	v4 =	vadd.f32 v25, v4;
	v23 =	vmul.f32 v12, v0;
	v3 =	vadd.f32 v27, v3  }
0xfc: {  	v15 =	vmovc v34;
	v6 =	vadd.f32 v13, v6;
	v12 =	vmovc v35;
	v5 =	vadd.f32 v10, v5;
	(erf) = vpow2.f32 v47  }
0xfd: {  	v13 =	vmovc v36;
	v10 =	vmovc v37;
	v4 =	vadd.f32 v1, v4;
	(erf) = vpow2.f32 v52;
	v3 =	vadd.f32 v23, v3  }
.Ltmp1:
0xfe: {  	v36 =	vmul.f32 $1.442695020e+00, v49;
	v25 =	vsub.f32 $0.0e+00, v38;
	v0 =	vmovc v40;
	v1 =	vmovc v38;
	(erf) = vpow2.f32 v54;
	(pc) =	sbr.rel @p1 .LBB2_5-.Ltmp1, $4  }
0xff: {  	v35 =	vsub.f32 $0.0e+00, v0;
	v38 =	vmul.f32 $1.442695020e+00, v48;
	v27 =	vmovc v39;
	v23 =	vmovc v41;
	(erf) = vpow2.f32 v56  }
0x100: {  	v29 =	vmovc v42;
	v31 =	vmovc v51;
	v37 =	vmul.f32 $1.442695020e+00, v25;
	v33 =	vsub.f32 $0.0e+00, v27;
	(erf) = vpow2.f32 v36  }
0x101: {  	v30 =	vmovc v53;
	v21 =	vmovc v46;
	v32 =	vmul.f32 $1.442695020e+00, v35;
	v34 =	vsub.f32 $0.0e+00, v23;
	(erf) = vpow2.f32 v38  }
0x102: {  	s28 =	sadd.s32 $0x400, s28;
	v28 =	vmovc v50;
	v35 =	vsub.f32 $0.0e+00, v29;
	v25 =	vmovc v45;
	v33 =	vmul.f32 $1.442695020e+00, v33;
	(erf) = vpow2.f32 v37  }
0x103: {  	v16 =	vmul.f32 $1.442695020e+00, v34;
	v17 =	vsub.f32 $0.0e+00, v31;
	(erf) = vpow2.f32 v32  }
0x104: {  	v19 =	vsub.f32 $0.0e+00, v30;
	v18 =	vmul.f32 $1.442695020e+00, v35;
	(erf) = vpow2.f32 v33  }
0x105: {  	v20 =	vsub.f32 $0.0e+00, v21;
	v17 =	vmul.f32 $1.442695020e+00, v17;
	(erf) = vpow2.f32 v16;
	v52 =	vpop (erf)  }
0x106: {  	v22 =	vsub.f32 $0.0e+00, v25;
	v19 =	vmul.f32 $1.442695020e+00, v19;
	(erf) = vpow2.f32 v18;
	v53 =	vpop (erf)  }
0x107: {  	v24 =	vsub.f32 $0.0e+00, v28;
	v20 =	vmul.f32 $1.442695020e+00, v20;
	(erf) = vpow2.f32 v17;
	v54 =	vpop (erf)  }
0x108: {  	v22 =	vmul.f32 $1.442695020e+00, v22;
	(erf) = vpow2.f32 v19;
	v55 =	vpop (erf)  }
0x109: {  	v24 =	vmul.f32 $1.442695020e+00, v24;
	(erf) = vpow2.f32 v20;
	v56 =	vpop (erf)  }
0x10a: {  	v16 =	vadd.f32 $1.000000000e+00, v52;
	(erf) = vpow2.f32 v22;
	v57 =	vpop (erf)  }
0x10b: {  	v18 =	vadd.f32 $1.000000000e+00, v53;
	(erf) = vpow2.f32 v24;
	v58 =	vpop (erf)  }
0x10c: {  	v17 =	vadd.f32 $1.000000000e+00, v54;
	(erf) = vrcp.f32 v16;
	v59 =	vpop (erf)  }
0x10d: {  	v19 =	vadd.f32 $1.000000000e+00, v55;
	v26 =	vpop (erf);
	(erf) = vrcp.f32 v18  }
0x10e: {  	v60 =	vadd.f32 $1.000000000e+00, v56;
	v61 =	vpop (erf);
	(erf) = vrcp.f32 v17  }
0x10f: {  	v62 =	vadd.f32 $1.000000000e+00, v57;
	v63 =	vpop (erf);
	(erf) = vrcp.f32 v19  }
0x110: {  	v32 =	vadd.f32 $1.000000000e+00, v58;
	v33 =	vpop (erf);
	(erf) = vrcp.f32 v60  }
0x111: {  	v34 =	vadd.f32 $1.000000000e+00, v26;
	v35 =	vpop (erf);
	(erf) = vrcp.f32 v62  }
0x112: {  	v36 =	vadd.f32 $1.000000000e+00, v61;
	v37 =	vpop (erf);
	(erf) = vrcp.f32 v32  }
0x113: {  	v38 =	vadd.f32 $1.000000000e+00, v63;
	(erf) = vrcp.f32 v34;
	v39 =	vpop (erf)  }
0x114: {  	v40 =	vadd.f32 $1.000000000e+00, v33;
	(erf) = vrcp.f32 v36;
	v41 =	vpop (erf)  }
0x115: {  	v42 =	vadd.f32 $1.000000000e+00, v35;
	(erf) = vrcp.f32 v38;
	v43 =	vpop (erf)  }
0x116: {  	v20 =	vadd.f32 $1.000000000e+00, v37;
	(erf) = vrcp.f32 v40;
	v44 =	vpop (erf)  }
0x117: {  	v18 =	vadd.f32 $1.000000000e+00, v39;
	(erf) = vrcp.f32 v42;
	v45 =	vpop (erf)  }
0x118: {  	v17 =	vadd.f32 $1.000000000e+00, v41;
	(erf) = vrcp.f32 v20;
	v46 =	vpop (erf)  }
0x119: {  	(erf) = vrcp.f32 v18;
	v47 =	vpop (erf)  }
0x11a: {  	v16 =	vadd.f32 $1.000000000e+00, v59;
	(erf) = vrcp.f32 v17;
	v48 =	vpop (erf)  }
0x11b: {  	v11 =	vmul.f32 v43, v11;
	v49 =	vpop (erf)  }
0x11c: {  	v14 =	vmul.f32 v44, v14;
	(erf) = vrcp.f32 v16;
	v50 =	vpop (erf)  }
0x11d: {  	v15 =	vmul.f32 v45, v15;
	v51 =	vpop (erf);
	v16 =	vmul.f32 v50, v27  }
0x11e: {  	v12 =	vmul.f32 v46, v12;
	v52 =	vpop (erf);
	v19 =	vmul.f32 v51, v23  }
0x11f: {  	v13 =	vmul.f32 v47, v13;
	v53 =	vpop (erf);
	v20 =	vmul.f32 v52, v29;
	v2 =	vadd.f32 v16, v2  }
0x120: {  	v10 =	vmul.f32 v48, v10;
	v54 =	vmul.f32 v53, v31;
	v55 =	vpop (erf);
	v9 =	vadd.f32 v19, v9  }
0x121: {  	v17 =	vmul.f32 v55, v30;
	v56 =	vpop (erf);
	v8 =	vadd.f32 v20, v8;
	v2 =	vadd.f32 v11, v2  }
0x122: {  	v7 =	vadd.f32 v54, v7;
	v57 =	vmul.f32 v56, v21;
	v58 =	vpop (erf);
	v9 =	vadd.f32 v14, v9  }
0x123: {  	v59 =	vmul.f32 v58, v25;
	v60 =	vpop (erf);
	v8 =	vadd.f32 v15, v8;
	v6 =	vadd.f32 v17, v6;
	[tilespmem:$0xB080] =	vst v2  }
0x124: {  	v61 =	vmul.f32 v60, v28;
	v7 =	vadd.f32 v12, v7;
	v5 =	vadd.f32 v57, v5;
	[tilespmem:$0xB090] =	vst v9  }
0x125: {  	s29 =	sshll.u32 s25, $0x9;
	v1 =	vmul.f32 v49, v1;
	v62 =	vpop (erf);
	v4 =	vadd.f32 v59, v4;
	v6 =	vadd.f32 v13, v6;
	[tilespmem:$0xB0A0] =	vst v8  }
0x126: {  	p1 =	sne.s32 s25, $0x4F;
	s28 =	sadd.s32 s10, s29;
	v0 =	vmul.f32 v62, v0;
	v2 =	vadd.f32 v61, v3;
	v63 =	vadd.f32 v10, v5;
	[tilespmem:$0xB0B0] =	vst v7  }
.Ltmp2:
0x127: {  	s29 =	sand.u32 $0x200, s29;
	s28 =	sand.u32 $0x3FFC00, s28;
	v1 =	vadd.f32 v1, v4;
	[tilespmem:$0xB0C0] =	vst v6;
	(pc) =	sbr.rel @p1 .LBB2_8-.Ltmp2, $4  }
0x128: {  	s29 =	sor.u32 s29, s28;
	v0 =	vadd.f32 v0, v2;
	[tilespmem:$0xB0D0] =	vst v63  }
0x129: {  	s29 =	sshrl.u32 s29, $0x3;
	[tilespmem:$0xB0E0] =	vst v1  }
0x12a: {  	s29 =	sadd.s32 s5, s29;
	[tilespmem:$0xB0F0] =	vst v0  }
0x12b: {  	[hbm4b:s29+s3] =	stream.linear.scatter [tilespmem:s19], [sflag:$0x3], $0x100, $0x38;
	[tilespmem:$0x1F200] =	vst v63  }
.Ltmp3:
0x12c: {  	(pc) =	sbr.rel .LBB2_9-.Ltmp3, $4  }
0x12d: {  	_ = 	snop  }
0x12e: {  	_ =	swait.ge [sflag:s20], $0x2000  }
0x12f: {  	[sflag:s20] =	ssyncset.done $0x0  }
0x130: {  	[sflag:s20] =	ssyncadd.s32 $0xFFFFE000  }
.LBB2_8:
0x131: {  	s29 =	sshll.u32 s25, $0x8  }
0x132: {  	s29 =	sand.u32 $0x3FFFFF00, s29  }
.Ltmp4:
0x133: {  	s29 =	sadd.s32 $0x100, s29;
	(pc) =	sbr.rel @p0 .LBB2_10-.Ltmp4, $4  }
0x134: {  	[tilespmem:s16], [sflag:$0x1] =	stream.indirect.gather [spmem:s2], $0x80, s29, s15, $0xb8;
	[tilespmem:$0x1F200] =	vst v63  }
0x135: {  	_ =	swait.ge [sflag:s20], $0x2000  }
0x136: {  	[sflag:s20] =	ssyncset.done $0x0  }
0x137: {  	[sflag:s20] =	ssyncadd.s32 $0xFFFFE000  }
.LBB2_9:
0x138: {  	_ =	swait.ge [sflag:s21], $0x100  }
0x139: {  	[sflag:s21] =	ssyncset.done $0x0  }
0x13a: {  	[sflag:s21] =	ssyncadd.s32 $0xFFFFFF00  }
.LBB2_10:
0x13b: {  	s30 =	simm.s32 $0x0  }
0x13c: {  	v0 =	vld [tilespmem:s30+$0x9080]  }
0x13d: {  	v1 =	vld [tilespmem:s30+$0x9090]  }
0x13e: {  	v2 =	vld [tilespmem:s30+$0x90A0]  }
0x13f: {  	v3 =	vld [tilespmem:s30+$0x90B0]  }
0x140: {  	v4 =	vld [tilespmem:s30+$0x90C0]  }
0x141: {  	v5 =	vld [tilespmem:s30+$0x90D0]  }
0x142: {  	v6 =	vld [tilespmem:s30+$0x90E0]  }
0x143: {  	s26 =	sshll.u32 s26, $0x8;
	v7 =	vld [tilespmem:s30+$0x90F0]  }
0x144: {  	s29 =	sand.u32 $0x1F00, s26;
	v8 =	vld [tilespmem:s30+$0x9000]  }
0x145: {  	v16 =	vld [tilespmem:s29+$0x5000]  }
0x146: {  	v17 =	vld [tilespmem:s29+$0x5010]  }
0x147: {  	v18 =	vld [tilespmem:s29+$0x5020]  }
0x148: {  	v19 =	vld [tilespmem:s29+$0x5030]  }
0x149: {  	v20 =	vld [tilespmem:s29+$0x5040]  }
0x14a: {  	v22 =	vld [tilespmem:s29+$0x5050]  }
0x14b: {  	v24 =	vld [tilespmem:s29+$0x5060]  }
0x14c: {  	v26 =	vld [tilespmem:s29+$0x5070]  }
0x14d: {  	v9 =	vld [tilespmem:s30+$0x9010]  }
0x14e: {  	v11 =	vadd.f32 v0, v16;
	v14 =	vadd.f32 v1, v17  }
0x14f: {  	v15 =	vadd.f32 v2, v18;
	v12 =	vadd.f32 v3, v19;
	v3 =	vld [tilespmem:s30+$0x9020]  }
0x150: {  	v13 =	vadd.f32 v4, v20;
	v10 =	vadd.f32 v5, v22;
	v4 =	vld [tilespmem:s30+$0x9030]  }
0x151: {  	v1 =	vadd.f32 v6, v24;
	v0 =	vadd.f32 v7, v26;
	v5 =	vld [tilespmem:s30+$0x9040]  }
0x152: {  	v27 =	vadd.f32 v8, v16;
	v23 =	vadd.f32 v9, v17;
	v6 =	vld [tilespmem:s30+$0x9050]  }
0x153: {  	v9 =	vld [tilespmem:s30+$0x9060];
	v7 =	vsub.f32 $0.0e+00, v11;
	v8 =	vsub.f32 $0.0e+00, v14  }
0x154: {  	v2 =	vimm.f32 $0.0e+00;
	v21 =	vsub.f32 $0.0e+00, v12;
	v34 =	vsub.f32 $0.0e+00, v23  }
0x155: {  	v7 =	vmul.f32 $1.442695020e+00, v7;
	v29 =	vadd.f32 v3, v18;
	v3 =	vsub.f32 $0.0e+00, v15  }
0x156: {  	v8 =	vmul.f32 $1.442695020e+00, v8;
	v31 =	vadd.f32 v4, v19;
	v30 =	vadd.f32 v5, v20  }
0x157: {  	v5 =	vmul.f32 $1.442695020e+00, v21;
	v21 =	vadd.f32 v6, v22;
	v6 =	vsub.f32 $0.0e+00, v13  }
0x158: {  	v4 =	vld [tilespmem:s30+$0x9070];
	v25 =	vadd.f32 v9, v24;
	(erf) = vpow2.f32 v7;
	v7 =	vsub.f32 $0.0e+00, v1  }
0x159: {  	v9 =	vsub.f32 $0.0e+00, v10;
	v3 =	vmul.f32 $1.442695020e+00, v3;
	(erf) = vpow2.f32 v8  }
0x15a: {  	v6 =	vmul.f32 $1.442695020e+00, v6;
	v8 =	vsub.f32 $0.0e+00, v0;
	v7 =	vmul.f32 $1.442695020e+00, v7  }
0x15b: {  	v35 =	vsub.f32 $0.0e+00, v29;
	(erf) = vpow2.f32 v3;
	v3 =	vmul.f32 $1.442695020e+00, v9  }
0x15c: {  	v32 =	vmul.f32 $1.442695020e+00, v8;
	v9 =	vimm.f32 $0.0e+00;
	v8 =	vimm.f32 $0.0e+00  }
0x15d: {  	(erf) = vpow2.f32 v5;
	v5 =	vsub.f32 $0.0e+00, v27;
	v28 =	vadd.f32 v4, v26  }
0x15e: {  	v4 =	vimm.f32 $0.0e+00;
	(erf) = vpow2.f32 v6;
	v6 =	vimm.f32 $0.0e+00  }
0x15f: {  	(erf) = vpow2.f32 v3;
	v33 =	vmul.f32 $1.442695020e+00, v5;
	v5 =	vimm.f32 $0.0e+00  }
0x160: {  	s30 =	simm.s32 $0x400;
	v3 =	vimm.f32 $0.0e+00;
	(erf) = vpow2.f32 v7;
	v7 =	vimm.f32 $0.0e+00  }
.LBB2_11:
0x161: {  	s31 =	sshra.s32 s30, $0x2;
	p0 =	sne.s32 s30, $0x3C00;
	v39 =	vmul.f32 $1.442695020e+00, v34;
	v36 =	vsub.f32 $0.0e+00, v31;
	(erf) = vpow2.f32 v32  }
0x162: {  	v37 =	vsub.f32 $0.0e+00, v30;
	v32 =	vld [tilespmem:s31+$0x9080];
	v41 =	vmul.f32 $1.442695020e+00, v35;
	(erf) = vpow2.f32 v33  }
0x163: {  	v38 =	vsub.f32 $0.0e+00, v21;
	v33 =	vld [tilespmem:s31+$0x9090];
	v43 =	vmul.f32 $1.442695020e+00, v36;
	(erf) = vpow2.f32 v39;
	v34 =	vpop (erf)  }
0x164: {  	v40 =	vsub.f32 $0.0e+00, v25;
	v44 =	vmul.f32 $1.442695020e+00, v37;
	v39 =	vld [tilespmem:s31+$0x90A0];
	(erf) = vpow2.f32 v41;
	v35 =	vpop (erf)  }
0x165: {  	v42 =	vsub.f32 $0.0e+00, v28;
	v45 =	vmul.f32 $1.442695020e+00, v38;
	v41 =	vld [tilespmem:s31+$0x90B0];
	(erf) = vpow2.f32 v43;
	v36 =	vpop (erf)  }
0x166: {  	v47 =	vmul.f32 $1.442695020e+00, v40;
	v43 =	vld [tilespmem:s31+$0x90C0];
	(erf) = vpow2.f32 v44;
	v37 =	vpop (erf)  }
0x167: {  	v48 =	vmul.f32 $1.442695020e+00, v42;
	v32 =	vadd.f32 v32, v16;
	v44 =	vld [tilespmem:s31+$0x90D0];
	(erf) = vpow2.f32 v45;
	v38 =	vpop (erf)  }
0x168: {  	v49 =	vadd.f32 $1.000000000e+00, v34;
	v33 =	vadd.f32 v33, v17;
	v45 =	vld [tilespmem:s31+$0x90E0];
	(erf) = vpow2.f32 v47;
	v40 =	vpop (erf)  }
0x169: {  	v47 =	vadd.f32 $1.000000000e+00, v35;
	v34 =	vadd.f32 v39, v18;
	v39 =	vld [tilespmem:s31+$0x90F0];
	(erf) = vpow2.f32 v48;
	v42 =	vpop (erf)  }
0x16a: {  	v48 =	vld [tilespmem:s31+$0x9000];
	v35 =	vadd.f32 v41, v19;
	v41 =	vadd.f32 $1.000000000e+00, v36;
	(erf) = vrcp.f32 v49;
	v46 =	vpop (erf)  }
0x16b: {  	v52 =	vadd.f32 $1.000000000e+00, v37;
	v49 =	vld [tilespmem:s31+$0x9010];
	v36 =	vadd.f32 v43, v20;
	v50 =	vpop (erf);
	(erf) = vrcp.f32 v47  }
0x16c: {  	v47 =	vld [tilespmem:s31+$0x9020];
	v37 =	vadd.f32 v44, v22;
	v44 =	vadd.f32 $1.000000000e+00, v38;
	v51 =	vpop (erf);
	(erf) = vrcp.f32 v41  }
0x16d: {  	v41 =	vadd.f32 $1.000000000e+00, v40;
	v38 =	vadd.f32 v45, v24;
	v45 =	vpop (erf);
	(erf) = vrcp.f32 v52  }
0x16e: {  	v42 =	vadd.f32 $1.000000000e+00, v42;
	v40 =	vadd.f32 v39, v26;
	v43 =	vpop (erf);
	(erf) = vrcp.f32 v44  }
0x16f: {  	v52 =	vadd.f32 $1.000000000e+00, v50;
	v39 =	vadd.f32 v48, v16;
	v48 =	vpop (erf);
	(erf) = vrcp.f32 v41  }
0x170: {  	v51 =	vadd.f32 $1.000000000e+00, v51;
	v41 =	vadd.f32 v49, v17;
	v50 =	vpop (erf);
	(erf) = vrcp.f32 v42  }
0x171: {  	v53 =	vadd.f32 $1.000000000e+00, v45;
	v42 =	vadd.f32 v47, v18;
	(erf) = vrcp.f32 v52;
	v44 =	vpop (erf)  }
0x172: {  	v55 =	vadd.f32 $1.000000000e+00, v43;
	v47 =	vsub.f32 $0.0e+00, v32;
	(erf) = vrcp.f32 v51;
	v49 =	vpop (erf)  }
0x173: {  	v57 =	vadd.f32 $1.000000000e+00, v48;
	v52 =	vsub.f32 $0.0e+00, v33;
	v51 =	vld [tilespmem:s31+$0x9030];
	(erf) = vrcp.f32 v53;
	v45 =	vpop (erf)  }
0x174: {  	v54 =	vsub.f32 $0.0e+00, v34;
	v58 =	vadd.f32 $1.000000000e+00, v50;
	v53 =	vld [tilespmem:s31+$0x9040];
	(erf) = vrcp.f32 v55;
	v43 =	vpop (erf)  }
0x175: {  	v56 =	vsub.f32 $0.0e+00, v35;
	v59 =	vadd.f32 $1.000000000e+00, v44;
	v55 =	vld [tilespmem:s31+$0x9050];
	(erf) = vrcp.f32 v57;
	v48 =	vpop (erf)  }
0x176: {  	v47 =	vmul.f32 $1.442695020e+00, v47;
	v60 =	vadd.f32 $1.000000000e+00, v49;
	v57 =	vld [tilespmem:s31+$0x9060];
	(erf) = vrcp.f32 v58;
	v50 =	vpop (erf)  }
0x177: {  	v46 =	vadd.f32 $1.000000000e+00, v46;
	v52 =	vmul.f32 $1.442695020e+00, v52;
	v58 =	vld [tilespmem:s31+$0x9070];
	(erf) = vrcp.f32 v59;
	v44 =	vpop (erf)  }
0x178: {  	v54 =	vmul.f32 $1.442695020e+00, v54;
	v51 =	vadd.f32 v51, v19;
	(erf) = vrcp.f32 v60;
	v49 =	vpop (erf)  }
0x179: {  	v56 =	vmul.f32 $1.442695020e+00, v56;
	v53 =	vadd.f32 v53, v20;
	v59 =	vpop (erf);
	(erf) = vrcp.f32 v46  }
0x17a: {  	v11 =	vmul.f32 v45, v11;
	v14 =	vmul.f32 v43, v14;
	v46 =	vadd.f32 v55, v22;
	v43 =	vpop (erf)  }
0x17b: {  	v15 =	vmul.f32 v48, v15;
	v12 =	vmul.f32 v50, v12;
	v45 =	vadd.f32 v57, v24;
	v48 =	vpop (erf)  }
0x17c: {  	v13 =	vmul.f32 v44, v13;
	v10 =	vmul.f32 v49, v10;
	v50 =	vadd.f32 v58, v26;
	v44 =	vpop (erf)  }
0x17d: {  	v49 =	vsub.f32 $0.0e+00, v36;
	v55 =	vmul.f32 v43, v27;
	v23 =	vmul.f32 v48, v23;
	v43 =	vpop (erf)  }
0x17e: {  	v48 =	vsub.f32 $0.0e+00, v37;
	v29 =	vmul.f32 v44, v29;
	v31 =	vmul.f32 v43, v31;
	v43 =	vpop (erf)  }
0x17f: {  	v2 =	vadd.f32 v55, v2;
	v9 =	vadd.f32 v23, v9;
	v23 =	vmul.f32 v43, v30;
	v27 =	vpop (erf)  }
0x180: {  	v8 =	vadd.f32 v29, v8;
	v7 =	vadd.f32 v31, v7;
	v21 =	vmul.f32 v27, v21;
	v27 =	vpop (erf)  }
0x181: {  	v2 =	vadd.f32 v11, v2;
	v9 =	vadd.f32 v14, v9;
	v25 =	vmul.f32 v27, v25;
	v11 =	vpop (erf)  }
0x182: {  	v8 =	vadd.f32 v15, v8;
	v27 =	vmul.f32 v11, v28;
	v7 =	vadd.f32 v12, v7;
	v12 =	vpop (erf)  }
0x183: {  	v1 =	vmul.f32 v59, v1;
	v6 =	vadd.f32 v23, v6;
	v5 =	vadd.f32 v21, v5;
	v11 =	vmovc v32  }
0x184: {  	v14 =	vmovc v33;
	v4 =	vadd.f32 v25, v4;
	v23 =	vmul.f32 v12, v0;
	v3 =	vadd.f32 v27, v3  }
0x185: {  	v15 =	vmovc v34;
	v6 =	vadd.f32 v13, v6;
	v12 =	vmovc v35;
	v5 =	vadd.f32 v10, v5;
	(erf) = vpow2.f32 v47  }
0x186: {  	v13 =	vmovc v36;
	v10 =	vmovc v37;
	v4 =	vadd.f32 v1, v4;
	(erf) = vpow2.f32 v52;
	v3 =	vadd.f32 v23, v3  }
.Ltmp5:
0x187: {  	v36 =	vmul.f32 $1.442695020e+00, v49;
	v25 =	vsub.f32 $0.0e+00, v38;
	v0 =	vmovc v40;
	v1 =	vmovc v38;
	(erf) = vpow2.f32 v54;
	(pc) =	sbr.rel @p0 .LBB2_11-.Ltmp5, $4  }
0x188: {  	v35 =	vsub.f32 $0.0e+00, v0;
	v38 =	vmul.f32 $1.442695020e+00, v48;
	v27 =	vmovc v39;
	v23 =	vmovc v41;
	(erf) = vpow2.f32 v56  }
0x189: {  	v29 =	vmovc v42;
	v31 =	vmovc v51;
	v37 =	vmul.f32 $1.442695020e+00, v25;
	v33 =	vsub.f32 $0.0e+00, v27;
	(erf) = vpow2.f32 v36  }
0x18a: {  	v30 =	vmovc v53;
	v21 =	vmovc v46;
	v32 =	vmul.f32 $1.442695020e+00, v35;
	v34 =	vsub.f32 $0.0e+00, v23;
	(erf) = vpow2.f32 v38  }
0x18b: {  	s30 =	sadd.s32 $0x400, s30;
	v28 =	vmovc v50;
	v35 =	vsub.f32 $0.0e+00, v29;
	v25 =	vmovc v45;
	v33 =	vmul.f32 $1.442695020e+00, v33;
	(erf) = vpow2.f32 v37  }
0x18c: {  	v16 =	vmul.f32 $1.442695020e+00, v34;
	v17 =	vsub.f32 $0.0e+00, v31  }
0x18d: {  	v19 =	vsub.f32 $0.0e+00, v30;
	v18 =	vmul.f32 $1.442695020e+00, v35  }
0x18e: {  	(erf) = vpow2.f32 v32;
	v20 =	vsub.f32 $0.0e+00, v21;
	v17 =	vmul.f32 $1.442695020e+00, v17  }
0x18f: {  	v22 =	vsub.f32 $0.0e+00, v25;
	(erf) = vpow2.f32 v33;
	v19 =	vmul.f32 $1.442695020e+00, v19  }
0x190: {  	v24 =	vsub.f32 $0.0e+00, v28;
	(erf) = vpow2.f32 v16;
	v20 =	vmul.f32 $1.442695020e+00, v20;
	v16 =	vpop (erf)  }
0x191: {  	v22 =	vmul.f32 $1.442695020e+00, v22;
	(erf) = vpow2.f32 v18;
	v18 =	vpop (erf)  }
0x192: {  	v24 =	vmul.f32 $1.442695020e+00, v24;
	(erf) = vpow2.f32 v17;
	v17 =	vpop (erf)  }
0x193: {  	v16 =	vadd.f32 $1.000000000e+00, v16;
	(erf) = vpow2.f32 v19;
	v19 =	vpop (erf)  }
0x194: {  	(erf) = vpow2.f32 v20;
	v20 =	vpop (erf)  }
0x195: {  	(erf) = vpow2.f32 v22;
	v22 =	vpop (erf)  }
0x196: {  	v18 =	vadd.f32 $1.000000000e+00, v18;
	(erf) = vpow2.f32 v24;
	v24 =	vpop (erf)  }
0x197: {  	v17 =	vadd.f32 $1.000000000e+00, v17;
	(erf) = vrcp.f32 v16;
	v16 =	vpop (erf)  }
0x198: {  	v19 =	vadd.f32 $1.000000000e+00, v19;
	(erf) = vrcp.f32 v18;
	v26 =	vpop (erf)  }
0x199: {  	v18 =	vadd.f32 $1.000000000e+00, v20;
	(erf) = vrcp.f32 v17;
	v20 =	vpop (erf)  }
0x19a: {  	v17 =	vadd.f32 $1.000000000e+00, v22;
	v22 =	vpop (erf);
	(erf) = vrcp.f32 v19  }
0x19b: {  	v19 =	vadd.f32 $1.000000000e+00, v24;
	v24 =	vpop (erf);
	(erf) = vrcp.f32 v18;
	v18 =	vadd.f32 $1.000000000e+00, v26  }
0x19c: {  	v26 =	vpop (erf);
	(erf) = vrcp.f32 v17;
	v17 =	vadd.f32 $1.000000000e+00, v20  }
0x19d: {  	v20 =	vpop (erf);
	(erf) = vrcp.f32 v19;
	v19 =	vadd.f32 $1.000000000e+00, v22  }
0x19e: {  	v22 =	vadd.f32 $1.000000000e+00, v24  }
0x19f: {  	v24 =	vadd.f32 $1.000000000e+00, v26;
	(erf) = vrcp.f32 v18;
	v18 =	vpop (erf)  }
0x1a0: {  	v20 =	vadd.f32 $1.000000000e+00, v20;
	(erf) = vrcp.f32 v17;
	v17 =	vpop (erf)  }
0x1a1: {  	(erf) = vrcp.f32 v19;
	v18 =	vadd.f32 $1.000000000e+00, v18;
	v19 =	vpop (erf)  }
0x1a2: {  	(erf) = vrcp.f32 v22;
	v17 =	vadd.f32 $1.000000000e+00, v17;
	v22 =	vpop (erf)  }
0x1a3: {  	(erf) = vrcp.f32 v24;
	v24 =	vpop (erf)  }
0x1a4: {  	v16 =	vadd.f32 $1.000000000e+00, v16;
	(erf) = vrcp.f32 v20;
	v20 =	vpop (erf)  }
0x1a5: {  	(erf) = vrcp.f32 v18;
	v18 =	vpop (erf)  }
0x1a6: {  	(erf) = vrcp.f32 v17;
	v17 =	vpop (erf)  }
0x1a7: {  	v26 =	vpop (erf)  }
0x1a8: {  	(erf) = vrcp.f32 v16;
	v16 =	vpop (erf)  }
0x1a9: {  	v11 =	vmul.f32 v19, v11;
	v19 =	vpop (erf)  }
0x1aa: {  	v12 =	vmul.f32 v20, v12;
	v16 =	vmul.f32 v16, v27;
	v20 =	vpop (erf)  }
0x1ab: {  	v13 =	vmul.f32 v18, v13;
	v19 =	vmul.f32 v19, v23;
	v18 =	vpop (erf)  }
0x1ac: {  	v20 =	vmul.f32 v20, v29;
	v2 =	vadd.f32 v16, v2;
	v16 =	vmul.f32 v18, v31  }
0x1ad: {  	v14 =	vmul.f32 v22, v14;
	v9 =	vadd.f32 v19, v9  }
0x1ae: {  	v15 =	vmul.f32 v24, v15;
	v10 =	vmul.f32 v17, v10;
	v17 =	vpop (erf);
	v8 =	vadd.f32 v20, v8  }
0x1af: {  	v17 =	vmul.f32 v17, v30;
	v18 =	vpop (erf);
	v2 =	vadd.f32 v11, v2;
	v9 =	vadd.f32 v14, v9  }
0x1b0: {  	v7 =	vadd.f32 v16, v7;
	v11 =	vmul.f32 v18, v21;
	v16 =	vpop (erf)  }
0x1b1: {  	v8 =	vadd.f32 v15, v8;
	v6 =	vadd.f32 v17, v6;
	[tilespmem:$0xB100] =	vst v2;
	v14 =	vmul.f32 v16, v25;
	v16 =	vpop (erf)  }
0x1b2: {  	v7 =	vadd.f32 v12, v7;
	v5 =	vadd.f32 v11, v5;
	[tilespmem:$0xB110] =	vst v9;
	v2 =	vmul.f32 v16, v28  }
0x1b3: {  	v1 =	vmul.f32 v26, v1;
	v6 =	vadd.f32 v13, v6;
	[tilespmem:$0xB120] =	vst v8;
	v9 =	vpop (erf);
	v4 =	vadd.f32 v14, v4  }
0x1b4: {  	[tilespmem:$0xB130] =	vst v7;
	v0 =	vmul.f32 v9, v0;
	v2 =	vadd.f32 v2, v3;
	v3 =	vadd.f32 v10, v5  }
0x1b5: {  	[tilespmem:$0xB140] =	vst v6;
	v1 =	vadd.f32 v1, v4  }
0x1b6: {  	v0 =	vadd.f32 v0, v2;
	[tilespmem:$0xB150] =	vst v3  }
0x1b7: {  	[tilespmem:$0xB160] =	vst v1  }
0x1b8: {  	[tilespmem:$0xB170] =	vst v0  }
0x1b9: {  	v16 =	vld [tilespmem:s29+$0x5080]  }
0x1ba: {  	v17 =	vld [tilespmem:s29+$0x5090]  }
0x1bb: {  	v18 =	vld [tilespmem:s29+$0x50A0]  }
0x1bc: {  	v19 =	vld [tilespmem:s29+$0x50B0]  }
0x1bd: {  	v20 =	vld [tilespmem:s29+$0x50C0]  }
0x1be: {  	v22 =	vld [tilespmem:s29+$0x50D0]  }
0x1bf: {  	v24 =	vld [tilespmem:s29+$0x50E0]  }
0x1c0: {  	v26 =	vld [tilespmem:s29+$0x50F0];
	s29 =	simm.s32 $0x0  }
0x1c1: {  	v0 =	vld [tilespmem:s29+$0xA080]  }
0x1c2: {  	v1 =	vld [tilespmem:s29+$0xA090]  }
0x1c3: {  	v2 =	vld [tilespmem:s29+$0xA0A0]  }
0x1c4: {  	v3 =	vld [tilespmem:s29+$0xA0B0]  }
0x1c5: {  	v4 =	vld [tilespmem:s29+$0xA0C0]  }
0x1c6: {  	v5 =	vld [tilespmem:s29+$0xA0D0]  }
0x1c7: {  	v6 =	vld [tilespmem:s29+$0xA0E0]  }
0x1c8: {  	v7 =	vld [tilespmem:s29+$0xA0F0]  }
0x1c9: {  	v8 =	vld [tilespmem:s29+$0xA000]  }
0x1ca: {  	v9 =	vld [tilespmem:s29+$0xA010]  }
0x1cb: {  	v11 =	vadd.f32 v0, v16;
	v14 =	vadd.f32 v1, v17  }
0x1cc: {  	v15 =	vadd.f32 v2, v18;
	v12 =	vadd.f32 v3, v19;
	v3 =	vld [tilespmem:s29+$0xA020]  }
0x1cd: {  	v13 =	vadd.f32 v4, v20;
	v10 =	vadd.f32 v5, v22;
	v4 =	vld [tilespmem:s29+$0xA030]  }
0x1ce: {  	v1 =	vadd.f32 v6, v24;
	v0 =	vadd.f32 v7, v26;
	v5 =	vld [tilespmem:s29+$0xA040]  }
0x1cf: {  	v27 =	vadd.f32 v8, v16;
	v23 =	vadd.f32 v9, v17;
	v6 =	vld [tilespmem:s29+$0xA050]  }
0x1d0: {  	v9 =	vld [tilespmem:s29+$0xA060];
	v7 =	vsub.f32 $0.0e+00, v11;
	v8 =	vsub.f32 $0.0e+00, v14  }
0x1d1: {  	v2 =	vimm.f32 $0.0e+00;
	v21 =	vsub.f32 $0.0e+00, v12;
	v34 =	vsub.f32 $0.0e+00, v23  }
0x1d2: {  	v7 =	vmul.f32 $1.442695020e+00, v7;
	v29 =	vadd.f32 v3, v18;
	v3 =	vsub.f32 $0.0e+00, v15  }
0x1d3: {  	v8 =	vmul.f32 $1.442695020e+00, v8;
	v31 =	vadd.f32 v4, v19;
	v30 =	vadd.f32 v5, v20  }
0x1d4: {  	v5 =	vmul.f32 $1.442695020e+00, v21;
	v21 =	vadd.f32 v6, v22;
	v6 =	vsub.f32 $0.0e+00, v13  }
0x1d5: {  	v4 =	vld [tilespmem:s29+$0xA070];
	v25 =	vadd.f32 v9, v24;
	(erf) = vpow2.f32 v7;
	v7 =	vsub.f32 $0.0e+00, v1  }
0x1d6: {  	v9 =	vsub.f32 $0.0e+00, v10;
	v3 =	vmul.f32 $1.442695020e+00, v3;
	(erf) = vpow2.f32 v8  }
0x1d7: {  	v6 =	vmul.f32 $1.442695020e+00, v6;
	v8 =	vsub.f32 $0.0e+00, v0;
	v7 =	vmul.f32 $1.442695020e+00, v7  }
0x1d8: {  	v35 =	vsub.f32 $0.0e+00, v29;
	(erf) = vpow2.f32 v3;
	v3 =	vmul.f32 $1.442695020e+00, v9  }
0x1d9: {  	v32 =	vmul.f32 $1.442695020e+00, v8;
	v9 =	vimm.f32 $0.0e+00;
	v8 =	vimm.f32 $0.0e+00  }
0x1da: {  	(erf) = vpow2.f32 v5;
	v5 =	vsub.f32 $0.0e+00, v27;
	v28 =	vadd.f32 v4, v26  }
0x1db: {  	v4 =	vimm.f32 $0.0e+00;
	(erf) = vpow2.f32 v6;
	v6 =	vimm.f32 $0.0e+00  }
0x1dc: {  	(erf) = vpow2.f32 v3;
	v33 =	vmul.f32 $1.442695020e+00, v5;
	v5 =	vimm.f32 $0.0e+00  }
0x1dd: {  	s29 =	simm.s32 $0x400;
	v3 =	vimm.f32 $0.0e+00;
	(erf) = vpow2.f32 v7;
	v7 =	vimm.f32 $0.0e+00  }
.LBB2_13:
0x1de: {  	s30 =	sshra.s32 s29, $0x2;
	p0 =	sne.s32 s29, $0x3C00;
	v39 =	vmul.f32 $1.442695020e+00, v34;
	v36 =	vsub.f32 $0.0e+00, v31;
	(erf) = vpow2.f32 v32  }
0x1df: {  	v37 =	vsub.f32 $0.0e+00, v30;
	v32 =	vld [tilespmem:s30+$0xA080];
	v41 =	vmul.f32 $1.442695020e+00, v35;
	(erf) = vpow2.f32 v33  }
0x1e0: {  	v38 =	vsub.f32 $0.0e+00, v21;
	v33 =	vld [tilespmem:s30+$0xA090];
	v43 =	vmul.f32 $1.442695020e+00, v36;
	(erf) = vpow2.f32 v39;
	v34 =	vpop (erf)  }
0x1e1: {  	v40 =	vsub.f32 $0.0e+00, v25;
	v44 =	vmul.f32 $1.442695020e+00, v37;
	v39 =	vld [tilespmem:s30+$0xA0A0];
	(erf) = vpow2.f32 v41;
	v35 =	vpop (erf)  }
0x1e2: {  	v42 =	vsub.f32 $0.0e+00, v28;
	v45 =	vmul.f32 $1.442695020e+00, v38;
	v41 =	vld [tilespmem:s30+$0xA0B0];
	(erf) = vpow2.f32 v43;
	v36 =	vpop (erf)  }
0x1e3: {  	v47 =	vmul.f32 $1.442695020e+00, v40;
	v43 =	vld [tilespmem:s30+$0xA0C0];
	(erf) = vpow2.f32 v44;
	v37 =	vpop (erf)  }
0x1e4: {  	v48 =	vmul.f32 $1.442695020e+00, v42;
	v32 =	vadd.f32 v32, v16;
	v44 =	vld [tilespmem:s30+$0xA0D0];
	(erf) = vpow2.f32 v45;
	v38 =	vpop (erf)  }
0x1e5: {  	v49 =	vadd.f32 $1.000000000e+00, v34;
	v33 =	vadd.f32 v33, v17;
	v45 =	vld [tilespmem:s30+$0xA0E0];
	(erf) = vpow2.f32 v47;
	v40 =	vpop (erf)  }
0x1e6: {  	v47 =	vadd.f32 $1.000000000e+00, v35;
	v34 =	vadd.f32 v39, v18;
	v39 =	vld [tilespmem:s30+$0xA0F0];
	(erf) = vpow2.f32 v48;
	v42 =	vpop (erf)  }
0x1e7: {  	v48 =	vld [tilespmem:s30+$0xA000];
	v35 =	vadd.f32 v41, v19;
	v41 =	vadd.f32 $1.000000000e+00, v36;
	(erf) = vrcp.f32 v49;
	v46 =	vpop (erf)  }
0x1e8: {  	v52 =	vadd.f32 $1.000000000e+00, v37;
	v49 =	vld [tilespmem:s30+$0xA010];
	v36 =	vadd.f32 v43, v20;
	v50 =	vpop (erf);
	(erf) = vrcp.f32 v47  }
0x1e9: {  	v47 =	vld [tilespmem:s30+$0xA020];
	v37 =	vadd.f32 v44, v22;
	v44 =	vadd.f32 $1.000000000e+00, v38;
	v51 =	vpop (erf);
	(erf) = vrcp.f32 v41  }
0x1ea: {  	v41 =	vadd.f32 $1.000000000e+00, v40;
	v38 =	vadd.f32 v45, v24;
	v45 =	vpop (erf);
	(erf) = vrcp.f32 v52  }
0x1eb: {  	v42 =	vadd.f32 $1.000000000e+00, v42;
	v40 =	vadd.f32 v39, v26;
	v43 =	vpop (erf);
	(erf) = vrcp.f32 v44  }
0x1ec: {  	v52 =	vadd.f32 $1.000000000e+00, v50;
	v39 =	vadd.f32 v48, v16;
	v48 =	vpop (erf);
	(erf) = vrcp.f32 v41  }
0x1ed: {  	v51 =	vadd.f32 $1.000000000e+00, v51;
	v41 =	vadd.f32 v49, v17;
	v50 =	vpop (erf);
	(erf) = vrcp.f32 v42  }
0x1ee: {  	v53 =	vadd.f32 $1.000000000e+00, v45;
	v42 =	vadd.f32 v47, v18;
	(erf) = vrcp.f32 v52;
	v44 =	vpop (erf)  }
0x1ef: {  	v55 =	vadd.f32 $1.000000000e+00, v43;
	v47 =	vsub.f32 $0.0e+00, v32;
	(erf) = vrcp.f32 v51;
	v49 =	vpop (erf)  }
0x1f0: {  	v57 =	vadd.f32 $1.000000000e+00, v48;
	v52 =	vsub.f32 $0.0e+00, v33;
	v51 =	vld [tilespmem:s30+$0xA030];
	(erf) = vrcp.f32 v53;
	v45 =	vpop (erf)  }
0x1f1: {  	v54 =	vsub.f32 $0.0e+00, v34;
	v58 =	vadd.f32 $1.000000000e+00, v50;
	v53 =	vld [tilespmem:s30+$0xA040];
	(erf) = vrcp.f32 v55;
	v43 =	vpop (erf)  }
0x1f2: {  	v56 =	vsub.f32 $0.0e+00, v35;
	v59 =	vadd.f32 $1.000000000e+00, v44;
	v55 =	vld [tilespmem:s30+$0xA050];
	(erf) = vrcp.f32 v57;
	v48 =	vpop (erf)  }
0x1f3: {  	v47 =	vmul.f32 $1.442695020e+00, v47;
	v60 =	vadd.f32 $1.000000000e+00, v49;
	v57 =	vld [tilespmem:s30+$0xA060];
	(erf) = vrcp.f32 v58;
	v50 =	vpop (erf)  }
0x1f4: {  	v46 =	vadd.f32 $1.000000000e+00, v46;
	v52 =	vmul.f32 $1.442695020e+00, v52;
	v58 =	vld [tilespmem:s30+$0xA070];
	(erf) = vrcp.f32 v59;
	v44 =	vpop (erf)  }
0x1f5: {  	v54 =	vmul.f32 $1.442695020e+00, v54;
	v51 =	vadd.f32 v51, v19;
	(erf) = vrcp.f32 v60;
	v49 =	vpop (erf)  }
0x1f6: {  	v56 =	vmul.f32 $1.442695020e+00, v56;
	v53 =	vadd.f32 v53, v20;
	v59 =	vpop (erf);
	(erf) = vrcp.f32 v46  }
0x1f7: {  	v11 =	vmul.f32 v45, v11;
	v14 =	vmul.f32 v43, v14;
	v46 =	vadd.f32 v55, v22;
	v43 =	vpop (erf)  }
0x1f8: {  	v15 =	vmul.f32 v48, v15;
	v12 =	vmul.f32 v50, v12;
	v45 =	vadd.f32 v57, v24;
	v48 =	vpop (erf)  }
0x1f9: {  	v13 =	vmul.f32 v44, v13;
	v10 =	vmul.f32 v49, v10;
	v50 =	vadd.f32 v58, v26;
	v44 =	vpop (erf)  }
0x1fa: {  	v49 =	vsub.f32 $0.0e+00, v36;
	v55 =	vmul.f32 v43, v27;
	v23 =	vmul.f32 v48, v23;
	v43 =	vpop (erf)  }
0x1fb: {  	v48 =	vsub.f32 $0.0e+00, v37;
	v29 =	vmul.f32 v44, v29;
	v31 =	vmul.f32 v43, v31;
	v43 =	vpop (erf)  }
0x1fc: {  	v2 =	vadd.f32 v55, v2;
	v9 =	vadd.f32 v23, v9;
	v23 =	vmul.f32 v43, v30;
	v27 =	vpop (erf)  }
0x1fd: {  	v8 =	vadd.f32 v29, v8;
	v7 =	vadd.f32 v31, v7;
	v21 =	vmul.f32 v27, v21;
	v27 =	vpop (erf)  }
0x1fe: {  	v2 =	vadd.f32 v11, v2;
	v9 =	vadd.f32 v14, v9;
	v25 =	vmul.f32 v27, v25;
	v11 =	vpop (erf)  }
0x1ff: {  	v8 =	vadd.f32 v15, v8;
	v27 =	vmul.f32 v11, v28;
	v7 =	vadd.f32 v12, v7;
	v12 =	vpop (erf)  }
0x200: {  	v1 =	vmul.f32 v59, v1;
	v6 =	vadd.f32 v23, v6;
	v5 =	vadd.f32 v21, v5;
	v11 =	vmovc v32  }
0x201: {  	v14 =	vmovc v33;
	v4 =	vadd.f32 v25, v4;
	v23 =	vmul.f32 v12, v0;
	v3 =	vadd.f32 v27, v3  }
0x202: {  	v15 =	vmovc v34;
	v6 =	vadd.f32 v13, v6;
	v12 =	vmovc v35;
	v5 =	vadd.f32 v10, v5;
	(erf) = vpow2.f32 v47  }
0x203: {  	v13 =	vmovc v36;
	v10 =	vmovc v37;
	v4 =	vadd.f32 v1, v4;
	(erf) = vpow2.f32 v52;
	v3 =	vadd.f32 v23, v3  }
.Ltmp6:
0x204: {  	v36 =	vmul.f32 $1.442695020e+00, v49;
	v25 =	vsub.f32 $0.0e+00, v38;
	v0 =	vmovc v40;
	v1 =	vmovc v38;
	(erf) = vpow2.f32 v54;
	(pc) =	sbr.rel @p0 .LBB2_13-.Ltmp6, $4  }
0x205: {  	v35 =	vsub.f32 $0.0e+00, v0;
	v38 =	vmul.f32 $1.442695020e+00, v48;
	v27 =	vmovc v39;
	v23 =	vmovc v41;
	(erf) = vpow2.f32 v56  }
0x206: {  	v29 =	vmovc v42;
	v31 =	vmovc v51;
	v37 =	vmul.f32 $1.442695020e+00, v25;
	v33 =	vsub.f32 $0.0e+00, v27;
	(erf) = vpow2.f32 v36  }
0x207: {  	v30 =	vmovc v53;
	v21 =	vmovc v46;
	v32 =	vmul.f32 $1.442695020e+00, v35;
	v34 =	vsub.f32 $0.0e+00, v23;
	(erf) = vpow2.f32 v38  }
0x208: {  	s29 =	sadd.s32 $0x400, s29;
	v28 =	vmovc v50;
	v35 =	vsub.f32 $0.0e+00, v29;
	v25 =	vmovc v45;
	v33 =	vmul.f32 $1.442695020e+00, v33;
	(erf) = vpow2.f32 v37  }
0x209: {  	v16 =	vmul.f32 $1.442695020e+00, v34;
	v17 =	vsub.f32 $0.0e+00, v31;
	(erf) = vpow2.f32 v32  }
0x20a: {  	v19 =	vsub.f32 $0.0e+00, v30;
	v18 =	vmul.f32 $1.442695020e+00, v35;
	(erf) = vpow2.f32 v33  }
0x20b: {  	v20 =	vsub.f32 $0.0e+00, v21;
	v17 =	vmul.f32 $1.442695020e+00, v17;
	(erf) = vpow2.f32 v16;
	v52 =	vpop (erf)  }
0x20c: {  	v22 =	vsub.f32 $0.0e+00, v25;
	v19 =	vmul.f32 $1.442695020e+00, v19;
	(erf) = vpow2.f32 v18;
	v53 =	vpop (erf)  }
0x20d: {  	v24 =	vsub.f32 $0.0e+00, v28;
	v20 =	vmul.f32 $1.442695020e+00, v20;
	(erf) = vpow2.f32 v17;
	v54 =	vpop (erf)  }
0x20e: {  	v22 =	vmul.f32 $1.442695020e+00, v22;
	(erf) = vpow2.f32 v19;
	v55 =	vpop (erf)  }
0x20f: {  	v24 =	vmul.f32 $1.442695020e+00, v24;
	(erf) = vpow2.f32 v20;
	v56 =	vpop (erf)  }
0x210: {  	v16 =	vadd.f32 $1.000000000e+00, v52;
	(erf) = vpow2.f32 v22;
	v57 =	vpop (erf)  }
0x211: {  	v18 =	vadd.f32 $1.000000000e+00, v53;
	(erf) = vpow2.f32 v24;
	v58 =	vpop (erf)  }
0x212: {  	v17 =	vadd.f32 $1.000000000e+00, v54;
	(erf) = vrcp.f32 v16;
	v59 =	vpop (erf)  }
0x213: {  	v19 =	vadd.f32 $1.000000000e+00, v55;
	v26 =	vpop (erf);
	(erf) = vrcp.f32 v18  }
0x214: {  	v60 =	vadd.f32 $1.000000000e+00, v56;
	v61 =	vpop (erf);
	(erf) = vrcp.f32 v17  }
0x215: {  	v62 =	vadd.f32 $1.000000000e+00, v57;
	v63 =	vpop (erf);
	(erf) = vrcp.f32 v19  }
0x216: {  	v32 =	vadd.f32 $1.000000000e+00, v58;
	v33 =	vpop (erf);
	(erf) = vrcp.f32 v60  }
0x217: {  	v34 =	vadd.f32 $1.000000000e+00, v26;
	v35 =	vpop (erf);
	(erf) = vrcp.f32 v62  }
0x218: {  	v36 =	vadd.f32 $1.000000000e+00, v61;
	v37 =	vpop (erf);
	(erf) = vrcp.f32 v32  }
0x219: {  	v38 =	vadd.f32 $1.000000000e+00, v63;
	(erf) = vrcp.f32 v34;
	v39 =	vpop (erf)  }
0x21a: {  	v40 =	vadd.f32 $1.000000000e+00, v33;
	(erf) = vrcp.f32 v36;
	v41 =	vpop (erf)  }
0x21b: {  	v42 =	vadd.f32 $1.000000000e+00, v35;
	(erf) = vrcp.f32 v38;
	v43 =	vpop (erf)  }
0x21c: {  	v20 =	vadd.f32 $1.000000000e+00, v37;
	(erf) = vrcp.f32 v40;
	v44 =	vpop (erf)  }
0x21d: {  	v18 =	vadd.f32 $1.000000000e+00, v39;
	(erf) = vrcp.f32 v42;
	v45 =	vpop (erf)  }
0x21e: {  	v17 =	vadd.f32 $1.000000000e+00, v41;
	(erf) = vrcp.f32 v20;
	v46 =	vpop (erf)  }
0x21f: {  	(erf) = vrcp.f32 v18;
	v47 =	vpop (erf)  }
0x220: {  	v16 =	vadd.f32 $1.000000000e+00, v59;
	(erf) = vrcp.f32 v17;
	v48 =	vpop (erf)  }
0x221: {  	v11 =	vmul.f32 v43, v11;
	v49 =	vpop (erf)  }
0x222: {  	v14 =	vmul.f32 v44, v14;
	(erf) = vrcp.f32 v16;
	v50 =	vpop (erf)  }
0x223: {  	v15 =	vmul.f32 v45, v15;
	v51 =	vpop (erf);
	v16 =	vmul.f32 v50, v27  }
0x224: {  	v12 =	vmul.f32 v46, v12;
	v52 =	vpop (erf);
	v19 =	vmul.f32 v51, v23  }
0x225: {  	v13 =	vmul.f32 v47, v13;
	v53 =	vpop (erf);
	v20 =	vmul.f32 v52, v29;
	v2 =	vadd.f32 v16, v2  }
0x226: {  	v10 =	vmul.f32 v48, v10;
	v54 =	vmul.f32 v53, v31;
	v55 =	vpop (erf);
	v9 =	vadd.f32 v19, v9  }
0x227: {  	v17 =	vmul.f32 v55, v30;
	v56 =	vpop (erf);
	v8 =	vadd.f32 v20, v8;
	v2 =	vadd.f32 v11, v2  }
0x228: {  	v7 =	vadd.f32 v54, v7;
	v57 =	vmul.f32 v56, v21;
	v58 =	vpop (erf);
	v9 =	vadd.f32 v14, v9  }
0x229: {  	v59 =	vmul.f32 v58, v25;
	v60 =	vpop (erf);
	v8 =	vadd.f32 v15, v8;
	v6 =	vadd.f32 v17, v6;
	[tilespmem:$0xB180] =	vst v2  }
0x22a: {  	v61 =	vmul.f32 v60, v28;
	v7 =	vadd.f32 v12, v7;
	v5 =	vadd.f32 v57, v5;
	[tilespmem:$0xB190] =	vst v9  }
0x22b: {  	s25 =	sadd.s32 $0x1, s25;
	v1 =	vmul.f32 v49, v1;
	v62 =	vpop (erf);
	v4 =	vadd.f32 v59, v4;
	v6 =	vadd.f32 v13, v6;
	[tilespmem:$0xB1A0] =	vst v8  }
0x22c: {  	p0 =	sne.s32 s25, $0x50;
	v0 =	vmul.f32 v62, v0;
	v2 =	vadd.f32 v61, v3;
	v63 =	vadd.f32 v10, v5;
	[tilespmem:$0xB1B0] =	vst v7  }
.Ltmp7:
0x22d: {  	s26 =	sand.u32 $0x300, s26;
	v1 =	vadd.f32 v1, v4;
	[tilespmem:$0xB1C0] =	vst v6;
	(pc) =	sbr.rel @p0 .LBB2_2-.Ltmp7, $4  }
0x22e: {  	s26 =	sor.u32 s28, s26;
	v0 =	vadd.f32 v0, v2;
	[tilespmem:$0xB1D0] =	vst v63  }
0x22f: {  	s26 =	sshrl.u32 s26, $0x3;
	[tilespmem:$0xB1E0] =	vst v1  }
0x230: {  	s26 =	sadd.s32 s5, s26;
	[tilespmem:$0xB1F0] =	vst v0  }
0x231: {  	[hbm4b:s26+s3] =	stream.linear.scatter [tilespmem:s22], [sflag:$0x4], $0x100, $0x38;
	[tilespmem:$0x1F200] =	vst v63  }
0x232: {  	s24 =	sadd.s32 $0x1, s24  }
0x233: {  	_ =	swait.ge [sflag:s23], $0x100;
	p0 =	sne.s32 s24, s11  }
.Ltmp8:
0x234: {  	[sflag:s23] =	ssyncset.done $0x0;
	(pc) =	sbr.rel @p0 .LBB2_1-.Ltmp8, $4  }
0x235: {  	[sflag:s23] =	ssyncadd.s32 $0xFFFFFF00  }
0x236: {  	_ =	swait.ge [sflag:s21], $0x100  }
0x237: {  	[sflag:s21] =	ssyncset.done $0x0  }
0x238: {  	[sflag:s21] =	ssyncadd.s32 $0xFFFFFF00  }
0x239: {  	_ =	sfence.sel $0x180000  }
0x23a: {  	[bflag:$0x0] =	sbarrier.arrive $0xFFFF  }
0x23b: {  	p0 =	sne.s32 s1, $0x0;
	_ =	strace $0x90000047  }
0x23c: {  	s0 =	sadd.s32 @!p0 $0x100000, s0;
	[bflag:$0x2] =	sbarrier.arrive $0xFFFF  }
0x23d: {  	[sflag:s0] =	ssyncadd.tile.s32 @!p0 $0x1;
	_ =	shalt  }
.Lfunc_end2:
_tile_overlayer_lowered:
.L_overlay_start_2:
0x23e: {  	(tag) =	ssettag $0x2  }
0x23f: {  	s0 =	rddreg [dreg:$0x0];
	s2 =	stileid.u32  }
0x240: {  	s1 =	rddreg [dreg:$0x1];
	p0 =	sne.s32 s2, $0x0  }
0x241: {  	s3 =	rddreg [dreg:$0x2];
	[bflag:$0x3] =	sbarrier.arrive $0xFFFF;
	s2 =	simm.s32 @!p0 $0x1C05  }
0x242: {  	[timem:s3], [sflag:s2] =	dma.local @!p0 [hbm:s0], s1  }
0x243: {  	s0 =	simm.s32 @!p0 $0x5  }
0x244: {  	_ =	swait.ge @!p0 [sflag:s0], s1  }
0x245: {  	s1 =	ssub.s32 @!p0 $0x0, s1;
	[sflag:s0] =	ssyncset.done @!p0 $0x0  }
0x246: {  	[sflag:s0] =	ssyncadd.s32 @!p0 s1  }
0x247: {  	[bflag:$0x3] =	sbarrier.arrive $0xFFFF  }
0x248: {  	_ =	shalt  }

</sc_bundles>
